<compile_context>
chip_gen: v7x
topology: tpu7x:2x2x1
jax: 0.10.2.dev20260603
libtpu: 0.0.44.dev20260713+nightly
codegen_flags: <defaults>
</compile_context>

<pallas_src>
import functools

import jax
import jax.numpy as jnp
from jax import lax
from jax.experimental import pallas as pl
from jax.experimental.pallas import tpu as pltpu
from jax.experimental.pallas import tpu_sc as plsc

_OUT_D = 64
_MAX_POS = 1024
_CHUNK = 128


def _pos_freqs(nt: int) -> jnp.ndarray:
    dim = _OUT_D
    inv = 1.0 / (10000.0 ** (jnp.arange(0, dim, 2)[: dim // 2].astype(jnp.float32) / dim))
    pos = jnp.minimum(jnp.arange(nt, dtype=jnp.float32), float(_MAX_POS - 1))
    f = pos[:, None] * inv[None, :]
    return jnp.concatenate([jnp.cos(f), jnp.sin(f)], axis=-1)


def kernel(text, text_embed_weight):
    b, nt = text.shape
    d = text_embed_weight.shape[1]
    total = b * nt

    info = plsc.get_sparse_core_info()
    nc, ns = info.num_cores, info.num_subcores
    nw = nc * ns
    per_w = total // nw
    nchunk = per_w // _CHUNK
    assert d == _OUT_D
    assert per_w * nw == total
    assert nchunk * _CHUNK == per_w
    assert per_w % nt == 0
    assert nchunk % 3 == 0 or nchunk % 3 == 2

    fq2 = jnp.concatenate([_pos_freqs(nt)] * 2, axis=0)

    idx = text.reshape(nw, nchunk, _CHUNK).astype(jnp.int32)

    mesh = plsc.VectorSubcoreMesh(core_axis_name="c", subcore_axis_name="s")

    @functools.partial(
        pl.kernel,
        mesh=mesh,
        compiler_params=pltpu.CompilerParams(use_tc_tiling_on_sc=False),
        out_type=jax.ShapeDtypeStruct((total, d), jnp.float32),
        scratch_types=[
            pltpu.VMEM((nchunk, _CHUNK), jnp.int32),
            pltpu.VMEM((2 * nt, d), jnp.float32),
            pltpu.VMEM((_CHUNK, d), jnp.float32),
            pltpu.VMEM((_CHUNK, d), jnp.float32),
            pltpu.VMEM((_CHUNK, d), jnp.float32),
            pltpu.SemaphoreType.DMA,
            pltpu.SemaphoreType.DMA,
            pltpu.SemaphoreType.DMA,
            pltpu.SemaphoreType.DMA,
            pltpu.SemaphoreType.DMA,
            pltpu.SemaphoreType.DMA,
        ],
    )
    def emb_kernel(w_hbm, idx_hbm, fq_hbm, out_hbm, idx_v, fq_v,
                   buf0, buf1, buf2, sem0, sem1, sem2, so0, so1, so2):
        wid = lax.axis_index("s") * nc + lax.axis_index("c")
        base = wid * per_w
        pltpu.sync_copy(idx_hbm.at[wid], idx_v)
        pltpu.sync_copy(fq_hbm, fq_v)

        bufs = (buf0, buf1, buf2)
        sems = (sem0, sem1, sem2)
        ssems = (so0, so1, so2)

        def bump(row):
            for c in range(_CHUNK // 16):
                sl = pl.ds(c * 16, 16)
                idx_v[row, sl] = idx_v[row, sl] + 1

        def start_gather(k, bf):
            pltpu.async_copy(w_hbm.at[idx_v.at[k]], bufs[bf], sems[bf])

        def wait_gather(bf):
            pltpu.make_async_copy(w_hbm.at[idx_v.at[0]], bufs[bf],
                                  sems[bf]).wait()

        def wait_store(bf):
            pltpu.make_async_copy(w_hbm.at[idx_v.at[0]], bufs[bf],
                                  ssems[bf]).wait()

        bump(0)
        start_gather(0, 0)
        bump(1)
        start_gather(1, 1)

        def chunk_body(k, bf):
            @pl.when(k + 2 < nchunk)
            def _():
                @pl.when(k >= 1)
                def _():
                    wait_store((bf + 2) % 3)

                bump(k + 2)
                start_gather(k + 2, (bf + 2) % 3)

            wait_gather(bf)
            buf = bufs[bf]
            t0 = lax.rem(k * _CHUNK, nt)

            def row_body(r, carry):
                t = t0 + r
                for c in range(d // 16):
                    sl = pl.ds(c * 16, 16)
                    buf[r, sl] = buf[r, sl] + fq_v[t, sl]
                return carry

            lax.fori_loop(0, _CHUNK, row_body, 0, unroll=4)
            pltpu.async_copy(buf, out_hbm.at[pl.ds(base + k * _CHUNK, _CHUNK)],
                             ssems[bf])

        def outer(i, carry):
            chunk_body(3 * i, 0)
            chunk_body(3 * i + 1, 1)
            chunk_body(3 * i + 2, 2)
            return carry

        lax.fori_loop(0, nchunk // 3, outer, 0)
        if nchunk % 3 == 2:
            chunk_body(nchunk - 2, 0)
            chunk_body(nchunk - 1, 1)
        wait_store(0)
        wait_store(1)
        wait_store(2)

    out = emb_kernel(text_embed_weight, idx, fq2)
    return out.reshape(b, nt, d)

# --- scband reference (transcript-rebuilt; emitter-appended) ---
"""Pipeline reference for scband-text-embedding-10385230922008 (READ-ONLY COPY).

The authoritative reference and input builder live on the scoring server;
editing this copy changes nothing except your own understanding.
"""

import jax, jax.numpy as jnp
import numpy as np

OUT_DIM = 64
TEXT_NUM_EMBEDS = 1000000
MAX_POS = 1024
BATCH = 1024
NT = 200


def precompute_freqs_cis(dim, end, theta=10000.0, theta_rescale_factor=1.0):
    theta = theta * theta_rescale_factor ** (dim / (dim - 2))
    freqs = 1.0 / (theta ** (jnp.arange(0, dim, 2)[: dim // 2].astype(jnp.float32) / dim))
    t = jnp.arange(end, dtype=jnp.float32)
    freqs = jnp.outer(t, freqs).astype(jnp.float32)
    freqs_cos = jnp.cos(freqs)
    freqs_sin = jnp.sin(freqs)
    return jnp.concatenate([freqs_cos, freqs_sin], axis=-1)


def get_pos_embed_indices(start, length, max_pos, scale=1.0):
    scale_arr = scale * jnp.ones_like(start, dtype=jnp.float32)
    pos = start[:, None] + (jnp.arange(length, dtype=jnp.float32)[None, :] * scale_arr[:, None]).astype(start.dtype)
    pos = jnp.where(pos < max_pos, pos, max_pos - 1)
    return pos


def setup_inputs(seed: int = 0) -> dict:
    key = jax.random.key(seed)
    k1, k2 = jax.random.split(key)
    text = jax.random.randint(k1, (BATCH, NT), 0, TEXT_NUM_EMBEDS)
    text_embed_weight = jax.random.normal(k2, (TEXT_NUM_EMBEDS + 1, OUT_DIM), dtype=jnp.float32)
    return {"text": text, "text_embed_weight": text_embed_weight}


def reference(text, text_embed_weight):
    # text: int[b, nt]; text_embed_weight: float32[vocab+1, d]
    t = text + 1  # shift so that 0 (filler) maps to row 0
    emb = jnp.take(text_embed_weight, t, axis=0)  # gather -> [b, nt, d]
    freqs_cis = precompute_freqs_cis(OUT_DIM, MAX_POS)  # [max_pos, d]
    batch_start = jnp.zeros((text.shape[0],), dtype=text.dtype)
    pos_idx = get_pos_embed_indices(batch_start, text.shape[1], max_pos=MAX_POS)
    text_pos_embed = freqs_cis[pos_idx]  # gather -> [b, nt, d]
    return emb + text_pos_embed

if __name__ == "__main__":
    import jax
    _d = setup_inputs()
    print(jax.jit(kernel)(*tuple(_d.values())))

</pallas_src>

<mosaic_0001>
#map = affine_map<(d0, d1) -> (0, 0)>
#map1 = affine_map<(d0, d1) -> (0, 0, 0)>
module attributes {stable_mosaic.version = 14 : i64} {
  func.func @emb_kernel(%arg0: i32, %arg1: i32, %arg2: memref<1000001x64xf32, #tpu.memory_space<hbm>>, %arg3: memref<32x50x128xi32, #tpu.memory_space<hbm>>, %arg4: memref<400x64xf32, #tpu.memory_space<hbm>>, %arg5: memref<204800x64xf32, #tpu.memory_space<hbm>>, %arg6: memref<50x128xi32, #tpu.memory_space<vmem>>, %arg7: memref<400x64xf32, #tpu.memory_space<vmem>>, %arg8: memref<128x64xf32, #tpu.memory_space<vmem>>, %arg9: memref<128x64xf32, #tpu.memory_space<vmem>>, %arg10: memref<128x64xf32, #tpu.memory_space<vmem>>, %arg11: memref<!tpu.dma_semaphore, #tpu.memory_space<semaphore_mem>>, %arg12: memref<!tpu.dma_semaphore, #tpu.memory_space<semaphore_mem>>, %arg13: memref<!tpu.dma_semaphore, #tpu.memory_space<semaphore_mem>>, %arg14: memref<!tpu.dma_semaphore, #tpu.memory_space<semaphore_mem>>, %arg15: memref<!tpu.dma_semaphore, #tpu.memory_space<semaphore_mem>>, %arg16: memref<!tpu.dma_semaphore, #tpu.memory_space<semaphore_mem>>) attributes {dimension_semantics = [#tpu.dimension_semantics<core_parallel>, #tpu.dimension_semantics<subcore_parallel>], iteration_bounds = array<i64: 2, 16>, scalar_prefetch = 0 : i64, scratch_operands = 11 : i64, tpu.core_type = #tpu.core_type<sc_vector_subcore>, window_params = [{transform_indices = #map}, {transform_indices = #map1}, {transform_indices = #map}, {transform_indices = #map}]} {
    %mul3A = arith.constant 2 : i32
    %mul3A_0 = arith.muli %arg1, %mul3A : i32
    %add3A = arith.addi %mul3A_0, %arg0 : i32
    %mul3A_1 = arith.constant 6400 : i32
    %mul3A_2 = arith.muli %add3A, %mul3A_1 : i32
    "tpu.region"() ({
      %run_scoped3A = tpu.sem_alloc : memref<!tpu.dma_semaphore, #tpu.memory_space<semaphore_mem>>
      %dma_start3A_306 = arith.constant 0 : i32
      %dma_start3A_307 = arith.constant 0 : i32
      %dma_start3A_308 = tpu.memref_slice %arg3[%add3A, %dma_start3A_306, %dma_start3A_307] : memref<32x50x128xi32, #tpu.memory_space<hbm>> -> memref<1x50x128xi32, #tpu.memory_space<hbm>>
      %dma_start3A_309 = tpu.memref_squeeze %dma_start3A_308 : memref<1x50x128xi32, #tpu.memory_space<hbm>> -> memref<50x128xi32, #tpu.memory_space<hbm>>
      %dma_start3A_310 = arith.constant 0 : i32
      %dma_start3A_311 = arith.constant 0 : i32
      %dma_start3A_312 = tpu.memref_slice %arg3[%add3A, %dma_start3A_310, %dma_start3A_311] : memref<32x50x128xi32, #tpu.memory_space<hbm>> -> memref<1x50x128xi32, #tpu.memory_space<hbm>>
      %dma_start3A_313 = tpu.memref_squeeze %dma_start3A_312 : memref<1x50x128xi32, #tpu.memory_space<hbm>> -> memref<50x128xi32, #tpu.memory_space<hbm>>
      tpu.enqueue_dma source(%dma_start3A_313 : memref<50x128xi32, #tpu.memory_space<hbm>>) target(%arg6 : memref<50x128xi32, #tpu.memory_space<vmem>>) target_semaphore(%run_scoped3A : memref<!tpu.dma_semaphore, #tpu.memory_space<semaphore_mem>>)
      %dma_wait3A_314 = arith.constant 0 : i32
      %dma_wait3A_315 = arith.constant 0 : i32
      %dma_wait3A_316 = tpu.memref_slice %arg3[%add3A, %dma_wait3A_314, %dma_wait3A_315] : memref<32x50x128xi32, #tpu.memory_space<hbm>> -> memref<1x50x128xi32, #tpu.memory_space<hbm>>
      %dma_wait3A_317 = tpu.memref_squeeze %dma_wait3A_316 : memref<1x50x128xi32, #tpu.memory_space<hbm>> -> memref<50x128xi32, #tpu.memory_space<hbm>>
      %dma_wait3A_318 = arith.constant 0 : i32
      %dma_wait3A_319 = arith.constant 0 : i32
      %dma_wait3A_320 = tpu.memref_slice %arg3[%add3A, %dma_wait3A_318, %dma_wait3A_319] : memref<32x50x128xi32, #tpu.memory_space<hbm>> -> memref<1x50x128xi32, #tpu.memory_space<hbm>>
      %dma_wait3A_321 = tpu.memref_squeeze %dma_wait3A_320 : memref<1x50x128xi32, #tpu.memory_space<hbm>> -> memref<50x128xi32, #tpu.memory_space<hbm>>
      tpu.wait_dma2 semaphore(%run_scoped3A : memref<!tpu.dma_semaphore, #tpu.memory_space<semaphore_mem>>) src(%dma_wait3A_321 : memref<50x128xi32, #tpu.memory_space<hbm>>) dst(%arg6 : memref<50x128xi32, #tpu.memory_space<vmem>>)
      tpu.yield
    }) : () -> ()
    "tpu.region"() ({
      %run_scoped3A = tpu.sem_alloc : memref<!tpu.dma_semaphore, #tpu.memory_space<semaphore_mem>>
      tpu.enqueue_dma source(%arg4 : memref<400x64xf32, #tpu.memory_space<hbm>>) target(%arg7 : memref<400x64xf32, #tpu.memory_space<vmem>>) target_semaphore(%run_scoped3A : memref<!tpu.dma_semaphore, #tpu.memory_space<semaphore_mem>>)
      tpu.wait_dma2 semaphore(%run_scoped3A : memref<!tpu.dma_semaphore, #tpu.memory_space<semaphore_mem>>) src(%arg4 : memref<400x64xf32, #tpu.memory_space<hbm>>) dst(%arg7 : memref<400x64xf32, #tpu.memory_space<vmem>>)
      tpu.yield
    }) : () -> ()
    %get3A = arith.constant 0 : i32
    %get3A_3 = arith.index_cast %get3A : i32 to index
    %get3A_4 = arith.constant 0 : index
    %get3A_5 = tpu.vector_load %arg6[%get3A_3, %get3A_4] {strides = array<i32>} : memref<50x128xi32, #tpu.memory_space<vmem>>, vector<1x16xi32>,
    %get3A_6 = vector.shape_cast %get3A_5 : vector<1x16xi32> to vector<16xi32>
    %add3A_7 = arith.constant 1 : i32
    %add3A_8 = vector.broadcast %add3A_7 : i32 to vector<16xi32>
    %add3A_9 = arith.addi %get3A_6, %add3A_8 : vector<16xi32>
    %swap3A = arith.constant 0 : i32
    %swap3A_10 = arith.index_cast %swap3A : i32 to index
    %swap3A_11 = arith.constant 0 : index
    %swap3A_12 = tpu.vector_load %arg6[%swap3A_10, %swap3A_11] {strides = array<i32>} : memref<50x128xi32, #tpu.memory_space<vmem>>, vector<1x16xi32>,
    %swap3A_13 = vector.shape_cast %swap3A_12 : vector<1x16xi32> to vector<16xi32>
    %swap3A_14 = vector.shape_cast %add3A_9 : vector<16xi32> to vector<1x16xi32>
    tpu.vector_store %arg6[%swap3A_10, %swap3A_11], %swap3A_14 {strides = array<i32>} : memref<50x128xi32, #tpu.memory_space<vmem>>, vector<1x16xi32>,
    %get3A_15 = arith.constant 0 : i32
    %get3A_16 = arith.index_cast %get3A_15 : i32 to index
    %get3A_17 = arith.constant 16 : index
    %get3A_18 = tpu.vector_load %arg6[%get3A_16, %get3A_17] {strides = array<i32>} : memref<50x128xi32, #tpu.memory_space<vmem>>, vector<1x16xi32>,
    %get3A_19 = vector.shape_cast %get3A_18 : vector<1x16xi32> to vector<16xi32>
    %add3A_20 = arith.constant 1 : i32
    %add3A_21 = vector.broadcast %add3A_20 : i32 to vector<16xi32>
    %add3A_22 = arith.addi %get3A_19, %add3A_21 : vector<16xi32>
    %swap3A_23 = arith.constant 0 : i32
    %swap3A_24 = arith.index_cast %swap3A_23 : i32 to index
    %swap3A_25 = arith.constant 16 : index
    %swap3A_26 = tpu.vector_load %arg6[%swap3A_24, %swap3A_25] {strides = array<i32>} : memref<50x128xi32, #tpu.memory_space<vmem>>, vector<1x16xi32>,
    %swap3A_27 = vector.shape_cast %swap3A_26 : vector<1x16xi32> to vector<16xi32>
    %swap3A_28 = vector.shape_cast %add3A_22 : vector<16xi32> to vector<1x16xi32>
    tpu.vector_store %arg6[%swap3A_24, %swap3A_25], %swap3A_28 {strides = array<i32>} : memref<50x128xi32, #tpu.memory_space<vmem>>, vector<1x16xi32>,
    %get3A_29 = arith.constant 0 : i32
    %get3A_30 = arith.index_cast %get3A_29 : i32 to index
    %get3A_31 = arith.constant 32 : index
    %get3A_32 = tpu.vector_load %arg6[%get3A_30, %get3A_31] {strides = array<i32>} : memref<50x128xi32, #tpu.memory_space<vmem>>, vector<1x16xi32>,
    %get3A_33 = vector.shape_cast %get3A_32 : vector<1x16xi32> to vector<16xi32>
    %add3A_34 = arith.constant 1 : i32
    %add3A_35 = vector.broadcast %add3A_34 : i32 to vector<16xi32>
    %add3A_36 = arith.addi %get3A_33, %add3A_35 : vector<16xi32>
    %swap3A_37 = arith.constant 0 : i32
    %swap3A_38 = arith.index_cast %swap3A_37 : i32 to index
    %swap3A_39 = arith.constant 32 : index
    %swap3A_40 = tpu.vector_load %arg6[%swap3A_38, %swap3A_39] {strides = array<i32>} : memref<50x128xi32, #tpu.memory_space<vmem>>, vector<1x16xi32>,
    %swap3A_41 = vector.shape_cast %swap3A_40 : vector<1x16xi32> to vector<16xi32>
    %swap3A_42 = vector.shape_cast %add3A_36 : vector<16xi32> to vector<1x16xi32>
    tpu.vector_store %arg6[%swap3A_38, %swap3A_39], %swap3A_42 {strides = array<i32>} : memref<50x128xi32, #tpu.memory_space<vmem>>, vector<1x16xi32>,
    %get3A_43 = arith.constant 0 : i32
    %get3A_44 = arith.index_cast %get3A_43 : i32 to index
    %get3A_45 = arith.constant 48 : index
    %get3A_46 = tpu.vector_load %arg6[%get3A_44, %get3A_45] {strides = array<i32>} : memref<50x128xi32, #tpu.memory_space<vmem>>, vector<1x16xi32>,
    %get3A_47 = vector.shape_cast %get3A_46 : vector<1x16xi32> to vector<16xi32>
    %add3A_48 = arith.constant 1 : i32
    %add3A_49 = vector.broadcast %add3A_48 : i32 to vector<16xi32>
    %add3A_50 = arith.addi %get3A_47, %add3A_49 : vector<16xi32>
    %swap3A_51 = arith.constant 0 : i32
    %swap3A_52 = arith.index_cast %swap3A_51 : i32 to index
    %swap3A_53 = arith.constant 48 : index
    %swap3A_54 = tpu.vector_load %arg6[%swap3A_52, %swap3A_53] {strides = array<i32>} : memref<50x128xi32, #tpu.memory_space<vmem>>, vector<1x16xi32>,
    %swap3A_55 = vector.shape_cast %swap3A_54 : vector<1x16xi32> to vector<16xi32>
    %swap3A_56 = vector.shape_cast %add3A_50 : vector<16xi32> to vector<1x16xi32>
    tpu.vector_store %arg6[%swap3A_52, %swap3A_53], %swap3A_56 {strides = array<i32>} : memref<50x128xi32, #tpu.memory_space<vmem>>, vector<1x16xi32>,
    %get3A_57 = arith.constant 0 : i32
    %get3A_58 = arith.index_cast %get3A_57 : i32 to index
    %get3A_59 = arith.constant 64 : index
    %get3A_60 = tpu.vector_load %arg6[%get3A_58, %get3A_59] {strides = array<i32>} : memref<50x128xi32, #tpu.memory_space<vmem>>, vector<1x16xi32>,
    %get3A_61 = vector.shape_cast %get3A_60 : vector<1x16xi32> to vector<16xi32>
    %add3A_62 = arith.constant 1 : i32
    %add3A_63 = vector.broadcast %add3A_62 : i32 to vector<16xi32>
    %add3A_64 = arith.addi %get3A_61, %add3A_63 : vector<16xi32>
    %swap3A_65 = arith.constant 0 : i32
    %swap3A_66 = arith.index_cast %swap3A_65 : i32 to index
    %swap3A_67 = arith.constant 64 : index
    %swap3A_68 = tpu.vector_load %arg6[%swap3A_66, %swap3A_67] {strides = array<i32>} : memref<50x128xi32, #tpu.memory_space<vmem>>, vector<1x16xi32>,
    %swap3A_69 = vector.shape_cast %swap3A_68 : vector<1x16xi32> to vector<16xi32>
    %swap3A_70 = vector.shape_cast %add3A_64 : vector<16xi32> to vector<1x16xi32>
    tpu.vector_store %arg6[%swap3A_66, %swap3A_67], %swap3A_70 {strides = array<i32>} : memref<50x128xi32, #tpu.memory_space<vmem>>, vector<1x16xi32>,
    %get3A_71 = arith.constant 0 : i32
    %get3A_72 = arith.index_cast %get3A_71 : i32 to index
    %get3A_73 = arith.constant 80 : index
    %get3A_74 = tpu.vector_load %arg6[%get3A_72, %get3A_73] {strides = array<i32>} : memref<50x128xi32, #tpu.memory_space<vmem>>, vector<1x16xi32>,
    %get3A_75 = vector.shape_cast %get3A_74 : vector<1x16xi32> to vector<16xi32>
    %add3A_76 = arith.constant 1 : i32
    %add3A_77 = vector.broadcast %add3A_76 : i32 to vector<16xi32>
    %add3A_78 = arith.addi %get3A_75, %add3A_77 : vector<16xi32>
    %swap3A_79 = arith.constant 0 : i32
    %swap3A_80 = arith.index_cast %swap3A_79 : i32 to index
    %swap3A_81 = arith.constant 80 : index
    %swap3A_82 = tpu.vector_load %arg6[%swap3A_80, %swap3A_81] {strides = array<i32>} : memref<50x128xi32, #tpu.memory_space<vmem>>, vector<1x16xi32>,
    %swap3A_83 = vector.shape_cast %swap3A_82 : vector<1x16xi32> to vector<16xi32>
    %swap3A_84 = vector.shape_cast %add3A_78 : vector<16xi32> to vector<1x16xi32>
    tpu.vector_store %arg6[%swap3A_80, %swap3A_81], %swap3A_84 {strides = array<i32>} : memref<50x128xi32, #tpu.memory_space<vmem>>, vector<1x16xi32>,
    %get3A_85 = arith.constant 0 : i32
    %get3A_86 = arith.index_cast %get3A_85 : i32 to index
    %get3A_87 = arith.constant 96 : index
    %get3A_88 = tpu.vector_load %arg6[%get3A_86, %get3A_87] {strides = array<i32>} : memref<50x128xi32, #tpu.memory_space<vmem>>, vector<1x16xi32>,
    %get3A_89 = vector.shape_cast %get3A_88 : vector<1x16xi32> to vector<16xi32>
    %add3A_90 = arith.constant 1 : i32
    %add3A_91 = vector.broadcast %add3A_90 : i32 to vector<16xi32>
    %add3A_92 = arith.addi %get3A_89, %add3A_91 : vector<16xi32>
    %swap3A_93 = arith.constant 0 : i32
    %swap3A_94 = arith.index_cast %swap3A_93 : i32 to index
    %swap3A_95 = arith.constant 96 : index
    %swap3A_96 = tpu.vector_load %arg6[%swap3A_94, %swap3A_95] {strides = array<i32>} : memref<50x128xi32, #tpu.memory_space<vmem>>, vector<1x16xi32>,
    %swap3A_97 = vector.shape_cast %swap3A_96 : vector<1x16xi32> to vector<16xi32>
    %swap3A_98 = vector.shape_cast %add3A_92 : vector<16xi32> to vector<1x16xi32>
    tpu.vector_store %arg6[%swap3A_94, %swap3A_95], %swap3A_98 {strides = array<i32>} : memref<50x128xi32, #tpu.memory_space<vmem>>, vector<1x16xi32>,
    %get3A_99 = arith.constant 0 : i32
    %get3A_100 = arith.index_cast %get3A_99 : i32 to index
    %get3A_101 = arith.constant 112 : index
    %get3A_102 = tpu.vector_load %arg6[%get3A_100, %get3A_101] {strides = array<i32>} : memref<50x128xi32, #tpu.memory_space<vmem>>, vector<1x16xi32>,
    %get3A_103 = vector.shape_cast %get3A_102 : vector<1x16xi32> to vector<16xi32>
    %add3A_104 = arith.constant 1 : i32
    %add3A_105 = vector.broadcast %add3A_104 : i32 to vector<16xi32>
    %add3A_106 = arith.addi %get3A_103, %add3A_105 : vector<16xi32>
    %swap3A_107 = arith.constant 0 : i32
    %swap3A_108 = arith.index_cast %swap3A_107 : i32 to index
    %swap3A_109 = arith.constant 112 : index
    %swap3A_110 = tpu.vector_load %arg6[%swap3A_108, %swap3A_109] {strides = array<i32>} : memref<50x128xi32, #tpu.memory_space<vmem>>, vector<1x16xi32>,
    %swap3A_111 = vector.shape_cast %swap3A_110 : vector<1x16xi32> to vector<16xi32>
    %swap3A_112 = vector.shape_cast %add3A_106 : vector<16xi32> to vector<1x16xi32>
    tpu.vector_store %arg6[%swap3A_108, %swap3A_109], %swap3A_112 {strides = array<i32>} : memref<50x128xi32, #tpu.memory_space<vmem>>, vector<1x16xi32>,
    %dma_start3A = arith.constant 0 : i32
    %dma_start3A_113 = arith.constant 0 : i32
    %dma_start3A_114 = tpu.memref_slice %arg6[%dma_start3A, %dma_start3A_113] : memref<50x128xi32, #tpu.memory_space<vmem>> -> memref<1x128xi32, #tpu.memory_space<vmem>>
    %dma_start3A_115 = tpu.memref_squeeze %dma_start3A_114 : memref<1x128xi32, #tpu.memory_space<vmem>> -> memref<128xi32, #tpu.memory_space<vmem>>
    %dma_start3A_116 = arith.constant 0 : i32
    %dma_start3A_117 = arith.constant 0 : i32
    %dma_start3A_118 = tpu.memref_slice %arg2[%dma_start3A_116, %dma_start3A_117] : memref<1000001x64xf32, #tpu.memory_space<hbm>> -> memref<1000001x64xf32, #tpu.memory_space<hbm>>
    tpu.enqueue_indirect_dma source(%dma_start3A_118 : memref<1000001x64xf32, #tpu.memory_space<hbm>>) target(%arg8 : memref<128x64xf32, #tpu.memory_space<vmem>>) offsets(%dma_start3A_115 : memref<128xi32, #tpu.memory_space<vmem>>) semaphore(%arg11 : memref<!tpu.dma_semaphore, #tpu.memory_space<semaphore_mem>>)
    %get3A_119 = arith.constant 1 : i32
    %get3A_120 = arith.index_cast %get3A_119 : i32 to index
    %get3A_121 = arith.constant 0 : index
    %get3A_122 = tpu.vector_load %arg6[%get3A_120, %get3A_121] {strides = array<i32>} : memref<50x128xi32, #tpu.memory_space<vmem>>, vector<1x16xi32>,
    %get3A_123 = vector.shape_cast %get3A_122 : vector<1x16xi32> to vector<16xi32>
    %add3A_124 = arith.constant 1 : i32
    %add3A_125 = vector.broadcast %add3A_124 : i32 to vector<16xi32>
    %add3A_126 = arith.addi %get3A_123, %add3A_125 : vector<16xi32>
    %swap3A_127 = arith.constant 1 : i32
    %swap3A_128 = arith.index_cast %swap3A_127 : i32 to index
    %swap3A_129 = arith.constant 0 : index
    %swap3A_130 = tpu.vector_load %arg6[%swap3A_128, %swap3A_129] {strides = array<i32>} : memref<50x128xi32, #tpu.memory_space<vmem>>, vector<1x16xi32>,
    %swap3A_131 = vector.shape_cast %swap3A_130 : vector<1x16xi32> to vector<16xi32>
    %swap3A_132 = vector.shape_cast %add3A_126 : vector<16xi32> to vector<1x16xi32>
    tpu.vector_store %arg6[%swap3A_128, %swap3A_129], %swap3A_132 {strides = array<i32>} : memref<50x128xi32, #tpu.memory_space<vmem>>, vector<1x16xi32>,
    %get3A_133 = arith.constant 1 : i32
    %get3A_134 = arith.index_cast %get3A_133 : i32 to index
    %get3A_135 = arith.constant 16 : index
    %get3A_136 = tpu.vector_load %arg6[%get3A_134, %get3A_135] {strides = array<i32>} : memref<50x128xi32, #tpu.memory_space<vmem>>, vector<1x16xi32>,
    %get3A_137 = vector.shape_cast %get3A_136 : vector<1x16xi32> to vector<16xi32>
    %add3A_138 = arith.constant 1 : i32
    %add3A_139 = vector.broadcast %add3A_138 : i32 to vector<16xi32>
    %add3A_140 = arith.addi %get3A_137, %add3A_139 : vector<16xi32>
    %swap3A_141 = arith.constant 1 : i32
    %swap3A_142 = arith.index_cast %swap3A_141 : i32 to index
    %swap3A_143 = arith.constant 16 : index
    %swap3A_144 = tpu.vector_load %arg6[%swap3A_142, %swap3A_143] {strides = array<i32>} : memref<50x128xi32, #tpu.memory_space<vmem>>, vector<1x16xi32>,
    %swap3A_145 = vector.shape_cast %swap3A_144 : vector<1x16xi32> to vector<16xi32>
    %swap3A_146 = vector.shape_cast %add3A_140 : vector<16xi32> to vector<1x16xi32>
    tpu.vector_store %arg6[%swap3A_142, %swap3A_143], %swap3A_146 {strides = array<i32>} : memref<50x128xi32, #tpu.memory_space<vmem>>, vector<1x16xi32>,
    %get3A_147 = arith.constant 1 : i32
    %get3A_148 = arith.index_cast %get3A_147 : i32 to index
    %get3A_149 = arith.constant 32 : index
    %get3A_150 = tpu.vector_load %arg6[%get3A_148, %get3A_149] {strides = array<i32>} : memref<50x128xi32, #tpu.memory_space<vmem>>, vector<1x16xi32>,
    %get3A_151 = vector.shape_cast %get3A_150 : vector<1x16xi32> to vector<16xi32>
    %add3A_152 = arith.constant 1 : i32
    %add3A_153 = vector.broadcast %add3A_152 : i32 to vector<16xi32>
    %add3A_154 = arith.addi %get3A_151, %add3A_153 : vector<16xi32>
    %swap3A_155 = arith.constant 1 : i32
    %swap3A_156 = arith.index_cast %swap3A_155 : i32 to index
    %swap3A_157 = arith.constant 32 : index
    %swap3A_158 = tpu.vector_load %arg6[%swap3A_156, %swap3A_157] {strides = array<i32>} : memref<50x128xi32, #tpu.memory_space<vmem>>, vector<1x16xi32>,
    %swap3A_159 = vector.shape_cast %swap3A_158 : vector<1x16xi32> to vector<16xi32>
    %swap3A_160 = vector.shape_cast %add3A_154 : vector<16xi32> to vector<1x16xi32>
    tpu.vector_store %arg6[%swap3A_156, %swap3A_157], %swap3A_160 {strides = array<i32>} : memref<50x128xi32, #tpu.memory_space<vmem>>, vector<1x16xi32>,
    %get3A_161 = arith.constant 1 : i32
    %get3A_162 = arith.index_cast %get3A_161 : i32 to index
    %get3A_163 = arith.constant 48 : index
    %get3A_164 = tpu.vector_load %arg6[%get3A_162, %get3A_163] {strides = array<i32>} : memref<50x128xi32, #tpu.memory_space<vmem>>, vector<1x16xi32>,
    %get3A_165 = vector.shape_cast %get3A_164 : vector<1x16xi32> to vector<16xi32>
    %add3A_166 = arith.constant 1 : i32
    %add3A_167 = vector.broadcast %add3A_166 : i32 to vector<16xi32>
    %add3A_168 = arith.addi %get3A_165, %add3A_167 : vector<16xi32>
    %swap3A_169 = arith.constant 1 : i32
    %swap3A_170 = arith.index_cast %swap3A_169 : i32 to index
    %swap3A_171 = arith.constant 48 : index
    %swap3A_172 = tpu.vector_load %arg6[%swap3A_170, %swap3A_171] {strides = array<i32>} : memref<50x128xi32, #tpu.memory_space<vmem>>, vector<1x16xi32>,
    %swap3A_173 = vector.shape_cast %swap3A_172 : vector<1x16xi32> to vector<16xi32>
    %swap3A_174 = vector.shape_cast %add3A_168 : vector<16xi32> to vector<1x16xi32>
    tpu.vector_store %arg6[%swap3A_170, %swap3A_171], %swap3A_174 {strides = array<i32>} : memref<50x128xi32, #tpu.memory_space<vmem>>, vector<1x16xi32>,
    %get3A_175 = arith.constant 1 : i32
    %get3A_176 = arith.index_cast %get3A_175 : i32 to index
    %get3A_177 = arith.constant 64 : index
    %get3A_178 = tpu.vector_load %arg6[%get3A_176, %get3A_177] {strides = array<i32>} : memref<50x128xi32, #tpu.memory_space<vmem>>, vector<1x16xi32>,
    %get3A_179 = vector.shape_cast %get3A_178 : vector<1x16xi32> to vector<16xi32>
    %add3A_180 = arith.constant 1 : i32
    %add3A_181 = vector.broadcast %add3A_180 : i32 to vector<16xi32>
    %add3A_182 = arith.addi %get3A_179, %add3A_181 : vector<16xi32>
    %swap3A_183 = arith.constant 1 : i32
    %swap3A_184 = arith.index_cast %swap3A_183 : i32 to index
    %swap3A_185 = arith.constant 64 : index
    %swap3A_186 = tpu.vector_load %arg6[%swap3A_184, %swap3A_185] {strides = array<i32>} : memref<50x128xi32, #tpu.memory_space<vmem>>, vector<1x16xi32>,
    %swap3A_187 = vector.shape_cast %swap3A_186 : vector<1x16xi32> to vector<16xi32>
    %swap3A_188 = vector.shape_cast %add3A_182 : vector<16xi32> to vector<1x16xi32>
    tpu.vector_store %arg6[%swap3A_184, %swap3A_185], %swap3A_188 {strides = array<i32>} : memref<50x128xi32, #tpu.memory_space<vmem>>, vector<1x16xi32>,
    %get3A_189 = arith.constant 1 : i32
    %get3A_190 = arith.index_cast %get3A_189 : i32 to index
    %get3A_191 = arith.constant 80 : index
    %get3A_192 = tpu.vector_load %arg6[%get3A_190, %get3A_191] {strides = array<i32>} : memref<50x128xi32, #tpu.memory_space<vmem>>, vector<1x16xi32>,
    %get3A_193 = vector.shape_cast %get3A_192 : vector<1x16xi32> to vector<16xi32>
    %add3A_194 = arith.constant 1 : i32
    %add3A_195 = vector.broadcast %add3A_194 : i32 to vector<16xi32>
    %add3A_196 = arith.addi %get3A_193, %add3A_195 : vector<16xi32>
    %swap3A_197 = arith.constant 1 : i32
    %swap3A_198 = arith.index_cast %swap3A_197 : i32 to index
    %swap3A_199 = arith.constant 80 : index
    %swap3A_200 = tpu.vector_load %arg6[%swap3A_198, %swap3A_199] {strides = array<i32>} : memref<50x128xi32, #tpu.memory_space<vmem>>, vector<1x16xi32>,
    %swap3A_201 = vector.shape_cast %swap3A_200 : vector<1x16xi32> to vector<16xi32>
    %swap3A_202 = vector.shape_cast %add3A_196 : vector<16xi32> to vector<1x16xi32>
    tpu.vector_store %arg6[%swap3A_198, %swap3A_199], %swap3A_202 {strides = array<i32>} : memref<50x128xi32, #tpu.memory_space<vmem>>, vector<1x16xi32>,
    %get3A_203 = arith.constant 1 : i32
    %get3A_204 = arith.index_cast %get3A_203 : i32 to index
    %get3A_205 = arith.constant 96 : index
    %get3A_206 = tpu.vector_load %arg6[%get3A_204, %get3A_205] {strides = array<i32>} : memref<50x128xi32, #tpu.memory_space<vmem>>, vector<1x16xi32>,
    %get3A_207 = vector.shape_cast %get3A_206 : vector<1x16xi32> to vector<16xi32>
    %add3A_208 = arith.constant 1 : i32
    %add3A_209 = vector.broadcast %add3A_208 : i32 to vector<16xi32>
    %add3A_210 = arith.addi %get3A_207, %add3A_209 : vector<16xi32>
    %swap3A_211 = arith.constant 1 : i32
    %swap3A_212 = arith.index_cast %swap3A_211 : i32 to index
    %swap3A_213 = arith.constant 96 : index
    %swap3A_214 = tpu.vector_load %arg6[%swap3A_212, %swap3A_213] {strides = array<i32>} : memref<50x128xi32, #tpu.memory_space<vmem>>, vector<1x16xi32>,
    %swap3A_215 = vector.shape_cast %swap3A_214 : vector<1x16xi32> to vector<16xi32>
    %swap3A_216 = vector.shape_cast %add3A_210 : vector<16xi32> to vector<1x16xi32>
    tpu.vector_store %arg6[%swap3A_212, %swap3A_213], %swap3A_216 {strides = array<i32>} : memref<50x128xi32, #tpu.memory_space<vmem>>, vector<1x16xi32>,
    %get3A_217 = arith.constant 1 : i32
    %get3A_218 = arith.index_cast %get3A_217 : i32 to index
    %get3A_219 = arith.constant 112 : index
    %get3A_220 = tpu.vector_load %arg6[%get3A_218, %get3A_219] {strides = array<i32>} : memref<50x128xi32, #tpu.memory_space<vmem>>, vector<1x16xi32>,
    %get3A_221 = vector.shape_cast %get3A_220 : vector<1x16xi32> to vector<16xi32>
    %add3A_222 = arith.constant 1 : i32
    %add3A_223 = vector.broadcast %add3A_222 : i32 to vector<16xi32>
    %add3A_224 = arith.addi %get3A_221, %add3A_223 : vector<16xi32>
    %swap3A_225 = arith.constant 1 : i32
    %swap3A_226 = arith.index_cast %swap3A_225 : i32 to index
    %swap3A_227 = arith.constant 112 : index
    %swap3A_228 = tpu.vector_load %arg6[%swap3A_226, %swap3A_227] {strides = array<i32>} : memref<50x128xi32, #tpu.memory_space<vmem>>, vector<1x16xi32>,
    %swap3A_229 = vector.shape_cast %swap3A_228 : vector<1x16xi32> to vector<16xi32>
    %swap3A_230 = vector.shape_cast %add3A_224 : vector<16xi32> to vector<1x16xi32>
    tpu.vector_store %arg6[%swap3A_226, %swap3A_227], %swap3A_230 {strides = array<i32>} : memref<50x128xi32, #tpu.memory_space<vmem>>, vector<1x16xi32>,
    %dma_start3A_231 = arith.constant 1 : i32
    %dma_start3A_232 = arith.constant 0 : i32
    %dma_start3A_233 = tpu.memref_slice %arg6[%dma_start3A_231, %dma_start3A_232] : memref<50x128xi32, #tpu.memory_space<vmem>> -> memref<1x128xi32, #tpu.memory_space<vmem>>
    %dma_start3A_234 = tpu.memref_squeeze %dma_start3A_233 : memref<1x128xi32, #tpu.memory_space<vmem>> -> memref<128xi32, #tpu.memory_space<vmem>>
    %dma_start3A_235 = arith.constant 0 : i32
    %dma_start3A_236 = arith.constant 0 : i32
    %dma_start3A_237 = tpu.memref_slice %arg2[%dma_start3A_235, %dma_start3A_236] : memref<1000001x64xf32, #tpu.memory_space<hbm>> -> memref<1000001x64xf32, #tpu.memory_space<hbm>>
    tpu.enqueue_indirect_dma source(%dma_start3A_237 : memref<1000001x64xf32, #tpu.memory_space<hbm>>) target(%arg9 : memref<128x64xf32, #tpu.memory_space<vmem>>) offsets(%dma_start3A_234 : memref<128xi32, #tpu.memory_space<vmem>>) semaphore(%arg12 : memref<!tpu.dma_semaphore, #tpu.memory_space<semaphore_mem>>)
    %scan3A = arith.constant 0 : i32
    %scan3A_238 = arith.constant 0 : i32
    %scan3A_239 = arith.constant 16 : i32
    %scan3A_240 = arith.addi %scan3A_238, %scan3A_239 : i32
    %scan3A_241 = arith.constant 1 : i32
    scf.for %scan3A_306 = %scan3A_238 to %scan3A_240 step %scan3A_241  : i32 {
      %mul3A_307 = arith.constant 3 : i32
      %mul3A_308 = arith.muli %mul3A_307, %scan3A_306 : i32
      %add3A_309 = arith.constant 2 : i32
      %add3A_310 = arith.addi %mul3A_308, %add3A_309 : i32
      %lt3A = arith.constant 50 : i32
      %lt3A_311 = arith.cmpi slt, %add3A_310, %lt3A : i32
      %convert_element_type3A = arith.extui %lt3A_311 : i1 to i32
      %cond3A = arith.constant 0 : i32
      %cond3A_312 = arith.cmpi ne, %convert_element_type3A, %cond3A : i32
      scf.if %cond3A_312 {
        %ge3A = arith.constant 1 : i32
        %ge3A_407 = arith.cmpi sge, %mul3A_308, %ge3A : i32
        %convert_element_type3A_408 = arith.extui %ge3A_407 : i1 to i32
        %cond3A_409 = arith.constant 0 : i32
        %cond3A_410 = arith.cmpi ne, %convert_element_type3A_408, %cond3A_409 : i32
        scf.if %cond3A_410 {
          %dma_wait3A_517 = arith.constant 0 : i32
          %dma_wait3A_518 = arith.constant 0 : i32
          %dma_wait3A_519 = tpu.memref_slice %arg6[%dma_wait3A_517, %dma_wait3A_518] : memref<50x128xi32, #tpu.memory_space<vmem>> -> memref<1x128xi32, #tpu.memory_space<vmem>>
          %dma_wait3A_520 = tpu.memref_squeeze %dma_wait3A_519 : memref<1x128xi32, #tpu.memory_space<vmem>> -> memref<128xi32, #tpu.memory_space<vmem>>
          %dma_wait3A_521 = arith.constant 0 : i32
          %dma_wait3A_522 = arith.constant 0 : i32
          %dma_wait3A_523 = tpu.memref_slice %arg2[%dma_wait3A_521, %dma_wait3A_522] : memref<1000001x64xf32, #tpu.memory_space<hbm>> -> memref<1000001x64xf32, #tpu.memory_space<hbm>>
          tpu.wait_indirect_dma semaphore(%arg16 : memref<!tpu.dma_semaphore, #tpu.memory_space<semaphore_mem>>) src(%dma_wait3A_523 : memref<1000001x64xf32, #tpu.memory_space<hbm>>) dst(%arg10 : memref<128x64xf32, #tpu.memory_space<vmem>>)
        } else {
        }
        %add3A_411 = arith.constant 2 : i32
        %add3A_412 = arith.addi %mul3A_308, %add3A_411 : i32
        %get3A_413 = arith.index_cast %add3A_412 : i32 to index
        %get3A_414 = arith.constant 0 : index
        %get3A_415 = tpu.vector_load %arg6[%get3A_413, %get3A_414] {strides = array<i32>} : memref<50x128xi32, #tpu.memory_space<vmem>>, vector<1x16xi32>,
        %get3A_416 = vector.shape_cast %get3A_415 : vector<1x16xi32> to vector<16xi32>
        %add3A_417 = arith.constant 1 : i32
        %add3A_418 = vector.broadcast %add3A_417 : i32 to vector<16xi32>
        %add3A_419 = arith.addi %get3A_416, %add3A_418 : vector<16xi32>
        %swap3A_420 = arith.index_cast %add3A_412 : i32 to index
        %swap3A_421 = arith.constant 0 : index
        %swap3A_422 = tpu.vector_load %arg6[%swap3A_420, %swap3A_421] {strides = array<i32>} : memref<50x128xi32, #tpu.memory_space<vmem>>, vector<1x16xi32>,
        %swap3A_423 = vector.shape_cast %swap3A_422 : vector<1x16xi32> to vector<16xi32>
        %swap3A_424 = vector.shape_cast %add3A_419 : vector<16xi32> to vector<1x16xi32>
        tpu.vector_store %arg6[%swap3A_420, %swap3A_421], %swap3A_424 {strides = array<i32>} : memref<50x128xi32, #tpu.memory_space<vmem>>, vector<1x16xi32>,
        %get3A_425 = arith.index_cast %add3A_412 : i32 to index
        %get3A_426 = arith.constant 16 : index
        %get3A_427 = tpu.vector_load %arg6[%get3A_425, %get3A_426] {strides = array<i32>} : memref<50x128xi32, #tpu.memory_space<vmem>>, vector<1x16xi32>,
        %get3A_428 = vector.shape_cast %get3A_427 : vector<1x16xi32> to vector<16xi32>
        %add3A_429 = arith.constant 1 : i32
        %add3A_430 = vector.broadcast %add3A_429 : i32 to vector<16xi32>
        %add3A_431 = arith.addi %get3A_428, %add3A_430 : vector<16xi32>
        %swap3A_432 = arith.index_cast %add3A_412 : i32 to index
        %swap3A_433 = arith.constant 16 : index
        %swap3A_434 = tpu.vector_load %arg6[%swap3A_432, %swap3A_433] {strides = array<i32>} : memref<50x128xi32, #tpu.memory_space<vmem>>, vector<1x16xi32>,
        %swap3A_435 = vector.shape_cast %swap3A_434 : vector<1x16xi32> to vector<16xi32>
        %swap3A_436 = vector.shape_cast %add3A_431 : vector<16xi32> to vector<1x16xi32>
        tpu.vector_store %arg6[%swap3A_432, %swap3A_433], %swap3A_436 {strides = array<i32>} : memref<50x128xi32, #tpu.memory_space<vmem>>, vector<1x16xi32>,
        %get3A_437 = arith.index_cast %add3A_412 : i32 to index
        %get3A_438 = arith.constant 32 : index
        %get3A_439 = tpu.vector_load %arg6[%get3A_437, %get3A_438] {strides = array<i32>} : memref<50x128xi32, #tpu.memory_space<vmem>>, vector<1x16xi32>,
        %get3A_440 = vector.shape_cast %get3A_439 : vector<1x16xi32> to vector<16xi32>
        %add3A_441 = arith.constant 1 : i32
        %add3A_442 = vector.broadcast %add3A_441 : i32 to vector<16xi32>
        %add3A_443 = arith.addi %get3A_440, %add3A_442 : vector<16xi32>
        %swap3A_444 = arith.index_cast %add3A_412 : i32 to index
        %swap3A_445 = arith.constant 32 : index
        %swap3A_446 = tpu.vector_load %arg6[%swap3A_444, %swap3A_445] {strides = array<i32>} : memref<50x128xi32, #tpu.memory_space<vmem>>, vector<1x16xi32>,
        %swap3A_447 = vector.shape_cast %swap3A_446 : vector<1x16xi32> to vector<16xi32>
        %swap3A_448 = vector.shape_cast %add3A_443 : vector<16xi32> to vector<1x16xi32>
        tpu.vector_store %arg6[%swap3A_444, %swap3A_445], %swap3A_448 {strides = array<i32>} : memref<50x128xi32, #tpu.memory_space<vmem>>, vector<1x16xi32>,
        %get3A_449 = arith.index_cast %add3A_412 : i32 to index
        %get3A_450 = arith.constant 48 : index
        %get3A_451 = tpu.vector_load %arg6[%get3A_449, %get3A_450] {strides = array<i32>} : memref<50x128xi32, #tpu.memory_space<vmem>>, vector<1x16xi32>,
        %get3A_452 = vector.shape_cast %get3A_451 : vector<1x16xi32> to vector<16xi32>
        %add3A_453 = arith.constant 1 : i32
        %add3A_454 = vector.broadcast %add3A_453 : i32 to vector<16xi32>
        %add3A_455 = arith.addi %get3A_452, %add3A_454 : vector<16xi32>
        %swap3A_456 = arith.index_cast %add3A_412 : i32 to index
        %swap3A_457 = arith.constant 48 : index
        %swap3A_458 = tpu.vector_load %arg6[%swap3A_456, %swap3A_457] {strides = array<i32>} : memref<50x128xi32, #tpu.memory_space<vmem>>, vector<1x16xi32>,
        %swap3A_459 = vector.shape_cast %swap3A_458 : vector<1x16xi32> to vector<16xi32>
        %swap3A_460 = vector.shape_cast %add3A_455 : vector<16xi32> to vector<1x16xi32>
        tpu.vector_store %arg6[%swap3A_456, %swap3A_457], %swap3A_460 {strides = array<i32>} : memref<50x128xi32, #tpu.memory_space<vmem>>, vector<1x16xi32>,
        %get3A_461 = arith.index_cast %add3A_412 : i32 to index
        %get3A_462 = arith.constant 64 : index
        %get3A_463 = tpu.vector_load %arg6[%get3A_461, %get3A_462] {strides = array<i32>} : memref<50x128xi32, #tpu.memory_space<vmem>>, vector<1x16xi32>,
        %get3A_464 = vector.shape_cast %get3A_463 : vector<1x16xi32> to vector<16xi32>
        %add3A_465 = arith.constant 1 : i32
        %add3A_466 = vector.broadcast %add3A_465 : i32 to vector<16xi32>
        %add3A_467 = arith.addi %get3A_464, %add3A_466 : vector<16xi32>
        %swap3A_468 = arith.index_cast %add3A_412 : i32 to index
        %swap3A_469 = arith.constant 64 : index
        %swap3A_470 = tpu.vector_load %arg6[%swap3A_468, %swap3A_469] {strides = array<i32>} : memref<50x128xi32, #tpu.memory_space<vmem>>, vector<1x16xi32>,
        %swap3A_471 = vector.shape_cast %swap3A_470 : vector<1x16xi32> to vector<16xi32>
        %swap3A_472 = vector.shape_cast %add3A_467 : vector<16xi32> to vector<1x16xi32>
        tpu.vector_store %arg6[%swap3A_468, %swap3A_469], %swap3A_472 {strides = array<i32>} : memref<50x128xi32, #tpu.memory_space<vmem>>, vector<1x16xi32>,
        %get3A_473 = arith.index_cast %add3A_412 : i32 to index
        %get3A_474 = arith.constant 80 : index
        %get3A_475 = tpu.vector_load %arg6[%get3A_473, %get3A_474] {strides = array<i32>} : memref<50x128xi32, #tpu.memory_space<vmem>>, vector<1x16xi32>,
        %get3A_476 = vector.shape_cast %get3A_475 : vector<1x16xi32> to vector<16xi32>
        %add3A_477 = arith.constant 1 : i32
        %add3A_478 = vector.broadcast %add3A_477 : i32 to vector<16xi32>
        %add3A_479 = arith.addi %get3A_476, %add3A_478 : vector<16xi32>
        %swap3A_480 = arith.index_cast %add3A_412 : i32 to index
        %swap3A_481 = arith.constant 80 : index
        %swap3A_482 = tpu.vector_load %arg6[%swap3A_480, %swap3A_481] {strides = array<i32>} : memref<50x128xi32, #tpu.memory_space<vmem>>, vector<1x16xi32>,
        %swap3A_483 = vector.shape_cast %swap3A_482 : vector<1x16xi32> to vector<16xi32>
        %swap3A_484 = vector.shape_cast %add3A_479 : vector<16xi32> to vector<1x16xi32>
        tpu.vector_store %arg6[%swap3A_480, %swap3A_481], %swap3A_484 {strides = array<i32>} : memref<50x128xi32, #tpu.memory_space<vmem>>, vector<1x16xi32>,
        %get3A_485 = arith.index_cast %add3A_412 : i32 to index
        %get3A_486 = arith.constant 96 : index
        %get3A_487 = tpu.vector_load %arg6[%get3A_485, %get3A_486] {strides = array<i32>} : memref<50x128xi32, #tpu.memory_space<vmem>>, vector<1x16xi32>,
        %get3A_488 = vector.shape_cast %get3A_487 : vector<1x16xi32> to vector<16xi32>
        %add3A_489 = arith.constant 1 : i32
        %add3A_490 = vector.broadcast %add3A_489 : i32 to vector<16xi32>
        %add3A_491 = arith.addi %get3A_488, %add3A_490 : vector<16xi32>
        %swap3A_492 = arith.index_cast %add3A_412 : i32 to index
        %swap3A_493 = arith.constant 96 : index
        %swap3A_494 = tpu.vector_load %arg6[%swap3A_492, %swap3A_493] {strides = array<i32>} : memref<50x128xi32, #tpu.memory_space<vmem>>, vector<1x16xi32>,
        %swap3A_495 = vector.shape_cast %swap3A_494 : vector<1x16xi32> to vector<16xi32>
        %swap3A_496 = vector.shape_cast %add3A_491 : vector<16xi32> to vector<1x16xi32>
        tpu.vector_store %arg6[%swap3A_492, %swap3A_493], %swap3A_496 {strides = array<i32>} : memref<50x128xi32, #tpu.memory_space<vmem>>, vector<1x16xi32>,
        %get3A_497 = arith.index_cast %add3A_412 : i32 to index
        %get3A_498 = arith.constant 112 : index
        %get3A_499 = tpu.vector_load %arg6[%get3A_497, %get3A_498] {strides = array<i32>} : memref<50x128xi32, #tpu.memory_space<vmem>>, vector<1x16xi32>,
        %get3A_500 = vector.shape_cast %get3A_499 : vector<1x16xi32> to vector<16xi32>
        %add3A_501 = arith.constant 1 : i32
        %add3A_502 = vector.broadcast %add3A_501 : i32 to vector<16xi32>
        %add3A_503 = arith.addi %get3A_500, %add3A_502 : vector<16xi32>
        %swap3A_504 = arith.index_cast %add3A_412 : i32 to index
        %swap3A_505 = arith.constant 112 : index
        %swap3A_506 = tpu.vector_load %arg6[%swap3A_504, %swap3A_505] {strides = array<i32>} : memref<50x128xi32, #tpu.memory_space<vmem>>, vector<1x16xi32>,
        %swap3A_507 = vector.shape_cast %swap3A_506 : vector<1x16xi32> to vector<16xi32>
        %swap3A_508 = vector.shape_cast %add3A_503 : vector<16xi32> to vector<1x16xi32>
        tpu.vector_store %arg6[%swap3A_504, %swap3A_505], %swap3A_508 {strides = array<i32>} : memref<50x128xi32, #tpu.memory_space<vmem>>, vector<1x16xi32>,
        %add3A_509 = arith.constant 2 : i32
        %add3A_510 = arith.addi %mul3A_308, %add3A_509 : i32
        %dma_start3A_511 = arith.constant 0 : i32
        %dma_start3A_512 = tpu.memref_slice %arg6[%add3A_510, %dma_start3A_511] : memref<50x128xi32, #tpu.memory_space<vmem>> -> memref<1x128xi32, #tpu.memory_space<vmem>>
        %dma_start3A_513 = tpu.memref_squeeze %dma_start3A_512 : memref<1x128xi32, #tpu.memory_space<vmem>> -> memref<128xi32, #tpu.memory_space<vmem>>
        %dma_start3A_514 = arith.constant 0 : i32
        %dma_start3A_515 = arith.constant 0 : i32
        %dma_start3A_516 = tpu.memref_slice %arg2[%dma_start3A_514, %dma_start3A_515] : memref<1000001x64xf32, #tpu.memory_space<hbm>> -> memref<1000001x64xf32, #tpu.memory_space<hbm>>
        tpu.enqueue_indirect_dma source(%dma_start3A_516 : memref<1000001x64xf32, #tpu.memory_space<hbm>>) target(%arg10 : memref<128x64xf32, #tpu.memory_space<vmem>>) offsets(%dma_start3A_513 : memref<128xi32, #tpu.memory_space<vmem>>) semaphore(%arg13 : memref<!tpu.dma_semaphore, #tpu.memory_space<semaphore_mem>>)
      } else {
      }
      %dma_wait3A_313 = arith.constant 0 : i32
      %dma_wait3A_314 = arith.constant 0 : i32
      %dma_wait3A_315 = tpu.memref_slice %arg6[%dma_wait3A_313, %dma_wait3A_314] : memref<50x128xi32, #tpu.memory_space<vmem>> -> memref<1x128xi32, #tpu.memory_space<vmem>>
      %dma_wait3A_316 = tpu.memref_squeeze %dma_wait3A_315 : memref<1x128xi32, #tpu.memory_space<vmem>> -> memref<128xi32, #tpu.memory_space<vmem>>
      %dma_wait3A_317 = arith.constant 0 : i32
      %dma_wait3A_318 = arith.constant 0 : i32
      %dma_wait3A_319 = tpu.memref_slice %arg2[%dma_wait3A_317, %dma_wait3A_318] : memref<1000001x64xf32, #tpu.memory_space<hbm>> -> memref<1000001x64xf32, #tpu.memory_space<hbm>>
      tpu.wait_indirect_dma semaphore(%arg11 : memref<!tpu.dma_semaphore, #tpu.memory_space<semaphore_mem>>) src(%dma_wait3A_319 : memref<1000001x64xf32, #tpu.memory_space<hbm>>) dst(%arg8 : memref<128x64xf32, #tpu.memory_space<vmem>>)
      %mul3A_320 = arith.constant 128 : i32
      %mul3A_321 = arith.muli %mul3A_308, %mul3A_320 : i32
      %rem3A_322 = arith.constant 200 : i32
      %rem3A_323 = arith.remsi %mul3A_321, %rem3A_322 : i32
      %scan3A_324 = arith.constant 0 : i32
      %scan3A_325 = arith.constant 0 : i32
      %scan3A_326 = arith.constant 128 : i32
      %scan3A_327 = arith.addi %scan3A_325, %scan3A_326 : i32
      %scan3A_328 = arith.constant 4 : i32
      scf.for %scan3A_407 = %scan3A_325 to %scan3A_327 step %scan3A_328  : i32 {
        %add3A_408 = arith.addi %rem3A_323, %scan3A_407 : i32
        %get3A_409 = arith.index_cast %scan3A_407 : i32 to index
        %get3A_410 = arith.constant 0 : index
        %get3A_411 = tpu.vector_load %arg8[%get3A_409, %get3A_410] {strides = array<i32>} : memref<128x64xf32, #tpu.memory_space<vmem>>, vector<1x16xf32>,
        %get3A_412 = vector.shape_cast %get3A_411 : vector<1x16xf32> to vector<16xf32>
        %get3A_413 = arith.index_cast %add3A_408 : i32 to index
        %get3A_414 = arith.constant 0 : index
        %get3A_415 = tpu.vector_load %arg7[%get3A_413, %get3A_414] {strides = array<i32>} : memref<400x64xf32, #tpu.memory_space<vmem>>, vector<1x16xf32>,
        %get3A_416 = vector.shape_cast %get3A_415 : vector<1x16xf32> to vector<16xf32>
        %add3A_417 = arith.addf %get3A_412, %get3A_416 : vector<16xf32>
        %swap3A_418 = arith.index_cast %scan3A_407 : i32 to index
        %swap3A_419 = arith.constant 0 : index
        %swap3A_420 = tpu.vector_load %arg8[%swap3A_418, %swap3A_419] {strides = array<i32>} : memref<128x64xf32, #tpu.memory_space<vmem>>, vector<1x16xf32>,
        %swap3A_421 = vector.shape_cast %swap3A_420 : vector<1x16xf32> to vector<16xf32>
        %swap3A_422 = vector.shape_cast %add3A_417 : vector<16xf32> to vector<1x16xf32>
        tpu.vector_store %arg8[%swap3A_418, %swap3A_419], %swap3A_422 {strides = array<i32>} : memref<128x64xf32, #tpu.memory_space<vmem>>, vector<1x16xf32>,
        %get3A_423 = arith.index_cast %scan3A_407 : i32 to index
        %get3A_424 = arith.constant 16 : index
        %get3A_425 = tpu.vector_load %arg8[%get3A_423, %get3A_424] {strides = array<i32>} : memref<128x64xf32, #tpu.memory_space<vmem>>, vector<1x16xf32>,
        %get3A_426 = vector.shape_cast %get3A_425 : vector<1x16xf32> to vector<16xf32>
        %get3A_427 = arith.index_cast %add3A_408 : i32 to index
        %get3A_428 = arith.constant 16 : index
        %get3A_429 = tpu.vector_load %arg7[%get3A_427, %get3A_428] {strides = array<i32>} : memref<400x64xf32, #tpu.memory_space<vmem>>, vector<1x16xf32>,
        %get3A_430 = vector.shape_cast %get3A_429 : vector<1x16xf32> to vector<16xf32>
        %add3A_431 = arith.addf %get3A_426, %get3A_430 : vector<16xf32>
        %swap3A_432 = arith.index_cast %scan3A_407 : i32 to index
        %swap3A_433 = arith.constant 16 : index
        %swap3A_434 = tpu.vector_load %arg8[%swap3A_432, %swap3A_433] {strides = array<i32>} : memref<128x64xf32, #tpu.memory_space<vmem>>, vector<1x16xf32>,
        %swap3A_435 = vector.shape_cast %swap3A_434 : vector<1x16xf32> to vector<16xf32>
        %swap3A_436 = vector.shape_cast %add3A_431 : vector<16xf32> to vector<1x16xf32>
        tpu.vector_store %arg8[%swap3A_432, %swap3A_433], %swap3A_436 {strides = array<i32>} : memref<128x64xf32, #tpu.memory_space<vmem>>, vector<1x16xf32>,
        %get3A_437 = arith.index_cast %scan3A_407 : i32 to index
        %get3A_438 = arith.constant 32 : index
        %get3A_439 = tpu.vector_load %arg8[%get3A_437, %get3A_438] {strides = array<i32>} : memref<128x64xf32, #tpu.memory_space<vmem>>, vector<1x16xf32>,
        %get3A_440 = vector.shape_cast %get3A_439 : vector<1x16xf32> to vector<16xf32>
        %get3A_441 = arith.index_cast %add3A_408 : i32 to index
        %get3A_442 = arith.constant 32 : index
        %get3A_443 = tpu.vector_load %arg7[%get3A_441, %get3A_442] {strides = array<i32>} : memref<400x64xf32, #tpu.memory_space<vmem>>, vector<1x16xf32>,
        %get3A_444 = vector.shape_cast %get3A_443 : vector<1x16xf32> to vector<16xf32>
        %add3A_445 = arith.addf %get3A_440, %get3A_444 : vector<16xf32>
        %swap3A_446 = arith.index_cast %scan3A_407 : i32 to index
        %swap3A_447 = arith.constant 32 : index
        %swap3A_448 = tpu.vector_load %arg8[%swap3A_446, %swap3A_447] {strides = array<i32>} : memref<128x64xf32, #tpu.memory_space<vmem>>, vector<1x16xf32>,
        %swap3A_449 = vector.shape_cast %swap3A_448 : vector<1x16xf32> to vector<16xf32>
        %swap3A_450 = vector.shape_cast %add3A_445 : vector<16xf32> to vector<1x16xf32>
        tpu.vector_store %arg8[%swap3A_446, %swap3A_447], %swap3A_450 {strides = array<i32>} : memref<128x64xf32, #tpu.memory_space<vmem>>, vector<1x16xf32>,
        %get3A_451 = arith.index_cast %scan3A_407 : i32 to index
        %get3A_452 = arith.constant 48 : index
        %get3A_453 = tpu.vector_load %arg8[%get3A_451, %get3A_452] {strides = array<i32>} : memref<128x64xf32, #tpu.memory_space<vmem>>, vector<1x16xf32>,
        %get3A_454 = vector.shape_cast %get3A_453 : vector<1x16xf32> to vector<16xf32>
        %get3A_455 = arith.index_cast %add3A_408 : i32 to index
        %get3A_456 = arith.constant 48 : index
        %get3A_457 = tpu.vector_load %arg7[%get3A_455, %get3A_456] {strides = array<i32>} : memref<400x64xf32, #tpu.memory_space<vmem>>, vector<1x16xf32>,
        %get3A_458 = vector.shape_cast %get3A_457 : vector<1x16xf32> to vector<16xf32>
        %add3A_459 = arith.addf %get3A_454, %get3A_458 : vector<16xf32>
        %swap3A_460 = arith.index_cast %scan3A_407 : i32 to index
        %swap3A_461 = arith.constant 48 : index
        %swap3A_462 = tpu.vector_load %arg8[%swap3A_460, %swap3A_461] {strides = array<i32>} : memref<128x64xf32, #tpu.memory_space<vmem>>, vector<1x16xf32>,
        %swap3A_463 = vector.shape_cast %swap3A_462 : vector<1x16xf32> to vector<16xf32>
        %swap3A_464 = vector.shape_cast %add3A_459 : vector<16xf32> to vector<1x16xf32>
        tpu.vector_store %arg8[%swap3A_460, %swap3A_461], %swap3A_464 {strides = array<i32>} : memref<128x64xf32, #tpu.memory_space<vmem>>, vector<1x16xf32>,
        %scan3A_465 = arith.constant 1 : i32
        %scan3A_466 = arith.addi %scan3A_407, %scan3A_465 : i32
        %add3A_467 = arith.addi %rem3A_323, %scan3A_466 : i32
        %get3A_468 = arith.index_cast %scan3A_466 : i32 to index
        %get3A_469 = arith.constant 0 : index
        %get3A_470 = tpu.vector_load %arg8[%get3A_468, %get3A_469] {strides = array<i32>} : memref<128x64xf32, #tpu.memory_space<vmem>>, vector<1x16xf32>,
        %get3A_471 = vector.shape_cast %get3A_470 : vector<1x16xf32> to vector<16xf32>
        %get3A_472 = arith.index_cast %add3A_467 : i32 to index
        %get3A_473 = arith.constant 0 : index
        %get3A_474 = tpu.vector_load %arg7[%get3A_472, %get3A_473] {strides = array<i32>} : memref<400x64xf32, #tpu.memory_space<vmem>>, vector<1x16xf32>,
        %get3A_475 = vector.shape_cast %get3A_474 : vector<1x16xf32> to vector<16xf32>
        %add3A_476 = arith.addf %get3A_471, %get3A_475 : vector<16xf32>
        %swap3A_477 = arith.index_cast %scan3A_466 : i32 to index
        %swap3A_478 = arith.constant 0 : index
        %swap3A_479 = tpu.vector_load %arg8[%swap3A_477, %swap3A_478] {strides = array<i32>} : memref<128x64xf32, #tpu.memory_space<vmem>>, vector<1x16xf32>,
        %swap3A_480 = vector.shape_cast %swap3A_479 : vector<1x16xf32> to vector<16xf32>
        %swap3A_481 = vector.shape_cast %add3A_476 : vector<16xf32> to vector<1x16xf32>
        tpu.vector_store %arg8[%swap3A_477, %swap3A_478], %swap3A_481 {strides = array<i32>} : memref<128x64xf32, #tpu.memory_space<vmem>>, vector<1x16xf32>,
        %get3A_482 = arith.index_cast %scan3A_466 : i32 to index
        %get3A_483 = arith.constant 16 : index
        %get3A_484 = tpu.vector_load %arg8[%get3A_482, %get3A_483] {strides = array<i32>} : memref<128x64xf32, #tpu.memory_space<vmem>>, vector<1x16xf32>,
        %get3A_485 = vector.shape_cast %get3A_484 : vector<1x16xf32> to vector<16xf32>
        %get3A_486 = arith.index_cast %add3A_467 : i32 to index
        %get3A_487 = arith.constant 16 : index
        %get3A_488 = tpu.vector_load %arg7[%get3A_486, %get3A_487] {strides = array<i32>} : memref<400x64xf32, #tpu.memory_space<vmem>>, vector<1x16xf32>,
        %get3A_489 = vector.shape_cast %get3A_488 : vector<1x16xf32> to vector<16xf32>
        %add3A_490 = arith.addf %get3A_485, %get3A_489 : vector<16xf32>
        %swap3A_491 = arith.index_cast %scan3A_466 : i32 to index
        %swap3A_492 = arith.constant 16 : index
        %swap3A_493 = tpu.vector_load %arg8[%swap3A_491, %swap3A_492] {strides = array<i32>} : memref<128x64xf32, #tpu.memory_space<vmem>>, vector<1x16xf32>,
        %swap3A_494 = vector.shape_cast %swap3A_493 : vector<1x16xf32> to vector<16xf32>
        %swap3A_495 = vector.shape_cast %add3A_490 : vector<16xf32> to vector<1x16xf32>
        tpu.vector_store %arg8[%swap3A_491, %swap3A_492], %swap3A_495 {strides = array<i32>} : memref<128x64xf32, #tpu.memory_space<vmem>>, vector<1x16xf32>,
        %get3A_496 = arith.index_cast %scan3A_466 : i32 to index
        %get3A_497 = arith.constant 32 : index
        %get3A_498 = tpu.vector_load %arg8[%get3A_496, %get3A_497] {strides = array<i32>} : memref<128x64xf32, #tpu.memory_space<vmem>>, vector<1x16xf32>,
        %get3A_499 = vector.shape_cast %get3A_498 : vector<1x16xf32> to vector<16xf32>
        %get3A_500 = arith.index_cast %add3A_467 : i32 to index
        %get3A_501 = arith.constant 32 : index
        %get3A_502 = tpu.vector_load %arg7[%get3A_500, %get3A_501] {strides = array<i32>} : memref<400x64xf32, #tpu.memory_space<vmem>>, vector<1x16xf32>,
        %get3A_503 = vector.shape_cast %get3A_502 : vector<1x16xf32> to vector<16xf32>
        %add3A_504 = arith.addf %get3A_499, %get3A_503 : vector<16xf32>
        %swap3A_505 = arith.index_cast %scan3A_466 : i32 to index
        %swap3A_506 = arith.constant 32 : index
        %swap3A_507 = tpu.vector_load %arg8[%swap3A_505, %swap3A_506] {strides = array<i32>} : memref<128x64xf32, #tpu.memory_space<vmem>>, vector<1x16xf32>,
        %swap3A_508 = vector.shape_cast %swap3A_507 : vector<1x16xf32> to vector<16xf32>
        %swap3A_509 = vector.shape_cast %add3A_504 : vector<16xf32> to vector<1x16xf32>
        tpu.vector_store %arg8[%swap3A_505, %swap3A_506], %swap3A_509 {strides = array<i32>} : memref<128x64xf32, #tpu.memory_space<vmem>>, vector<1x16xf32>,
        %get3A_510 = arith.index_cast %scan3A_466 : i32 to index
        %get3A_511 = arith.constant 48 : index
        %get3A_512 = tpu.vector_load %arg8[%get3A_510, %get3A_511] {strides = array<i32>} : memref<128x64xf32, #tpu.memory_space<vmem>>, vector<1x16xf32>,
        %get3A_513 = vector.shape_cast %get3A_512 : vector<1x16xf32> to vector<16xf32>
        %get3A_514 = arith.index_cast %add3A_467 : i32 to index
        %get3A_515 = arith.constant 48 : index
        %get3A_516 = tpu.vector_load %arg7[%get3A_514, %get3A_515] {strides = array<i32>} : memref<400x64xf32, #tpu.memory_space<vmem>>, vector<1x16xf32>,
        %get3A_517 = vector.shape_cast %get3A_516 : vector<1x16xf32> to vector<16xf32>
        %add3A_518 = arith.addf %get3A_513, %get3A_517 : vector<16xf32>
        %swap3A_519 = arith.index_cast %scan3A_466 : i32 to index
        %swap3A_520 = arith.constant 48 : index
        %swap3A_521 = tpu.vector_load %arg8[%swap3A_519, %swap3A_520] {strides = array<i32>} : memref<128x64xf32, #tpu.memory_space<vmem>>, vector<1x16xf32>,
        %swap3A_522 = vector.shape_cast %swap3A_521 : vector<1x16xf32> to vector<16xf32>
        %swap3A_523 = vector.shape_cast %add3A_518 : vector<16xf32> to vector<1x16xf32>
        tpu.vector_store %arg8[%swap3A_519, %swap3A_520], %swap3A_523 {strides = array<i32>} : memref<128x64xf32, #tpu.memory_space<vmem>>, vector<1x16xf32>,
        %scan3A_524 = arith.constant 2 : i32
        %scan3A_525 = arith.addi %scan3A_407, %scan3A_524 : i32
        %add3A_526 = arith.addi %rem3A_323, %scan3A_525 : i32
        %get3A_527 = arith.index_cast %scan3A_525 : i32 to index
        %get3A_528 = arith.constant 0 : index
        %get3A_529 = tpu.vector_load %arg8[%get3A_527, %get3A_528] {strides = array<i32>} : memref<128x64xf32, #tpu.memory_space<vmem>>, vector<1x16xf32>,
        %get3A_530 = vector.shape_cast %get3A_529 : vector<1x16xf32> to vector<16xf32>
        %get3A_531 = arith.index_cast %add3A_526 : i32 to index
        %get3A_532 = arith.constant 0 : index
        %get3A_533 = tpu.vector_load %arg7[%get3A_531, %get3A_532] {strides = array<i32>} : memref<400x64xf32, #tpu.memory_space<vmem>>, vector<1x16xf32>,
        %get3A_534 = vector.shape_cast %get3A_533 : vector<1x16xf32> to vector<16xf32>
        %add3A_535 = arith.addf %get3A_530, %get3A_534 : vector<16xf32>
        %swap3A_536 = arith.index_cast %scan3A_525 : i32 to index
        %swap3A_537 = arith.constant 0 : index
        %swap3A_538 = tpu.vector_load %arg8[%swap3A_536, %swap3A_537] {strides = array<i32>} : memref<128x64xf32, #tpu.memory_space<vmem>>, vector<1x16xf32>,
        %swap3A_539 = vector.shape_cast %swap3A_538 : vector<1x16xf32> to vector<16xf32>
        %swap3A_540 = vector.shape_cast %add3A_535 : vector<16xf32> to vector<1x16xf32>
        tpu.vector_store %arg8[%swap3A_536, %swap3A_537], %swap3A_540 {strides = array<i32>} : memref<128x64xf32, #tpu.memory_space<vmem>>, vector<1x16xf32>,
        %get3A_541 = arith.index_cast %scan3A_525 : i32 to index
        %get3A_542 = arith.constant 16 : index
        %get3A_543 = tpu.vector_load %arg8[%get3A_541, %get3A_542] {strides = array<i32>} : memref<128x64xf32, #tpu.memory_space<vmem>>, vector<1x16xf32>,
        %get3A_544 = vector.shape_cast %get3A_543 : vector<1x16xf32> to vector<16xf32>
        %get3A_545 = arith.index_cast %add3A_526 : i32 to index
        %get3A_546 = arith.constant 16 : index
        %get3A_547 = tpu.vector_load %arg7[%get3A_545, %get3A_546] {strides = array<i32>} : memref<400x64xf32, #tpu.memory_space<vmem>>, vector<1x16xf32>,
        %get3A_548 = vector.shape_cast %get3A_547 : vector<1x16xf32> to vector<16xf32>
        %add3A_549 = arith.addf %get3A_544, %get3A_548 : vector<16xf32>
        %swap3A_550 = arith.index_cast %scan3A_525 : i32 to index
        %swap3A_551 = arith.constant 16 : index
        %swap3A_552 = tpu.vector_load %arg8[%swap3A_550, %swap3A_551] {strides = array<i32>} : memref<128x64xf32, #tpu.memory_space<vmem>>, vector<1x16xf32>,
        %swap3A_553 = vector.shape_cast %swap3A_552 : vector<1x16xf32> to vector<16xf32>
        %swap3A_554 = vector.shape_cast %add3A_549 : vector<16xf32> to vector<1x16xf32>
        tpu.vector_store %arg8[%swap3A_550, %swap3A_551], %swap3A_554 {strides = array<i32>} : memref<128x64xf32, #tpu.memory_space<vmem>>, vector<1x16xf32>,
        %get3A_555 = arith.index_cast %scan3A_525 : i32 to index
        %get3A_556 = arith.constant 32 : index
        %get3A_557 = tpu.vector_load %arg8[%get3A_555, %get3A_556] {strides = array<i32>} : memref<128x64xf32, #tpu.memory_space<vmem>>, vector<1x16xf32>,
        %get3A_558 = vector.shape_cast %get3A_557 : vector<1x16xf32> to vector<16xf32>
        %get3A_559 = arith.index_cast %add3A_526 : i32 to index
        %get3A_560 = arith.constant 32 : index
        %get3A_561 = tpu.vector_load %arg7[%get3A_559, %get3A_560] {strides = array<i32>} : memref<400x64xf32, #tpu.memory_space<vmem>>, vector<1x16xf32>,
        %get3A_562 = vector.shape_cast %get3A_561 : vector<1x16xf32> to vector<16xf32>
        %add3A_563 = arith.addf %get3A_558, %get3A_562 : vector<16xf32>
        %swap3A_564 = arith.index_cast %scan3A_525 : i32 to index
        %swap3A_565 = arith.constant 32 : index
        %swap3A_566 = tpu.vector_load %arg8[%swap3A_564, %swap3A_565] {strides = array<i32>} : memref<128x64xf32, #tpu.memory_space<vmem>>, vector<1x16xf32>,
        %swap3A_567 = vector.shape_cast %swap3A_566 : vector<1x16xf32> to vector<16xf32>
        %swap3A_568 = vector.shape_cast %add3A_563 : vector<16xf32> to vector<1x16xf32>
        tpu.vector_store %arg8[%swap3A_564, %swap3A_565], %swap3A_568 {strides = array<i32>} : memref<128x64xf32, #tpu.memory_space<vmem>>, vector<1x16xf32>,
        %get3A_569 = arith.index_cast %scan3A_525 : i32 to index
        %get3A_570 = arith.constant 48 : index
        %get3A_571 = tpu.vector_load %arg8[%get3A_569, %get3A_570] {strides = array<i32>} : memref<128x64xf32, #tpu.memory_space<vmem>>, vector<1x16xf32>,
        %get3A_572 = vector.shape_cast %get3A_571 : vector<1x16xf32> to vector<16xf32>
        %get3A_573 = arith.index_cast %add3A_526 : i32 to index
        %get3A_574 = arith.constant 48 : index
        %get3A_575 = tpu.vector_load %arg7[%get3A_573, %get3A_574] {strides = array<i32>} : memref<400x64xf32, #tpu.memory_space<vmem>>, vector<1x16xf32>,
        %get3A_576 = vector.shape_cast %get3A_575 : vector<1x16xf32> to vector<16xf32>
        %add3A_577 = arith.addf %get3A_572, %get3A_576 : vector<16xf32>
        %swap3A_578 = arith.index_cast %scan3A_525 : i32 to index
        %swap3A_579 = arith.constant 48 : index
        %swap3A_580 = tpu.vector_load %arg8[%swap3A_578, %swap3A_579] {strides = array<i32>} : memref<128x64xf32, #tpu.memory_space<vmem>>, vector<1x16xf32>,
        %swap3A_581 = vector.shape_cast %swap3A_580 : vector<1x16xf32> to vector<16xf32>
        %swap3A_582 = vector.shape_cast %add3A_577 : vector<16xf32> to vector<1x16xf32>
        tpu.vector_store %arg8[%swap3A_578, %swap3A_579], %swap3A_582 {strides = array<i32>} : memref<128x64xf32, #tpu.memory_space<vmem>>, vector<1x16xf32>,
        %scan3A_583 = arith.constant 3 : i32
        %scan3A_584 = arith.addi %scan3A_407, %scan3A_583 : i32
        %add3A_585 = arith.addi %rem3A_323, %scan3A_584 : i32
        %get3A_586 = arith.index_cast %scan3A_584 : i32 to index
        %get3A_587 = arith.constant 0 : index
        %get3A_588 = tpu.vector_load %arg8[%get3A_586, %get3A_587] {strides = array<i32>} : memref<128x64xf32, #tpu.memory_space<vmem>>, vector<1x16xf32>,
        %get3A_589 = vector.shape_cast %get3A_588 : vector<1x16xf32> to vector<16xf32>
        %get3A_590 = arith.index_cast %add3A_585 : i32 to index
        %get3A_591 = arith.constant 0 : index
        %get3A_592 = tpu.vector_load %arg7[%get3A_590, %get3A_591] {strides = array<i32>} : memref<400x64xf32, #tpu.memory_space<vmem>>, vector<1x16xf32>,
        %get3A_593 = vector.shape_cast %get3A_592 : vector<1x16xf32> to vector<16xf32>
        %add3A_594 = arith.addf %get3A_589, %get3A_593 : vector<16xf32>
        %swap3A_595 = arith.index_cast %scan3A_584 : i32 to index
        %swap3A_596 = arith.constant 0 : index
        %swap3A_597 = tpu.vector_load %arg8[%swap3A_595, %swap3A_596] {strides = array<i32>} : memref<128x64xf32, #tpu.memory_space<vmem>>, vector<1x16xf32>,
        %swap3A_598 = vector.shape_cast %swap3A_597 : vector<1x16xf32> to vector<16xf32>
        %swap3A_599 = vector.shape_cast %add3A_594 : vector<16xf32> to vector<1x16xf32>
        tpu.vector_store %arg8[%swap3A_595, %swap3A_596], %swap3A_599 {strides = array<i32>} : memref<128x64xf32, #tpu.memory_space<vmem>>, vector<1x16xf32>,
        %get3A_600 = arith.index_cast %scan3A_584 : i32 to index
        %get3A_601 = arith.constant 16 : index
        %get3A_602 = tpu.vector_load %arg8[%get3A_600, %get3A_601] {strides = array<i32>} : memref<128x64xf32, #tpu.memory_space<vmem>>, vector<1x16xf32>,
        %get3A_603 = vector.shape_cast %get3A_602 : vector<1x16xf32> to vector<16xf32>
        %get3A_604 = arith.index_cast %add3A_585 : i32 to index
        %get3A_605 = arith.constant 16 : index
        %get3A_606 = tpu.vector_load %arg7[%get3A_604, %get3A_605] {strides = array<i32>} : memref<400x64xf32, #tpu.memory_space<vmem>>, vector<1x16xf32>,
        %get3A_607 = vector.shape_cast %get3A_606 : vector<1x16xf32> to vector<16xf32>
        %add3A_608 = arith.addf %get3A_603, %get3A_607 : vector<16xf32>
        %swap3A_609 = arith.index_cast %scan3A_584 : i32 to index
        %swap3A_610 = arith.constant 16 : index
        %swap3A_611 = tpu.vector_load %arg8[%swap3A_609, %swap3A_610] {strides = array<i32>} : memref<128x64xf32, #tpu.memory_space<vmem>>, vector<1x16xf32>,
        %swap3A_612 = vector.shape_cast %swap3A_611 : vector<1x16xf32> to vector<16xf32>
        %swap3A_613 = vector.shape_cast %add3A_608 : vector<16xf32> to vector<1x16xf32>
        tpu.vector_store %arg8[%swap3A_609, %swap3A_610], %swap3A_613 {strides = array<i32>} : memref<128x64xf32, #tpu.memory_space<vmem>>, vector<1x16xf32>,
        %get3A_614 = arith.index_cast %scan3A_584 : i32 to index
        %get3A_615 = arith.constant 32 : index
        %get3A_616 = tpu.vector_load %arg8[%get3A_614, %get3A_615] {strides = array<i32>} : memref<128x64xf32, #tpu.memory_space<vmem>>, vector<1x16xf32>,
        %get3A_617 = vector.shape_cast %get3A_616 : vector<1x16xf32> to vector<16xf32>
        %get3A_618 = arith.index_cast %add3A_585 : i32 to index
        %get3A_619 = arith.constant 32 : index
        %get3A_620 = tpu.vector_load %arg7[%get3A_618, %get3A_619] {strides = array<i32>} : memref<400x64xf32, #tpu.memory_space<vmem>>, vector<1x16xf32>,
        %get3A_621 = vector.shape_cast %get3A_620 : vector<1x16xf32> to vector<16xf32>
        %add3A_622 = arith.addf %get3A_617, %get3A_621 : vector<16xf32>
        %swap3A_623 = arith.index_cast %scan3A_584 : i32 to index
        %swap3A_624 = arith.constant 32 : index
        %swap3A_625 = tpu.vector_load %arg8[%swap3A_623, %swap3A_624] {strides = array<i32>} : memref<128x64xf32, #tpu.memory_space<vmem>>, vector<1x16xf32>,
        %swap3A_626 = vector.shape_cast %swap3A_625 : vector<1x16xf32> to vector<16xf32>
        %swap3A_627 = vector.shape_cast %add3A_622 : vector<16xf32> to vector<1x16xf32>
        tpu.vector_store %arg8[%swap3A_623, %swap3A_624], %swap3A_627 {strides = array<i32>} : memref<128x64xf32, #tpu.memory_space<vmem>>, vector<1x16xf32>,
        %get3A_628 = arith.index_cast %scan3A_584 : i32 to index
        %get3A_629 = arith.constant 48 : index
        %get3A_630 = tpu.vector_load %arg8[%get3A_628, %get3A_629] {strides = array<i32>} : memref<128x64xf32, #tpu.memory_space<vmem>>, vector<1x16xf32>,
        %get3A_631 = vector.shape_cast %get3A_630 : vector<1x16xf32> to vector<16xf32>
        %get3A_632 = arith.index_cast %add3A_585 : i32 to index
        %get3A_633 = arith.constant 48 : index
        %get3A_634 = tpu.vector_load %arg7[%get3A_632, %get3A_633] {strides = array<i32>} : memref<400x64xf32, #tpu.memory_space<vmem>>, vector<1x16xf32>,
        %get3A_635 = vector.shape_cast %get3A_634 : vector<1x16xf32> to vector<16xf32>
        %add3A_636 = arith.addf %get3A_631, %get3A_635 : vector<16xf32>
        %swap3A_637 = arith.index_cast %scan3A_584 : i32 to index
        %swap3A_638 = arith.constant 48 : index
        %swap3A_639 = tpu.vector_load %arg8[%swap3A_637, %swap3A_638] {strides = array<i32>} : memref<128x64xf32, #tpu.memory_space<vmem>>, vector<1x16xf32>,
        %swap3A_640 = vector.shape_cast %swap3A_639 : vector<1x16xf32> to vector<16xf32>
        %swap3A_641 = vector.shape_cast %add3A_636 : vector<16xf32> to vector<1x16xf32>
        tpu.vector_store %arg8[%swap3A_637, %swap3A_638], %swap3A_641 {strides = array<i32>} : memref<128x64xf32, #tpu.memory_space<vmem>>, vector<1x16xf32>,
      }
      %scan3A_329 = arith.constant 128 : i32
      %mul3A_330 = arith.constant 128 : i32
      %mul3A_331 = arith.muli %mul3A_308, %mul3A_330 : i32
      %add3A_332 = arith.addi %mul3A_2, %mul3A_331 : i32
      %dma_start3A_333 = arith.constant 0 : i32
      %dma_start3A_334 = tpu.memref_slice %arg5[%add3A_332, %dma_start3A_333] : memref<204800x64xf32, #tpu.memory_space<hbm>> -> memref<128x64xf32, #tpu.memory_space<hbm>>
      %dma_start3A_335 = arith.constant 0 : i32
      %dma_start3A_336 = tpu.memref_slice %arg5[%add3A_332, %dma_start3A_335] : memref<204800x64xf32, #tpu.memory_space<hbm>> -> memref<128x64xf32, #tpu.memory_space<hbm>>
      tpu.enqueue_dma source(%arg8 : memref<128x64xf32, #tpu.memory_space<vmem>>) target(%dma_start3A_336 : memref<128x64xf32, #tpu.memory_space<hbm>>) target_semaphore(%arg14 : memref<!tpu.dma_semaphore, #tpu.memory_space<semaphore_mem>>)
      %mul3A_337 = arith.constant 3 : i32
      %mul3A_338 = arith.muli %mul3A_337, %scan3A_306 : i32
      %add3A_339 = arith.constant 1 : i32
      %add3A_340 = arith.addi %mul3A_338, %add3A_339 : i32
      %add3A_341 = arith.constant 2 : i32
      %add3A_342 = arith.addi %add3A_340, %add3A_341 : i32
      %lt3A_343 = arith.constant 50 : i32
      %lt3A_344 = arith.cmpi slt, %add3A_342, %lt3A_343 : i32
      %convert_element_type3A_345 = arith.extui %lt3A_344 : i1 to i32
      %cond3A_346 = arith.constant 0 : i32
      %cond3A_347 = arith.cmpi ne, %convert_element_type3A_345, %cond3A_346 : i32
      scf.if %cond3A_347 {
        %ge3A = arith.constant 1 : i32
        %ge3A_407 = arith.cmpi sge, %add3A_340, %ge3A : i32
        %convert_element_type3A_408 = arith.extui %ge3A_407 : i1 to i32
        %cond3A_409 = arith.constant 0 : i32
        %cond3A_410 = arith.cmpi ne, %convert_element_type3A_408, %cond3A_409 : i32
        scf.if %cond3A_410 {
          %dma_wait3A_517 = arith.constant 0 : i32
          %dma_wait3A_518 = arith.constant 0 : i32
          %dma_wait3A_519 = tpu.memref_slice %arg6[%dma_wait3A_517, %dma_wait3A_518] : memref<50x128xi32, #tpu.memory_space<vmem>> -> memref<1x128xi32, #tpu.memory_space<vmem>>
          %dma_wait3A_520 = tpu.memref_squeeze %dma_wait3A_519 : memref<1x128xi32, #tpu.memory_space<vmem>> -> memref<128xi32, #tpu.memory_space<vmem>>
          %dma_wait3A_521 = arith.constant 0 : i32
          %dma_wait3A_522 = arith.constant 0 : i32
          %dma_wait3A_523 = tpu.memref_slice %arg2[%dma_wait3A_521, %dma_wait3A_522] : memref<1000001x64xf32, #tpu.memory_space<hbm>> -> memref<1000001x64xf32, #tpu.memory_space<hbm>>
          tpu.wait_indirect_dma semaphore(%arg14 : memref<!tpu.dma_semaphore, #tpu.memory_space<semaphore_mem>>) src(%dma_wait3A_523 : memref<1000001x64xf32, #tpu.memory_space<hbm>>) dst(%arg8 : memref<128x64xf32, #tpu.memory_space<vmem>>)
        } else {
        }
        %add3A_411 = arith.constant 2 : i32
        %add3A_412 = arith.addi %add3A_340, %add3A_411 : i32
        %get3A_413 = arith.index_cast %add3A_412 : i32 to index
        %get3A_414 = arith.constant 0 : index
        %get3A_415 = tpu.vector_load %arg6[%get3A_413, %get3A_414] {strides = array<i32>} : memref<50x128xi32, #tpu.memory_space<vmem>>, vector<1x16xi32>,
        %get3A_416 = vector.shape_cast %get3A_415 : vector<1x16xi32> to vector<16xi32>
        %add3A_417 = arith.constant 1 : i32
        %add3A_418 = vector.broadcast %add3A_417 : i32 to vector<16xi32>
        %add3A_419 = arith.addi %get3A_416, %add3A_418 : vector<16xi32>
        %swap3A_420 = arith.index_cast %add3A_412 : i32 to index
        %swap3A_421 = arith.constant 0 : index
        %swap3A_422 = tpu.vector_load %arg6[%swap3A_420, %swap3A_421] {strides = array<i32>} : memref<50x128xi32, #tpu.memory_space<vmem>>, vector<1x16xi32>,
        %swap3A_423 = vector.shape_cast %swap3A_422 : vector<1x16xi32> to vector<16xi32>
        %swap3A_424 = vector.shape_cast %add3A_419 : vector<16xi32> to vector<1x16xi32>
        tpu.vector_store %arg6[%swap3A_420, %swap3A_421], %swap3A_424 {strides = array<i32>} : memref<50x128xi32, #tpu.memory_space<vmem>>, vector<1x16xi32>,
        %get3A_425 = arith.index_cast %add3A_412 : i32 to index
        %get3A_426 = arith.constant 16 : index
        %get3A_427 = tpu.vector_load %arg6[%get3A_425, %get3A_426] {strides = array<i32>} : memref<50x128xi32, #tpu.memory_space<vmem>>, vector<1x16xi32>,
        %get3A_428 = vector.shape_cast %get3A_427 : vector<1x16xi32> to vector<16xi32>
        %add3A_429 = arith.constant 1 : i32
        %add3A_430 = vector.broadcast %add3A_429 : i32 to vector<16xi32>
        %add3A_431 = arith.addi %get3A_428, %add3A_430 : vector<16xi32>
        %swap3A_432 = arith.index_cast %add3A_412 : i32 to index
        %swap3A_433 = arith.constant 16 : index
        %swap3A_434 = tpu.vector_load %arg6[%swap3A_432, %swap3A_433] {strides = array<i32>} : memref<50x128xi32, #tpu.memory_space<vmem>>, vector<1x16xi32>,
        %swap3A_435 = vector.shape_cast %swap3A_434 : vector<1x16xi32> to vector<16xi32>
        %swap3A_436 = vector.shape_cast %add3A_431 : vector<16xi32> to vector<1x16xi32>
        tpu.vector_store %arg6[%swap3A_432, %swap3A_433], %swap3A_436 {strides = array<i32>} : memref<50x128xi32, #tpu.memory_space<vmem>>, vector<1x16xi32>,
        %get3A_437 = arith.index_cast %add3A_412 : i32 to index
        %get3A_438 = arith.constant 32 : index
        %get3A_439 = tpu.vector_load %arg6[%get3A_437, %get3A_438] {strides = array<i32>} : memref<50x128xi32, #tpu.memory_space<vmem>>, vector<1x16xi32>,
        %get3A_440 = vector.shape_cast %get3A_439 : vector<1x16xi32> to vector<16xi32>
        %add3A_441 = arith.constant 1 : i32
        %add3A_442 = vector.broadcast %add3A_441 : i32 to vector<16xi32>
        %add3A_443 = arith.addi %get3A_440, %add3A_442 : vector<16xi32>
        %swap3A_444 = arith.index_cast %add3A_412 : i32 to index
        %swap3A_445 = arith.constant 32 : index
        %swap3A_446 = tpu.vector_load %arg6[%swap3A_444, %swap3A_445] {strides = array<i32>} : memref<50x128xi32, #tpu.memory_space<vmem>>, vector<1x16xi32>,
        %swap3A_447 = vector.shape_cast %swap3A_446 : vector<1x16xi32> to vector<16xi32>
        %swap3A_448 = vector.shape_cast %add3A_443 : vector<16xi32> to vector<1x16xi32>
        tpu.vector_store %arg6[%swap3A_444, %swap3A_445], %swap3A_448 {strides = array<i32>} : memref<50x128xi32, #tpu.memory_space<vmem>>, vector<1x16xi32>,
        %get3A_449 = arith.index_cast %add3A_412 : i32 to index
        %get3A_450 = arith.constant 48 : index
        %get3A_451 = tpu.vector_load %arg6[%get3A_449, %get3A_450] {strides = array<i32>} : memref<50x128xi32, #tpu.memory_space<vmem>>, vector<1x16xi32>,
        %get3A_452 = vector.shape_cast %get3A_451 : vector<1x16xi32> to vector<16xi32>
        %add3A_453 = arith.constant 1 : i32
        %add3A_454 = vector.broadcast %add3A_453 : i32 to vector<16xi32>
        %add3A_455 = arith.addi %get3A_452, %add3A_454 : vector<16xi32>
        %swap3A_456 = arith.index_cast %add3A_412 : i32 to index
        %swap3A_457 = arith.constant 48 : index
        %swap3A_458 = tpu.vector_load %arg6[%swap3A_456, %swap3A_457] {strides = array<i32>} : memref<50x128xi32, #tpu.memory_space<vmem>>, vector<1x16xi32>,
        %swap3A_459 = vector.shape_cast %swap3A_458 : vector<1x16xi32> to vector<16xi32>
        %swap3A_460 = vector.shape_cast %add3A_455 : vector<16xi32> to vector<1x16xi32>
        tpu.vector_store %arg6[%swap3A_456, %swap3A_457], %swap3A_460 {strides = array<i32>} : memref<50x128xi32, #tpu.memory_space<vmem>>, vector<1x16xi32>,
        %get3A_461 = arith.index_cast %add3A_412 : i32 to index
        %get3A_462 = arith.constant 64 : index
        %get3A_463 = tpu.vector_load %arg6[%get3A_461, %get3A_462] {strides = array<i32>} : memref<50x128xi32, #tpu.memory_space<vmem>>, vector<1x16xi32>,
        %get3A_464 = vector.shape_cast %get3A_463 : vector<1x16xi32> to vector<16xi32>
        %add3A_465 = arith.constant 1 : i32
        %add3A_466 = vector.broadcast %add3A_465 : i32 to vector<16xi32>
        %add3A_467 = arith.addi %get3A_464, %add3A_466 : vector<16xi32>
        %swap3A_468 = arith.index_cast %add3A_412 : i32 to index
        %swap3A_469 = arith.constant 64 : index
        %swap3A_470 = tpu.vector_load %arg6[%swap3A_468, %swap3A_469] {strides = array<i32>} : memref<50x128xi32, #tpu.memory_space<vmem>>, vector<1x16xi32>,
        %swap3A_471 = vector.shape_cast %swap3A_470 : vector<1x16xi32> to vector<16xi32>
        %swap3A_472 = vector.shape_cast %add3A_467 : vector<16xi32> to vector<1x16xi32>
        tpu.vector_store %arg6[%swap3A_468, %swap3A_469], %swap3A_472 {strides = array<i32>} : memref<50x128xi32, #tpu.memory_space<vmem>>, vector<1x16xi32>,
        %get3A_473 = arith.index_cast %add3A_412 : i32 to index
        %get3A_474 = arith.constant 80 : index
        %get3A_475 = tpu.vector_load %arg6[%get3A_473, %get3A_474] {strides = array<i32>} : memref<50x128xi32, #tpu.memory_space<vmem>>, vector<1x16xi32>,
        %get3A_476 = vector.shape_cast %get3A_475 : vector<1x16xi32> to vector<16xi32>
        %add3A_477 = arith.constant 1 : i32
        %add3A_478 = vector.broadcast %add3A_477 : i32 to vector<16xi32>
        %add3A_479 = arith.addi %get3A_476, %add3A_478 : vector<16xi32>
        %swap3A_480 = arith.index_cast %add3A_412 : i32 to index
        %swap3A_481 = arith.constant 80 : index
        %swap3A_482 = tpu.vector_load %arg6[%swap3A_480, %swap3A_481] {strides = array<i32>} : memref<50x128xi32, #tpu.memory_space<vmem>>, vector<1x16xi32>,
        %swap3A_483 = vector.shape_cast %swap3A_482 : vector<1x16xi32> to vector<16xi32>
        %swap3A_484 = vector.shape_cast %add3A_479 : vector<16xi32> to vector<1x16xi32>
        tpu.vector_store %arg6[%swap3A_480, %swap3A_481], %swap3A_484 {strides = array<i32>} : memref<50x128xi32, #tpu.memory_space<vmem>>, vector<1x16xi32>,
        %get3A_485 = arith.index_cast %add3A_412 : i32 to index
        %get3A_486 = arith.constant 96 : index
        %get3A_487 = tpu.vector_load %arg6[%get3A_485, %get3A_486] {strides = array<i32>} : memref<50x128xi32, #tpu.memory_space<vmem>>, vector<1x16xi32>,
        %get3A_488 = vector.shape_cast %get3A_487 : vector<1x16xi32> to vector<16xi32>
        %add3A_489 = arith.constant 1 : i32
        %add3A_490 = vector.broadcast %add3A_489 : i32 to vector<16xi32>
        %add3A_491 = arith.addi %get3A_488, %add3A_490 : vector<16xi32>
        %swap3A_492 = arith.index_cast %add3A_412 : i32 to index
        %swap3A_493 = arith.constant 96 : index
        %swap3A_494 = tpu.vector_load %arg6[%swap3A_492, %swap3A_493] {strides = array<i32>} : memref<50x128xi32, #tpu.memory_space<vmem>>, vector<1x16xi32>,
        %swap3A_495 = vector.shape_cast %swap3A_494 : vector<1x16xi32> to vector<16xi32>
        %swap3A_496 = vector.shape_cast %add3A_491 : vector<16xi32> to vector<1x16xi32>
        tpu.vector_store %arg6[%swap3A_492, %swap3A_493], %swap3A_496 {strides = array<i32>} : memref<50x128xi32, #tpu.memory_space<vmem>>, vector<1x16xi32>,
        %get3A_497 = arith.index_cast %add3A_412 : i32 to index
        %get3A_498 = arith.constant 112 : index
        %get3A_499 = tpu.vector_load %arg6[%get3A_497, %get3A_498] {strides = array<i32>} : memref<50x128xi32, #tpu.memory_space<vmem>>, vector<1x16xi32>,
        %get3A_500 = vector.shape_cast %get3A_499 : vector<1x16xi32> to vector<16xi32>
        %add3A_501 = arith.constant 1 : i32
        %add3A_502 = vector.broadcast %add3A_501 : i32 to vector<16xi32>
        %add3A_503 = arith.addi %get3A_500, %add3A_502 : vector<16xi32>
        %swap3A_504 = arith.index_cast %add3A_412 : i32 to index
        %swap3A_505 = arith.constant 112 : index
        %swap3A_506 = tpu.vector_load %arg6[%swap3A_504, %swap3A_505] {strides = array<i32>} : memref<50x128xi32, #tpu.memory_space<vmem>>, vector<1x16xi32>,
        %swap3A_507 = vector.shape_cast %swap3A_506 : vector<1x16xi32> to vector<16xi32>
        %swap3A_508 = vector.shape_cast %add3A_503 : vector<16xi32> to vector<1x16xi32>
        tpu.vector_store %arg6[%swap3A_504, %swap3A_505], %swap3A_508 {strides = array<i32>} : memref<50x128xi32, #tpu.memory_space<vmem>>, vector<1x16xi32>,
        %add3A_509 = arith.constant 2 : i32
        %add3A_510 = arith.addi %add3A_340, %add3A_509 : i32
        %dma_start3A_511 = arith.constant 0 : i32
        %dma_start3A_512 = tpu.memref_slice %arg6[%add3A_510, %dma_start3A_511] : memref<50x128xi32, #tpu.memory_space<vmem>> -> memref<1x128xi32, #tpu.memory_space<vmem>>
        %dma_start3A_513 = tpu.memref_squeeze %dma_start3A_512 : memref<1x128xi32, #tpu.memory_space<vmem>> -> memref<128xi32, #tpu.memory_space<vmem>>
        %dma_start3A_514 = arith.constant 0 : i32
        %dma_start3A_515 = arith.constant 0 : i32
        %dma_start3A_516 = tpu.memref_slice %arg2[%dma_start3A_514, %dma_start3A_515] : memref<1000001x64xf32, #tpu.memory_space<hbm>> -> memref<1000001x64xf32, #tpu.memory_space<hbm>>
        tpu.enqueue_indirect_dma source(%dma_start3A_516 : memref<1000001x64xf32, #tpu.memory_space<hbm>>) target(%arg8 : memref<128x64xf32, #tpu.memory_space<vmem>>) offsets(%dma_start3A_513 : memref<128xi32, #tpu.memory_space<vmem>>) semaphore(%arg11 : memref<!tpu.dma_semaphore, #tpu.memory_space<semaphore_mem>>)
      } else {
      }
      %dma_wait3A_348 = arith.constant 0 : i32
      %dma_wait3A_349 = arith.constant 0 : i32
      %dma_wait3A_350 = tpu.memref_slice %arg6[%dma_wait3A_348, %dma_wait3A_349] : memref<50x128xi32, #tpu.memory_space<vmem>> -> memref<1x128xi32, #tpu.memory_space<vmem>>
      %dma_wait3A_351 = tpu.memref_squeeze %dma_wait3A_350 : memref<1x128xi32, #tpu.memory_space<vmem>> -> memref<128xi32, #tpu.memory_space<vmem>>
      %dma_wait3A_352 = arith.constant 0 : i32
      %dma_wait3A_353 = arith.constant 0 : i32
      %dma_wait3A_354 = tpu.memref_slice %arg2[%dma_wait3A_352, %dma_wait3A_353] : memref<1000001x64xf32, #tpu.memory_space<hbm>> -> memref<1000001x64xf32, #tpu.memory_space<hbm>>
      tpu.wait_indirect_dma semaphore(%arg12 : memref<!tpu.dma_semaphore, #tpu.memory_space<semaphore_mem>>) src(%dma_wait3A_354 : memref<1000001x64xf32, #tpu.memory_space<hbm>>) dst(%arg9 : memref<128x64xf32, #tpu.memory_space<vmem>>)
      %mul3A_355 = arith.constant 128 : i32
      %mul3A_356 = arith.muli %add3A_340, %mul3A_355 : i32
      %rem3A_357 = arith.constant 200 : i32
      %rem3A_358 = arith.remsi %mul3A_356, %rem3A_357 : i32
      %scan3A_359 = arith.constant 0 : i32
      %scan3A_360 = arith.constant 0 : i32
      %scan3A_361 = arith.constant 128 : i32
      %scan3A_362 = arith.addi %scan3A_360, %scan3A_361 : i32
      %scan3A_363 = arith.constant 4 : i32
      scf.for %scan3A_407 = %scan3A_360 to %scan3A_362 step %scan3A_363  : i32 {
        %add3A_408 = arith.addi %rem3A_358, %scan3A_407 : i32
        %get3A_409 = arith.index_cast %scan3A_407 : i32 to index
        %get3A_410 = arith.constant 0 : index
        %get3A_411 = tpu.vector_load %arg9[%get3A_409, %get3A_410] {strides = array<i32>} : memref<128x64xf32, #tpu.memory_space<vmem>>, vector<1x16xf32>,
        %get3A_412 = vector.shape_cast %get3A_411 : vector<1x16xf32> to vector<16xf32>
        %get3A_413 = arith.index_cast %add3A_408 : i32 to index
        %get3A_414 = arith.constant 0 : index
        %get3A_415 = tpu.vector_load %arg7[%get3A_413, %get3A_414] {strides = array<i32>} : memref<400x64xf32, #tpu.memory_space<vmem>>, vector<1x16xf32>,
        %get3A_416 = vector.shape_cast %get3A_415 : vector<1x16xf32> to vector<16xf32>
        %add3A_417 = arith.addf %get3A_412, %get3A_416 : vector<16xf32>
        %swap3A_418 = arith.index_cast %scan3A_407 : i32 to index
        %swap3A_419 = arith.constant 0 : index
        %swap3A_420 = tpu.vector_load %arg9[%swap3A_418, %swap3A_419] {strides = array<i32>} : memref<128x64xf32, #tpu.memory_space<vmem>>, vector<1x16xf32>,
        %swap3A_421 = vector.shape_cast %swap3A_420 : vector<1x16xf32> to vector<16xf32>
        %swap3A_422 = vector.shape_cast %add3A_417 : vector<16xf32> to vector<1x16xf32>
        tpu.vector_store %arg9[%swap3A_418, %swap3A_419], %swap3A_422 {strides = array<i32>} : memref<128x64xf32, #tpu.memory_space<vmem>>, vector<1x16xf32>,
        %get3A_423 = arith.index_cast %scan3A_407 : i32 to index
        %get3A_424 = arith.constant 16 : index
        %get3A_425 = tpu.vector_load %arg9[%get3A_423, %get3A_424] {strides = array<i32>} : memref<128x64xf32, #tpu.memory_space<vmem>>, vector<1x16xf32>,
        %get3A_426 = vector.shape_cast %get3A_425 : vector<1x16xf32> to vector<16xf32>
        %get3A_427 = arith.index_cast %add3A_408 : i32 to index
        %get3A_428 = arith.constant 16 : index
        %get3A_429 = tpu.vector_load %arg7[%get3A_427, %get3A_428] {strides = array<i32>} : memref<400x64xf32, #tpu.memory_space<vmem>>, vector<1x16xf32>,
        %get3A_430 = vector.shape_cast %get3A_429 : vector<1x16xf32> to vector<16xf32>
        %add3A_431 = arith.addf %get3A_426, %get3A_430 : vector<16xf32>
        %swap3A_432 = arith.index_cast %scan3A_407 : i32 to index
        %swap3A_433 = arith.constant 16 : index
        %swap3A_434 = tpu.vector_load %arg9[%swap3A_432, %swap3A_433] {strides = array<i32>} : memref<128x64xf32, #tpu.memory_space<vmem>>, vector<1x16xf32>,
        %swap3A_435 = vector.shape_cast %swap3A_434 : vector<1x16xf32> to vector<16xf32>
        %swap3A_436 = vector.shape_cast %add3A_431 : vector<16xf32> to vector<1x16xf32>
        tpu.vector_store %arg9[%swap3A_432, %swap3A_433], %swap3A_436 {strides = array<i32>} : memref<128x64xf32, #tpu.memory_space<vmem>>, vector<1x16xf32>,
        %get3A_437 = arith.index_cast %scan3A_407 : i32 to index
        %get3A_438 = arith.constant 32 : index
        %get3A_439 = tpu.vector_load %arg9[%get3A_437, %get3A_438] {strides = array<i32>} : memref<128x64xf32, #tpu.memory_space<vmem>>, vector<1x16xf32>,
        %get3A_440 = vector.shape_cast %get3A_439 : vector<1x16xf32> to vector<16xf32>
        %get3A_441 = arith.index_cast %add3A_408 : i32 to index
        %get3A_442 = arith.constant 32 : index
        %get3A_443 = tpu.vector_load %arg7[%get3A_441, %get3A_442] {strides = array<i32>} : memref<400x64xf32, #tpu.memory_space<vmem>>, vector<1x16xf32>,
        %get3A_444 = vector.shape_cast %get3A_443 : vector<1x16xf32> to vector<16xf32>
        %add3A_445 = arith.addf %get3A_440, %get3A_444 : vector<16xf32>
        %swap3A_446 = arith.index_cast %scan3A_407 : i32 to index
        %swap3A_447 = arith.constant 32 : index
        %swap3A_448 = tpu.vector_load %arg9[%swap3A_446, %swap3A_447] {strides = array<i32>} : memref<128x64xf32, #tpu.memory_space<vmem>>, vector<1x16xf32>,
        %swap3A_449 = vector.shape_cast %swap3A_448 : vector<1x16xf32> to vector<16xf32>
        %swap3A_450 = vector.shape_cast %add3A_445 : vector<16xf32> to vector<1x16xf32>
        tpu.vector_store %arg9[%swap3A_446, %swap3A_447], %swap3A_450 {strides = array<i32>} : memref<128x64xf32, #tpu.memory_space<vmem>>, vector<1x16xf32>,
        %get3A_451 = arith.index_cast %scan3A_407 : i32 to index
        %get3A_452 = arith.constant 48 : index
        %get3A_453 = tpu.vector_load %arg9[%get3A_451, %get3A_452] {strides = array<i32>} : memref<128x64xf32, #tpu.memory_space<vmem>>, vector<1x16xf32>,
        %get3A_454 = vector.shape_cast %get3A_453 : vector<1x16xf32> to vector<16xf32>
        %get3A_455 = arith.index_cast %add3A_408 : i32 to index
        %get3A_456 = arith.constant 48 : index
        %get3A_457 = tpu.vector_load %arg7[%get3A_455, %get3A_456] {strides = array<i32>} : memref<400x64xf32, #tpu.memory_space<vmem>>, vector<1x16xf32>,
        %get3A_458 = vector.shape_cast %get3A_457 : vector<1x16xf32> to vector<16xf32>
        %add3A_459 = arith.addf %get3A_454, %get3A_458 : vector<16xf32>
        %swap3A_460 = arith.index_cast %scan3A_407 : i32 to index
        %swap3A_461 = arith.constant 48 : index
        %swap3A_462 = tpu.vector_load %arg9[%swap3A_460, %swap3A_461] {strides = array<i32>} : memref<128x64xf32, #tpu.memory_space<vmem>>, vector<1x16xf32>,
        %swap3A_463 = vector.shape_cast %swap3A_462 : vector<1x16xf32> to vector<16xf32>
        %swap3A_464 = vector.shape_cast %add3A_459 : vector<16xf32> to vector<1x16xf32>
        tpu.vector_store %arg9[%swap3A_460, %swap3A_461], %swap3A_464 {strides = array<i32>} : memref<128x64xf32, #tpu.memory_space<vmem>>, vector<1x16xf32>,
        %scan3A_465 = arith.constant 1 : i32
        %scan3A_466 = arith.addi %scan3A_407, %scan3A_465 : i32
        %add3A_467 = arith.addi %rem3A_358, %scan3A_466 : i32
        %get3A_468 = arith.index_cast %scan3A_466 : i32 to index
        %get3A_469 = arith.constant 0 : index
        %get3A_470 = tpu.vector_load %arg9[%get3A_468, %get3A_469] {strides = array<i32>} : memref<128x64xf32, #tpu.memory_space<vmem>>, vector<1x16xf32>,
        %get3A_471 = vector.shape_cast %get3A_470 : vector<1x16xf32> to vector<16xf32>
        %get3A_472 = arith.index_cast %add3A_467 : i32 to index
        %get3A_473 = arith.constant 0 : index
        %get3A_474 = tpu.vector_load %arg7[%get3A_472, %get3A_473] {strides = array<i32>} : memref<400x64xf32, #tpu.memory_space<vmem>>, vector<1x16xf32>,
        %get3A_475 = vector.shape_cast %get3A_474 : vector<1x16xf32> to vector<16xf32>
        %add3A_476 = arith.addf %get3A_471, %get3A_475 : vector<16xf32>
        %swap3A_477 = arith.index_cast %scan3A_466 : i32 to index
        %swap3A_478 = arith.constant 0 : index
        %swap3A_479 = tpu.vector_load %arg9[%swap3A_477, %swap3A_478] {strides = array<i32>} : memref<128x64xf32, #tpu.memory_space<vmem>>, vector<1x16xf32>,
        %swap3A_480 = vector.shape_cast %swap3A_479 : vector<1x16xf32> to vector<16xf32>
        %swap3A_481 = vector.shape_cast %add3A_476 : vector<16xf32> to vector<1x16xf32>
        tpu.vector_store %arg9[%swap3A_477, %swap3A_478], %swap3A_481 {strides = array<i32>} : memref<128x64xf32, #tpu.memory_space<vmem>>, vector<1x16xf32>,
        %get3A_482 = arith.index_cast %scan3A_466 : i32 to index
        %get3A_483 = arith.constant 16 : index
        %get3A_484 = tpu.vector_load %arg9[%get3A_482, %get3A_483] {strides = array<i32>} : memref<128x64xf32, #tpu.memory_space<vmem>>, vector<1x16xf32>,
        %get3A_485 = vector.shape_cast %get3A_484 : vector<1x16xf32> to vector<16xf32>
        %get3A_486 = arith.index_cast %add3A_467 : i32 to index
        %get3A_487 = arith.constant 16 : index
        %get3A_488 = tpu.vector_load %arg7[%get3A_486, %get3A_487] {strides = array<i32>} : memref<400x64xf32, #tpu.memory_space<vmem>>, vector<1x16xf32>,
        %get3A_489 = vector.shape_cast %get3A_488 : vector<1x16xf32> to vector<16xf32>
        %add3A_490 = arith.addf %get3A_485, %get3A_489 : vector<16xf32>
        %swap3A_491 = arith.index_cast %scan3A_466 : i32 to index
        %swap3A_492 = arith.constant 16 : index
        %swap3A_493 = tpu.vector_load %arg9[%swap3A_491, %swap3A_492] {strides = array<i32>} : memref<128x64xf32, #tpu.memory_space<vmem>>, vector<1x16xf32>,
        %swap3A_494 = vector.shape_cast %swap3A_493 : vector<1x16xf32> to vector<16xf32>
        %swap3A_495 = vector.shape_cast %add3A_490 : vector<16xf32> to vector<1x16xf32>
        tpu.vector_store %arg9[%swap3A_491, %swap3A_492], %swap3A_495 {strides = array<i32>} : memref<128x64xf32, #tpu.memory_space<vmem>>, vector<1x16xf32>,
        %get3A_496 = arith.index_cast %scan3A_466 : i32 to index
        %get3A_497 = arith.constant 32 : index
        %get3A_498 = tpu.vector_load %arg9[%get3A_496, %get3A_497] {strides = array<i32>} : memref<128x64xf32, #tpu.memory_space<vmem>>, vector<1x16xf32>,
        %get3A_499 = vector.shape_cast %get3A_498 : vector<1x16xf32> to vector<16xf32>
        %get3A_500 = arith.index_cast %add3A_467 : i32 to index
        %get3A_501 = arith.constant 32 : index
        %get3A_502 = tpu.vector_load %arg7[%get3A_500, %get3A_501] {strides = array<i32>} : memref<400x64xf32, #tpu.memory_space<vmem>>, vector<1x16xf32>,
        %get3A_503 = vector.shape_cast %get3A_502 : vector<1x16xf32> to vector<16xf32>
        %add3A_504 = arith.addf %get3A_499, %get3A_503 : vector<16xf32>
        %swap3A_505 = arith.index_cast %scan3A_466 : i32 to index
        %swap3A_506 = arith.constant 32 : index
        %swap3A_507 = tpu.vector_load %arg9[%swap3A_505, %swap3A_506] {strides = array<i32>} : memref<128x64xf32, #tpu.memory_space<vmem>>, vector<1x16xf32>,
        %swap3A_508 = vector.shape_cast %swap3A_507 : vector<1x16xf32> to vector<16xf32>
        %swap3A_509 = vector.shape_cast %add3A_504 : vector<16xf32> to vector<1x16xf32>
        tpu.vector_store %arg9[%swap3A_505, %swap3A_506], %swap3A_509 {strides = array<i32>} : memref<128x64xf32, #tpu.memory_space<vmem>>, vector<1x16xf32>,
        %get3A_510 = arith.index_cast %scan3A_466 : i32 to index
        %get3A_511 = arith.constant 48 : index
        %get3A_512 = tpu.vector_load %arg9[%get3A_510, %get3A_511] {strides = array<i32>} : memref<128x64xf32, #tpu.memory_space<vmem>>, vector<1x16xf32>,
        %get3A_513 = vector.shape_cast %get3A_512 : vector<1x16xf32> to vector<16xf32>
        %get3A_514 = arith.index_cast %add3A_467 : i32 to index
        %get3A_515 = arith.constant 48 : index
        %get3A_516 = tpu.vector_load %arg7[%get3A_514, %get3A_515] {strides = array<i32>} : memref<400x64xf32, #tpu.memory_space<vmem>>, vector<1x16xf32>,
        %get3A_517 = vector.shape_cast %get3A_516 : vector<1x16xf32> to vector<16xf32>
        %add3A_518 = arith.addf %get3A_513, %get3A_517 : vector<16xf32>
        %swap3A_519 = arith.index_cast %scan3A_466 : i32 to index
        %swap3A_520 = arith.constant 48 : index
        %swap3A_521 = tpu.vector_load %arg9[%swap3A_519, %swap3A_520] {strides = array<i32>} : memref<128x64xf32, #tpu.memory_space<vmem>>, vector<1x16xf32>,
        %swap3A_522 = vector.shape_cast %swap3A_521 : vector<1x16xf32> to vector<16xf32>
        %swap3A_523 = vector.shape_cast %add3A_518 : vector<16xf32> to vector<1x16xf32>
        tpu.vector_store %arg9[%swap3A_519, %swap3A_520], %swap3A_523 {strides = array<i32>} : memref<128x64xf32, #tpu.memory_space<vmem>>, vector<1x16xf32>,
        %scan3A_524 = arith.constant 2 : i32
        %scan3A_525 = arith.addi %scan3A_407, %scan3A_524 : i32
        %add3A_526 = arith.addi %rem3A_358, %scan3A_525 : i32
        %get3A_527 = arith.index_cast %scan3A_525 : i32 to index
        %get3A_528 = arith.constant 0 : index
        %get3A_529 = tpu.vector_load %arg9[%get3A_527, %get3A_528] {strides = array<i32>} : memref<128x64xf32, #tpu.memory_space<vmem>>, vector<1x16xf32>,
        %get3A_530 = vector.shape_cast %get3A_529 : vector<1x16xf32> to vector<16xf32>
        %get3A_531 = arith.index_cast %add3A_526 : i32 to index
        %get3A_532 = arith.constant 0 : index
        %get3A_533 = tpu.vector_load %arg7[%get3A_531, %get3A_532] {strides = array<i32>} : memref<400x64xf32, #tpu.memory_space<vmem>>, vector<1x16xf32>,
        %get3A_534 = vector.shape_cast %get3A_533 : vector<1x16xf32> to vector<16xf32>
        %add3A_535 = arith.addf %get3A_530, %get3A_534 : vector<16xf32>
        %swap3A_536 = arith.index_cast %scan3A_525 : i32 to index
        %swap3A_537 = arith.constant 0 : index
        %swap3A_538 = tpu.vector_load %arg9[%swap3A_536, %swap3A_537] {strides = array<i32>} : memref<128x64xf32, #tpu.memory_space<vmem>>, vector<1x16xf32>,
        %swap3A_539 = vector.shape_cast %swap3A_538 : vector<1x16xf32> to vector<16xf32>
        %swap3A_540 = vector.shape_cast %add3A_535 : vector<16xf32> to vector<1x16xf32>
        tpu.vector_store %arg9[%swap3A_536, %swap3A_537], %swap3A_540 {strides = array<i32>} : memref<128x64xf32, #tpu.memory_space<vmem>>, vector<1x16xf32>,
        %get3A_541 = arith.index_cast %scan3A_525 : i32 to index
        %get3A_542 = arith.constant 16 : index
        %get3A_543 = tpu.vector_load %arg9[%get3A_541, %get3A_542] {strides = array<i32>} : memref<128x64xf32, #tpu.memory_space<vmem>>, vector<1x16xf32>,
        %get3A_544 = vector.shape_cast %get3A_543 : vector<1x16xf32> to vector<16xf32>
        %get3A_545 = arith.index_cast %add3A_526 : i32 to index
        %get3A_546 = arith.constant 16 : index
        %get3A_547 = tpu.vector_load %arg7[%get3A_545, %get3A_546] {strides = array<i32>} : memref<400x64xf32, #tpu.memory_space<vmem>>, vector<1x16xf32>,
        %get3A_548 = vector.shape_cast %get3A_547 : vector<1x16xf32> to vector<16xf32>
        %add3A_549 = arith.addf %get3A_544, %get3A_548 : vector<16xf32>
        %swap3A_550 = arith.index_cast %scan3A_525 : i32 to index
        %swap3A_551 = arith.constant 16 : index
        %swap3A_552 = tpu.vector_load %arg9[%swap3A_550, %swap3A_551] {strides = array<i32>} : memref<128x64xf32, #tpu.memory_space<vmem>>, vector<1x16xf32>,
        %swap3A_553 = vector.shape_cast %swap3A_552 : vector<1x16xf32> to vector<16xf32>
        %swap3A_554 = vector.shape_cast %add3A_549 : vector<16xf32> to vector<1x16xf32>
        tpu.vector_store %arg9[%swap3A_550, %swap3A_551], %swap3A_554 {strides = array<i32>} : memref<128x64xf32, #tpu.memory_space<vmem>>, vector<1x16xf32>,
        %get3A_555 = arith.index_cast %scan3A_525 : i32 to index
        %get3A_556 = arith.constant 32 : index
        %get3A_557 = tpu.vector_load %arg9[%get3A_555, %get3A_556] {strides = array<i32>} : memref<128x64xf32, #tpu.memory_space<vmem>>, vector<1x16xf32>,
        %get3A_558 = vector.shape_cast %get3A_557 : vector<1x16xf32> to vector<16xf32>
        %get3A_559 = arith.index_cast %add3A_526 : i32 to index
        %get3A_560 = arith.constant 32 : index
        %get3A_561 = tpu.vector_load %arg7[%get3A_559, %get3A_560] {strides = array<i32>} : memref<400x64xf32, #tpu.memory_space<vmem>>, vector<1x16xf32>,
        %get3A_562 = vector.shape_cast %get3A_561 : vector<1x16xf32> to vector<16xf32>
        %add3A_563 = arith.addf %get3A_558, %get3A_562 : vector<16xf32>
        %swap3A_564 = arith.index_cast %scan3A_525 : i32 to index
        %swap3A_565 = arith.constant 32 : index
        %swap3A_566 = tpu.vector_load %arg9[%swap3A_564, %swap3A_565] {strides = array<i32>} : memref<128x64xf32, #tpu.memory_space<vmem>>, vector<1x16xf32>,
        %swap3A_567 = vector.shape_cast %swap3A_566 : vector<1x16xf32> to vector<16xf32>
        %swap3A_568 = vector.shape_cast %add3A_563 : vector<16xf32> to vector<1x16xf32>
        tpu.vector_store %arg9[%swap3A_564, %swap3A_565], %swap3A_568 {strides = array<i32>} : memref<128x64xf32, #tpu.memory_space<vmem>>, vector<1x16xf32>,
        %get3A_569 = arith.index_cast %scan3A_525 : i32 to index
        %get3A_570 = arith.constant 48 : index
        %get3A_571 = tpu.vector_load %arg9[%get3A_569, %get3A_570] {strides = array<i32>} : memref<128x64xf32, #tpu.memory_space<vmem>>, vector<1x16xf32>,
        %get3A_572 = vector.shape_cast %get3A_571 : vector<1x16xf32> to vector<16xf32>
        %get3A_573 = arith.index_cast %add3A_526 : i32 to index
        %get3A_574 = arith.constant 48 : index
        %get3A_575 = tpu.vector_load %arg7[%get3A_573, %get3A_574] {strides = array<i32>} : memref<400x64xf32, #tpu.memory_space<vmem>>, vector<1x16xf32>,
        %get3A_576 = vector.shape_cast %get3A_575 : vector<1x16xf32> to vector<16xf32>
        %add3A_577 = arith.addf %get3A_572, %get3A_576 : vector<16xf32>
        %swap3A_578 = arith.index_cast %scan3A_525 : i32 to index
        %swap3A_579 = arith.constant 48 : index
        %swap3A_580 = tpu.vector_load %arg9[%swap3A_578, %swap3A_579] {strides = array<i32>} : memref<128x64xf32, #tpu.memory_space<vmem>>, vector<1x16xf32>,
        %swap3A_581 = vector.shape_cast %swap3A_580 : vector<1x16xf32> to vector<16xf32>
        %swap3A_582 = vector.shape_cast %add3A_577 : vector<16xf32> to vector<1x16xf32>
        tpu.vector_store %arg9[%swap3A_578, %swap3A_579], %swap3A_582 {strides = array<i32>} : memref<128x64xf32, #tpu.memory_space<vmem>>, vector<1x16xf32>,
        %scan3A_583 = arith.constant 3 : i32
        %scan3A_584 = arith.addi %scan3A_407, %scan3A_583 : i32
        %add3A_585 = arith.addi %rem3A_358, %scan3A_584 : i32
        %get3A_586 = arith.index_cast %scan3A_584 : i32 to index
        %get3A_587 = arith.constant 0 : index
        %get3A_588 = tpu.vector_load %arg9[%get3A_586, %get3A_587] {strides = array<i32>} : memref<128x64xf32, #tpu.memory_space<vmem>>, vector<1x16xf32>,
        %get3A_589 = vector.shape_cast %get3A_588 : vector<1x16xf32> to vector<16xf32>
        %get3A_590 = arith.index_cast %add3A_585 : i32 to index
        %get3A_591 = arith.constant 0 : index
        %get3A_592 = tpu.vector_load %arg7[%get3A_590, %get3A_591] {strides = array<i32>} : memref<400x64xf32, #tpu.memory_space<vmem>>, vector<1x16xf32>,
        %get3A_593 = vector.shape_cast %get3A_592 : vector<1x16xf32> to vector<16xf32>
        %add3A_594 = arith.addf %get3A_589, %get3A_593 : vector<16xf32>
        %swap3A_595 = arith.index_cast %scan3A_584 : i32 to index
        %swap3A_596 = arith.constant 0 : index
        %swap3A_597 = tpu.vector_load %arg9[%swap3A_595, %swap3A_596] {strides = array<i32>} : memref<128x64xf32, #tpu.memory_space<vmem>>, vector<1x16xf32>,
        %swap3A_598 = vector.shape_cast %swap3A_597 : vector<1x16xf32> to vector<16xf32>
        %swap3A_599 = vector.shape_cast %add3A_594 : vector<16xf32> to vector<1x16xf32>
        tpu.vector_store %arg9[%swap3A_595, %swap3A_596], %swap3A_599 {strides = array<i32>} : memref<128x64xf32, #tpu.memory_space<vmem>>, vector<1x16xf32>,
        %get3A_600 = arith.index_cast %scan3A_584 : i32 to index
        %get3A_601 = arith.constant 16 : index
        %get3A_602 = tpu.vector_load %arg9[%get3A_600, %get3A_601] {strides = array<i32>} : memref<128x64xf32, #tpu.memory_space<vmem>>, vector<1x16xf32>,
        %get3A_603 = vector.shape_cast %get3A_602 : vector<1x16xf32> to vector<16xf32>
        %get3A_604 = arith.index_cast %add3A_585 : i32 to index
        %get3A_605 = arith.constant 16 : index
        %get3A_606 = tpu.vector_load %arg7[%get3A_604, %get3A_605] {strides = array<i32>} : memref<400x64xf32, #tpu.memory_space<vmem>>, vector<1x16xf32>,
        %get3A_607 = vector.shape_cast %get3A_606 : vector<1x16xf32> to vector<16xf32>
        %add3A_608 = arith.addf %get3A_603, %get3A_607 : vector<16xf32>
        %swap3A_609 = arith.index_cast %scan3A_584 : i32 to index
        %swap3A_610 = arith.constant 16 : index
        %swap3A_611 = tpu.vector_load %arg9[%swap3A_609, %swap3A_610] {strides = array<i32>} : memref<128x64xf32, #tpu.memory_space<vmem>>, vector<1x16xf32>,
        %swap3A_612 = vector.shape_cast %swap3A_611 : vector<1x16xf32> to vector<16xf32>
        %swap3A_613 = vector.shape_cast %add3A_608 : vector<16xf32> to vector<1x16xf32>
        tpu.vector_store %arg9[%swap3A_609, %swap3A_610], %swap3A_613 {strides = array<i32>} : memref<128x64xf32, #tpu.memory_space<vmem>>, vector<1x16xf32>,
        %get3A_614 = arith.index_cast %scan3A_584 : i32 to index
        %get3A_615 = arith.constant 32 : index
        %get3A_616 = tpu.vector_load %arg9[%get3A_614, %get3A_615] {strides = array<i32>} : memref<128x64xf32, #tpu.memory_space<vmem>>, vector<1x16xf32>,
        %get3A_617 = vector.shape_cast %get3A_616 : vector<1x16xf32> to vector<16xf32>
        %get3A_618 = arith.index_cast %add3A_585 : i32 to index
        %get3A_619 = arith.constant 32 : index
        %get3A_620 = tpu.vector_load %arg7[%get3A_618, %get3A_619] {strides = array<i32>} : memref<400x64xf32, #tpu.memory_space<vmem>>, vector<1x16xf32>,
        %get3A_621 = vector.shape_cast %get3A_620 : vector<1x16xf32> to vector<16xf32>
        %add3A_622 = arith.addf %get3A_617, %get3A_621 : vector<16xf32>
        %swap3A_623 = arith.index_cast %scan3A_584 : i32 to index
        %swap3A_624 = arith.constant 32 : index
        %swap3A_625 = tpu.vector_load %arg9[%swap3A_623, %swap3A_624] {strides = array<i32>} : memref<128x64xf32, #tpu.memory_space<vmem>>, vector<1x16xf32>,
        %swap3A_626 = vector.shape_cast %swap3A_625 : vector<1x16xf32> to vector<16xf32>
        %swap3A_627 = vector.shape_cast %add3A_622 : vector<16xf32> to vector<1x16xf32>
        tpu.vector_store %arg9[%swap3A_623, %swap3A_624], %swap3A_627 {strides = array<i32>} : memref<128x64xf32, #tpu.memory_space<vmem>>, vector<1x16xf32>,
        %get3A_628 = arith.index_cast %scan3A_584 : i32 to index
        %get3A_629 = arith.constant 48 : index
        %get3A_630 = tpu.vector_load %arg9[%get3A_628, %get3A_629] {strides = array<i32>} : memref<128x64xf32, #tpu.memory_space<vmem>>, vector<1x16xf32>,
        %get3A_631 = vector.shape_cast %get3A_630 : vector<1x16xf32> to vector<16xf32>
        %get3A_632 = arith.index_cast %add3A_585 : i32 to index
        %get3A_633 = arith.constant 48 : index
        %get3A_634 = tpu.vector_load %arg7[%get3A_632, %get3A_633] {strides = array<i32>} : memref<400x64xf32, #tpu.memory_space<vmem>>, vector<1x16xf32>,
        %get3A_635 = vector.shape_cast %get3A_634 : vector<1x16xf32> to vector<16xf32>
        %add3A_636 = arith.addf %get3A_631, %get3A_635 : vector<16xf32>
        %swap3A_637 = arith.index_cast %scan3A_584 : i32 to index
        %swap3A_638 = arith.constant 48 : index
        %swap3A_639 = tpu.vector_load %arg9[%swap3A_637, %swap3A_638] {strides = array<i32>} : memref<128x64xf32, #tpu.memory_space<vmem>>, vector<1x16xf32>,
        %swap3A_640 = vector.shape_cast %swap3A_639 : vector<1x16xf32> to vector<16xf32>
        %swap3A_641 = vector.shape_cast %add3A_636 : vector<16xf32> to vector<1x16xf32>
        tpu.vector_store %arg9[%swap3A_637, %swap3A_638], %swap3A_641 {strides = array<i32>} : memref<128x64xf32, #tpu.memory_space<vmem>>, vector<1x16xf32>,
      }
      %scan3A_364 = arith.constant 128 : i32
      %mul3A_365 = arith.constant 128 : i32
      %mul3A_366 = arith.muli %add3A_340, %mul3A_365 : i32
      %add3A_367 = arith.addi %mul3A_2, %mul3A_366 : i32
      %dma_start3A_368 = arith.constant 0 : i32
      %dma_start3A_369 = tpu.memref_slice %arg5[%add3A_367, %dma_start3A_368] : memref<204800x64xf32, #tpu.memory_space<hbm>> -> memref<128x64xf32, #tpu.memory_space<hbm>>
      %dma_start3A_370 = arith.constant 0 : i32
      %dma_start3A_371 = tpu.memref_slice %arg5[%add3A_367, %dma_start3A_370] : memref<204800x64xf32, #tpu.memory_space<hbm>> -> memref<128x64xf32, #tpu.memory_space<hbm>>
      tpu.enqueue_dma source(%arg9 : memref<128x64xf32, #tpu.memory_space<vmem>>) target(%dma_start3A_371 : memref<128x64xf32, #tpu.memory_space<hbm>>) target_semaphore(%arg15 : memref<!tpu.dma_semaphore, #tpu.memory_space<semaphore_mem>>)
      %mul3A_372 = arith.constant 3 : i32
      %mul3A_373 = arith.muli %mul3A_372, %scan3A_306 : i32
      %add3A_374 = arith.constant 2 : i32
      %add3A_375 = arith.addi %mul3A_373, %add3A_374 : i32
      %add3A_376 = arith.constant 2 : i32
      %add3A_377 = arith.addi %add3A_375, %add3A_376 : i32
      %lt3A_378 = arith.constant 50 : i32
      %lt3A_379 = arith.cmpi slt, %add3A_377, %lt3A_378 : i32
      %convert_element_type3A_380 = arith.extui %lt3A_379 : i1 to i32
      %cond3A_381 = arith.constant 0 : i32
      %cond3A_382 = arith.cmpi ne, %convert_element_type3A_380, %cond3A_381 : i32
      scf.if %cond3A_382 {
        %ge3A = arith.constant 1 : i32
        %ge3A_407 = arith.cmpi sge, %add3A_375, %ge3A : i32
        %convert_element_type3A_408 = arith.extui %ge3A_407 : i1 to i32
        %cond3A_409 = arith.constant 0 : i32
        %cond3A_410 = arith.cmpi ne, %convert_element_type3A_408, %cond3A_409 : i32
        scf.if %cond3A_410 {
          %dma_wait3A_517 = arith.constant 0 : i32
          %dma_wait3A_518 = arith.constant 0 : i32
          %dma_wait3A_519 = tpu.memref_slice %arg6[%dma_wait3A_517, %dma_wait3A_518] : memref<50x128xi32, #tpu.memory_space<vmem>> -> memref<1x128xi32, #tpu.memory_space<vmem>>
          %dma_wait3A_520 = tpu.memref_squeeze %dma_wait3A_519 : memref<1x128xi32, #tpu.memory_space<vmem>> -> memref<128xi32, #tpu.memory_space<vmem>>
          %dma_wait3A_521 = arith.constant 0 : i32
          %dma_wait3A_522 = arith.constant 0 : i32
          %dma_wait3A_523 = tpu.memref_slice %arg2[%dma_wait3A_521, %dma_wait3A_522] : memref<1000001x64xf32, #tpu.memory_space<hbm>> -> memref<1000001x64xf32, #tpu.memory_space<hbm>>
          tpu.wait_indirect_dma semaphore(%arg15 : memref<!tpu.dma_semaphore, #tpu.memory_space<semaphore_mem>>) src(%dma_wait3A_523 : memref<1000001x64xf32, #tpu.memory_space<hbm>>) dst(%arg9 : memref<128x64xf32, #tpu.memory_space<vmem>>)
        } else {
        }
        %add3A_411 = arith.constant 2 : i32
        %add3A_412 = arith.addi %add3A_375, %add3A_411 : i32
        %get3A_413 = arith.index_cast %add3A_412 : i32 to index
        %get3A_414 = arith.constant 0 : index
        %get3A_415 = tpu.vector_load %arg6[%get3A_413, %get3A_414] {strides = array<i32>} : memref<50x128xi32, #tpu.memory_space<vmem>>, vector<1x16xi32>,
        %get3A_416 = vector.shape_cast %get3A_415 : vector<1x16xi32> to vector<16xi32>
        %add3A_417 = arith.constant 1 : i32
        %add3A_418 = vector.broadcast %add3A_417 : i32 to vector<16xi32>
        %add3A_419 = arith.addi %get3A_416, %add3A_418 : vector<16xi32>
        %swap3A_420 = arith.index_cast %add3A_412 : i32 to index
        %swap3A_421 = arith.constant 0 : index
        %swap3A_422 = tpu.vector_load %arg6[%swap3A_420, %swap3A_421] {strides = array<i32>} : memref<50x128xi32, #tpu.memory_space<vmem>>, vector<1x16xi32>,
        %swap3A_423 = vector.shape_cast %swap3A_422 : vector<1x16xi32> to vector<16xi32>
        %swap3A_424 = vector.shape_cast %add3A_419 : vector<16xi32> to vector<1x16xi32>
        tpu.vector_store %arg6[%swap3A_420, %swap3A_421], %swap3A_424 {strides = array<i32>} : memref<50x128xi32, #tpu.memory_space<vmem>>, vector<1x16xi32>,
        %get3A_425 = arith.index_cast %add3A_412 : i32 to index
        %get3A_426 = arith.constant 16 : index
        %get3A_427 = tpu.vector_load %arg6[%get3A_425, %get3A_426] {strides = array<i32>} : memref<50x128xi32, #tpu.memory_space<vmem>>, vector<1x16xi32>,
        %get3A_428 = vector.shape_cast %get3A_427 : vector<1x16xi32> to vector<16xi32>
        %add3A_429 = arith.constant 1 : i32
        %add3A_430 = vector.broadcast %add3A_429 : i32 to vector<16xi32>
        %add3A_431 = arith.addi %get3A_428, %add3A_430 : vector<16xi32>
        %swap3A_432 = arith.index_cast %add3A_412 : i32 to index
        %swap3A_433 = arith.constant 16 : index
        %swap3A_434 = tpu.vector_load %arg6[%swap3A_432, %swap3A_433] {strides = array<i32>} : memref<50x128xi32, #tpu.memory_space<vmem>>, vector<1x16xi32>,
        %swap3A_435 = vector.shape_cast %swap3A_434 : vector<1x16xi32> to vector<16xi32>
        %swap3A_436 = vector.shape_cast %add3A_431 : vector<16xi32> to vector<1x16xi32>
        tpu.vector_store %arg6[%swap3A_432, %swap3A_433], %swap3A_436 {strides = array<i32>} : memref<50x128xi32, #tpu.memory_space<vmem>>, vector<1x16xi32>,
        %get3A_437 = arith.index_cast %add3A_412 : i32 to index
        %get3A_438 = arith.constant 32 : index
        %get3A_439 = tpu.vector_load %arg6[%get3A_437, %get3A_438] {strides = array<i32>} : memref<50x128xi32, #tpu.memory_space<vmem>>, vector<1x16xi32>,
        %get3A_440 = vector.shape_cast %get3A_439 : vector<1x16xi32> to vector<16xi32>
        %add3A_441 = arith.constant 1 : i32
        %add3A_442 = vector.broadcast %add3A_441 : i32 to vector<16xi32>
        %add3A_443 = arith.addi %get3A_440, %add3A_442 : vector<16xi32>
        %swap3A_444 = arith.index_cast %add3A_412 : i32 to index
        %swap3A_445 = arith.constant 32 : index
        %swap3A_446 = tpu.vector_load %arg6[%swap3A_444, %swap3A_445] {strides = array<i32>} : memref<50x128xi32, #tpu.memory_space<vmem>>, vector<1x16xi32>,
        %swap3A_447 = vector.shape_cast %swap3A_446 : vector<1x16xi32> to vector<16xi32>
        %swap3A_448 = vector.shape_cast %add3A_443 : vector<16xi32> to vector<1x16xi32>
        tpu.vector_store %arg6[%swap3A_444, %swap3A_445], %swap3A_448 {strides = array<i32>} : memref<50x128xi32, #tpu.memory_space<vmem>>, vector<1x16xi32>,
        %get3A_449 = arith.index_cast %add3A_412 : i32 to index
        %get3A_450 = arith.constant 48 : index
        %get3A_451 = tpu.vector_load %arg6[%get3A_449, %get3A_450] {strides = array<i32>} : memref<50x128xi32, #tpu.memory_space<vmem>>, vector<1x16xi32>,
        %get3A_452 = vector.shape_cast %get3A_451 : vector<1x16xi32> to vector<16xi32>
        %add3A_453 = arith.constant 1 : i32
        %add3A_454 = vector.broadcast %add3A_453 : i32 to vector<16xi32>
        %add3A_455 = arith.addi %get3A_452, %add3A_454 : vector<16xi32>
        %swap3A_456 = arith.index_cast %add3A_412 : i32 to index
        %swap3A_457 = arith.constant 48 : index
        %swap3A_458 = tpu.vector_load %arg6[%swap3A_456, %swap3A_457] {strides = array<i32>} : memref<50x128xi32, #tpu.memory_space<vmem>>, vector<1x16xi32>,
        %swap3A_459 = vector.shape_cast %swap3A_458 : vector<1x16xi32> to vector<16xi32>
        %swap3A_460 = vector.shape_cast %add3A_455 : vector<16xi32> to vector<1x16xi32>
        tpu.vector_store %arg6[%swap3A_456, %swap3A_457], %swap3A_460 {strides = array<i32>} : memref<50x128xi32, #tpu.memory_space<vmem>>, vector<1x16xi32>,
        %get3A_461 = arith.index_cast %add3A_412 : i32 to index
        %get3A_462 = arith.constant 64 : index
        %get3A_463 = tpu.vector_load %arg6[%get3A_461, %get3A_462] {strides = array<i32>} : memref<50x128xi32, #tpu.memory_space<vmem>>, vector<1x16xi32>,
        %get3A_464 = vector.shape_cast %get3A_463 : vector<1x16xi32> to vector<16xi32>
        %add3A_465 = arith.constant 1 : i32
        %add3A_466 = vector.broadcast %add3A_465 : i32 to vector<16xi32>
        %add3A_467 = arith.addi %get3A_464, %add3A_466 : vector<16xi32>
        %swap3A_468 = arith.index_cast %add3A_412 : i32 to index
        %swap3A_469 = arith.constant 64 : index
        %swap3A_470 = tpu.vector_load %arg6[%swap3A_468, %swap3A_469] {strides = array<i32>} : memref<50x128xi32, #tpu.memory_space<vmem>>, vector<1x16xi32>,
        %swap3A_471 = vector.shape_cast %swap3A_470 : vector<1x16xi32> to vector<16xi32>
        %swap3A_472 = vector.shape_cast %add3A_467 : vector<16xi32> to vector<1x16xi32>
        tpu.vector_store %arg6[%swap3A_468, %swap3A_469], %swap3A_472 {strides = array<i32>} : memref<50x128xi32, #tpu.memory_space<vmem>>, vector<1x16xi32>,
        %get3A_473 = arith.index_cast %add3A_412 : i32 to index
        %get3A_474 = arith.constant 80 : index
        %get3A_475 = tpu.vector_load %arg6[%get3A_473, %get3A_474] {strides = array<i32>} : memref<50x128xi32, #tpu.memory_space<vmem>>, vector<1x16xi32>,
        %get3A_476 = vector.shape_cast %get3A_475 : vector<1x16xi32> to vector<16xi32>
        %add3A_477 = arith.constant 1 : i32
        %add3A_478 = vector.broadcast %add3A_477 : i32 to vector<16xi32>
        %add3A_479 = arith.addi %get3A_476, %add3A_478 : vector<16xi32>
        %swap3A_480 = arith.index_cast %add3A_412 : i32 to index
        %swap3A_481 = arith.constant 80 : index
        %swap3A_482 = tpu.vector_load %arg6[%swap3A_480, %swap3A_481] {strides = array<i32>} : memref<50x128xi32, #tpu.memory_space<vmem>>, vector<1x16xi32>,
        %swap3A_483 = vector.shape_cast %swap3A_482 : vector<1x16xi32> to vector<16xi32>
        %swap3A_484 = vector.shape_cast %add3A_479 : vector<16xi32> to vector<1x16xi32>
        tpu.vector_store %arg6[%swap3A_480, %swap3A_481], %swap3A_484 {strides = array<i32>} : memref<50x128xi32, #tpu.memory_space<vmem>>, vector<1x16xi32>,
        %get3A_485 = arith.index_cast %add3A_412 : i32 to index
        %get3A_486 = arith.constant 96 : index
        %get3A_487 = tpu.vector_load %arg6[%get3A_485, %get3A_486] {strides = array<i32>} : memref<50x128xi32, #tpu.memory_space<vmem>>, vector<1x16xi32>,
        %get3A_488 = vector.shape_cast %get3A_487 : vector<1x16xi32> to vector<16xi32>
        %add3A_489 = arith.constant 1 : i32
        %add3A_490 = vector.broadcast %add3A_489 : i32 to vector<16xi32>
        %add3A_491 = arith.addi %get3A_488, %add3A_490 : vector<16xi32>
        %swap3A_492 = arith.index_cast %add3A_412 : i32 to index
        %swap3A_493 = arith.constant 96 : index
        %swap3A_494 = tpu.vector_load %arg6[%swap3A_492, %swap3A_493] {strides = array<i32>} : memref<50x128xi32, #tpu.memory_space<vmem>>, vector<1x16xi32>,
        %swap3A_495 = vector.shape_cast %swap3A_494 : vector<1x16xi32> to vector<16xi32>
        %swap3A_496 = vector.shape_cast %add3A_491 : vector<16xi32> to vector<1x16xi32>
        tpu.vector_store %arg6[%swap3A_492, %swap3A_493], %swap3A_496 {strides = array<i32>} : memref<50x128xi32, #tpu.memory_space<vmem>>, vector<1x16xi32>,
        %get3A_497 = arith.index_cast %add3A_412 : i32 to index
        %get3A_498 = arith.constant 112 : index
        %get3A_499 = tpu.vector_load %arg6[%get3A_497, %get3A_498] {strides = array<i32>} : memref<50x128xi32, #tpu.memory_space<vmem>>, vector<1x16xi32>,
        %get3A_500 = vector.shape_cast %get3A_499 : vector<1x16xi32> to vector<16xi32>
        %add3A_501 = arith.constant 1 : i32
        %add3A_502 = vector.broadcast %add3A_501 : i32 to vector<16xi32>
        %add3A_503 = arith.addi %get3A_500, %add3A_502 : vector<16xi32>
        %swap3A_504 = arith.index_cast %add3A_412 : i32 to index
        %swap3A_505 = arith.constant 112 : index
        %swap3A_506 = tpu.vector_load %arg6[%swap3A_504, %swap3A_505] {strides = array<i32>} : memref<50x128xi32, #tpu.memory_space<vmem>>, vector<1x16xi32>,
        %swap3A_507 = vector.shape_cast %swap3A_506 : vector<1x16xi32> to vector<16xi32>
        %swap3A_508 = vector.shape_cast %add3A_503 : vector<16xi32> to vector<1x16xi32>
        tpu.vector_store %arg6[%swap3A_504, %swap3A_505], %swap3A_508 {strides = array<i32>} : memref<50x128xi32, #tpu.memory_space<vmem>>, vector<1x16xi32>,
        %add3A_509 = arith.constant 2 : i32
        %add3A_510 = arith.addi %add3A_375, %add3A_509 : i32
        %dma_start3A_511 = arith.constant 0 : i32
        %dma_start3A_512 = tpu.memref_slice %arg6[%add3A_510, %dma_start3A_511] : memref<50x128xi32, #tpu.memory_space<vmem>> -> memref<1x128xi32, #tpu.memory_space<vmem>>
        %dma_start3A_513 = tpu.memref_squeeze %dma_start3A_512 : memref<1x128xi32, #tpu.memory_space<vmem>> -> memref<128xi32, #tpu.memory_space<vmem>>
        %dma_start3A_514 = arith.constant 0 : i32
        %dma_start3A_515 = arith.constant 0 : i32
        %dma_start3A_516 = tpu.memref_slice %arg2[%dma_start3A_514, %dma_start3A_515] : memref<1000001x64xf32, #tpu.memory_space<hbm>> -> memref<1000001x64xf32, #tpu.memory_space<hbm>>
        tpu.enqueue_indirect_dma source(%dma_start3A_516 : memref<1000001x64xf32, #tpu.memory_space<hbm>>) target(%arg9 : memref<128x64xf32, #tpu.memory_space<vmem>>) offsets(%dma_start3A_513 : memref<128xi32, #tpu.memory_space<vmem>>) semaphore(%arg12 : memref<!tpu.dma_semaphore, #tpu.memory_space<semaphore_mem>>)
      } else {
      }
      %dma_wait3A_383 = arith.constant 0 : i32
      %dma_wait3A_384 = arith.constant 0 : i32
      %dma_wait3A_385 = tpu.memref_slice %arg6[%dma_wait3A_383, %dma_wait3A_384] : memref<50x128xi32, #tpu.memory_space<vmem>> -> memref<1x128xi32, #tpu.memory_space<vmem>>
      %dma_wait3A_386 = tpu.memref_squeeze %dma_wait3A_385 : memref<1x128xi32, #tpu.memory_space<vmem>> -> memref<128xi32, #tpu.memory_space<vmem>>
      %dma_wait3A_387 = arith.constant 0 : i32
      %dma_wait3A_388 = arith.constant 0 : i32
      %dma_wait3A_389 = tpu.memref_slice %arg2[%dma_wait3A_387, %dma_wait3A_388] : memref<1000001x64xf32, #tpu.memory_space<hbm>> -> memref<1000001x64xf32, #tpu.memory_space<hbm>>
      tpu.wait_indirect_dma semaphore(%arg13 : memref<!tpu.dma_semaphore, #tpu.memory_space<semaphore_mem>>) src(%dma_wait3A_389 : memref<1000001x64xf32, #tpu.memory_space<hbm>>) dst(%arg10 : memref<128x64xf32, #tpu.memory_space<vmem>>)
      %mul3A_390 = arith.constant 128 : i32
      %mul3A_391 = arith.muli %add3A_375, %mul3A_390 : i32
      %rem3A_392 = arith.constant 200 : i32
      %rem3A_393 = arith.remsi %mul3A_391, %rem3A_392 : i32
      %scan3A_394 = arith.constant 0 : i32
      %scan3A_395 = arith.constant 0 : i32
      %scan3A_396 = arith.constant 128 : i32
      %scan3A_397 = arith.addi %scan3A_395, %scan3A_396 : i32
      %scan3A_398 = arith.constant 4 : i32
      scf.for %scan3A_407 = %scan3A_395 to %scan3A_397 step %scan3A_398  : i32 {
        %add3A_408 = arith.addi %rem3A_393, %scan3A_407 : i32
        %get3A_409 = arith.index_cast %scan3A_407 : i32 to index
        %get3A_410 = arith.constant 0 : index
        %get3A_411 = tpu.vector_load %arg10[%get3A_409, %get3A_410] {strides = array<i32>} : memref<128x64xf32, #tpu.memory_space<vmem>>, vector<1x16xf32>,
        %get3A_412 = vector.shape_cast %get3A_411 : vector<1x16xf32> to vector<16xf32>
        %get3A_413 = arith.index_cast %add3A_408 : i32 to index
        %get3A_414 = arith.constant 0 : index
        %get3A_415 = tpu.vector_load %arg7[%get3A_413, %get3A_414] {strides = array<i32>} : memref<400x64xf32, #tpu.memory_space<vmem>>, vector<1x16xf32>,
        %get3A_416 = vector.shape_cast %get3A_415 : vector<1x16xf32> to vector<16xf32>
        %add3A_417 = arith.addf %get3A_412, %get3A_416 : vector<16xf32>
        %swap3A_418 = arith.index_cast %scan3A_407 : i32 to index
        %swap3A_419 = arith.constant 0 : index
        %swap3A_420 = tpu.vector_load %arg10[%swap3A_418, %swap3A_419] {strides = array<i32>} : memref<128x64xf32, #tpu.memory_space<vmem>>, vector<1x16xf32>,
        %swap3A_421 = vector.shape_cast %swap3A_420 : vector<1x16xf32> to vector<16xf32>
        %swap3A_422 = vector.shape_cast %add3A_417 : vector<16xf32> to vector<1x16xf32>
        tpu.vector_store %arg10[%swap3A_418, %swap3A_419], %swap3A_422 {strides = array<i32>} : memref<128x64xf32, #tpu.memory_space<vmem>>, vector<1x16xf32>,
        %get3A_423 = arith.index_cast %scan3A_407 : i32 to index
        %get3A_424 = arith.constant 16 : index
        %get3A_425 = tpu.vector_load %arg10[%get3A_423, %get3A_424] {strides = array<i32>} : memref<128x64xf32, #tpu.memory_space<vmem>>, vector<1x16xf32>,
        %get3A_426 = vector.shape_cast %get3A_425 : vector<1x16xf32> to vector<16xf32>
        %get3A_427 = arith.index_cast %add3A_408 : i32 to index
        %get3A_428 = arith.constant 16 : index
        %get3A_429 = tpu.vector_load %arg7[%get3A_427, %get3A_428] {strides = array<i32>} : memref<400x64xf32, #tpu.memory_space<vmem>>, vector<1x16xf32>,
        %get3A_430 = vector.shape_cast %get3A_429 : vector<1x16xf32> to vector<16xf32>
        %add3A_431 = arith.addf %get3A_426, %get3A_430 : vector<16xf32>
        %swap3A_432 = arith.index_cast %scan3A_407 : i32 to index
        %swap3A_433 = arith.constant 16 : index
        %swap3A_434 = tpu.vector_load %arg10[%swap3A_432, %swap3A_433] {strides = array<i32>} : memref<128x64xf32, #tpu.memory_space<vmem>>, vector<1x16xf32>,
        %swap3A_435 = vector.shape_cast %swap3A_434 : vector<1x16xf32> to vector<16xf32>
        %swap3A_436 = vector.shape_cast %add3A_431 : vector<16xf32> to vector<1x16xf32>
        tpu.vector_store %arg10[%swap3A_432, %swap3A_433], %swap3A_436 {strides = array<i32>} : memref<128x64xf32, #tpu.memory_space<vmem>>, vector<1x16xf32>,
        %get3A_437 = arith.index_cast %scan3A_407 : i32 to index
        %get3A_438 = arith.constant 32 : index
        %get3A_439 = tpu.vector_load %arg10[%get3A_437, %get3A_438] {strides = array<i32>} : memref<128x64xf32, #tpu.memory_space<vmem>>, vector<1x16xf32>,
        %get3A_440 = vector.shape_cast %get3A_439 : vector<1x16xf32> to vector<16xf32>
        %get3A_441 = arith.index_cast %add3A_408 : i32 to index
        %get3A_442 = arith.constant 32 : index
        %get3A_443 = tpu.vector_load %arg7[%get3A_441, %get3A_442] {strides = array<i32>} : memref<400x64xf32, #tpu.memory_space<vmem>>, vector<1x16xf32>,
        %get3A_444 = vector.shape_cast %get3A_443 : vector<1x16xf32> to vector<16xf32>
        %add3A_445 = arith.addf %get3A_440, %get3A_444 : vector<16xf32>
        %swap3A_446 = arith.index_cast %scan3A_407 : i32 to index
        %swap3A_447 = arith.constant 32 : index
        %swap3A_448 = tpu.vector_load %arg10[%swap3A_446, %swap3A_447] {strides = array<i32>} : memref<128x64xf32, #tpu.memory_space<vmem>>, vector<1x16xf32>,
        %swap3A_449 = vector.shape_cast %swap3A_448 : vector<1x16xf32> to vector<16xf32>
        %swap3A_450 = vector.shape_cast %add3A_445 : vector<16xf32> to vector<1x16xf32>
        tpu.vector_store %arg10[%swap3A_446, %swap3A_447], %swap3A_450 {strides = array<i32>} : memref<128x64xf32, #tpu.memory_space<vmem>>, vector<1x16xf32>,
        %get3A_451 = arith.index_cast %scan3A_407 : i32 to index
        %get3A_452 = arith.constant 48 : index
        %get3A_453 = tpu.vector_load %arg10[%get3A_451, %get3A_452] {strides = array<i32>} : memref<128x64xf32, #tpu.memory_space<vmem>>, vector<1x16xf32>,
        %get3A_454 = vector.shape_cast %get3A_453 : vector<1x16xf32> to vector<16xf32>
        %get3A_455 = arith.index_cast %add3A_408 : i32 to index
        %get3A_456 = arith.constant 48 : index
        %get3A_457 = tpu.vector_load %arg7[%get3A_455, %get3A_456] {strides = array<i32>} : memref<400x64xf32, #tpu.memory_space<vmem>>, vector<1x16xf32>,
        %get3A_458 = vector.shape_cast %get3A_457 : vector<1x16xf32> to vector<16xf32>
        %add3A_459 = arith.addf %get3A_454, %get3A_458 : vector<16xf32>
        %swap3A_460 = arith.index_cast %scan3A_407 : i32 to index
        %swap3A_461 = arith.constant 48 : index
        %swap3A_462 = tpu.vector_load %arg10[%swap3A_460, %swap3A_461] {strides = array<i32>} : memref<128x64xf32, #tpu.memory_space<vmem>>, vector<1x16xf32>,
        %swap3A_463 = vector.shape_cast %swap3A_462 : vector<1x16xf32> to vector<16xf32>
        %swap3A_464 = vector.shape_cast %add3A_459 : vector<16xf32> to vector<1x16xf32>
        tpu.vector_store %arg10[%swap3A_460, %swap3A_461], %swap3A_464 {strides = array<i32>} : memref<128x64xf32, #tpu.memory_space<vmem>>, vector<1x16xf32>,
        %scan3A_465 = arith.constant 1 : i32
        %scan3A_466 = arith.addi %scan3A_407, %scan3A_465 : i32
        %add3A_467 = arith.addi %rem3A_393, %scan3A_466 : i32
        %get3A_468 = arith.index_cast %scan3A_466 : i32 to index
        %get3A_469 = arith.constant 0 : index
        %get3A_470 = tpu.vector_load %arg10[%get3A_468, %get3A_469] {strides = array<i32>} : memref<128x64xf32, #tpu.memory_space<vmem>>, vector<1x16xf32>,
        %get3A_471 = vector.shape_cast %get3A_470 : vector<1x16xf32> to vector<16xf32>
        %get3A_472 = arith.index_cast %add3A_467 : i32 to index
        %get3A_473 = arith.constant 0 : index
        %get3A_474 = tpu.vector_load %arg7[%get3A_472, %get3A_473] {strides = array<i32>} : memref<400x64xf32, #tpu.memory_space<vmem>>, vector<1x16xf32>,
        %get3A_475 = vector.shape_cast %get3A_474 : vector<1x16xf32> to vector<16xf32>
        %add3A_476 = arith.addf %get3A_471, %get3A_475 : vector<16xf32>
        %swap3A_477 = arith.index_cast %scan3A_466 : i32 to index
        %swap3A_478 = arith.constant 0 : index
        %swap3A_479 = tpu.vector_load %arg10[%swap3A_477, %swap3A_478] {strides = array<i32>} : memref<128x64xf32, #tpu.memory_space<vmem>>, vector<1x16xf32>,
        %swap3A_480 = vector.shape_cast %swap3A_479 : vector<1x16xf32> to vector<16xf32>
        %swap3A_481 = vector.shape_cast %add3A_476 : vector<16xf32> to vector<1x16xf32>
        tpu.vector_store %arg10[%swap3A_477, %swap3A_478], %swap3A_481 {strides = array<i32>} : memref<128x64xf32, #tpu.memory_space<vmem>>, vector<1x16xf32>,
        %get3A_482 = arith.index_cast %scan3A_466 : i32 to index
        %get3A_483 = arith.constant 16 : index
        %get3A_484 = tpu.vector_load %arg10[%get3A_482, %get3A_483] {strides = array<i32>} : memref<128x64xf32, #tpu.memory_space<vmem>>, vector<1x16xf32>,
        %get3A_485 = vector.shape_cast %get3A_484 : vector<1x16xf32> to vector<16xf32>
        %get3A_486 = arith.index_cast %add3A_467 : i32 to index
        %get3A_487 = arith.constant 16 : index
        %get3A_488 = tpu.vector_load %arg7[%get3A_486, %get3A_487] {strides = array<i32>} : memref<400x64xf32, #tpu.memory_space<vmem>>, vector<1x16xf32>,
        %get3A_489 = vector.shape_cast %get3A_488 : vector<1x16xf32> to vector<16xf32>
        %add3A_490 = arith.addf %get3A_485, %get3A_489 : vector<16xf32>
        %swap3A_491 = arith.index_cast %scan3A_466 : i32 to index
        %swap3A_492 = arith.constant 16 : index
        %swap3A_493 = tpu.vector_load %arg10[%swap3A_491, %swap3A_492] {strides = array<i32>} : memref<128x64xf32, #tpu.memory_space<vmem>>, vector<1x16xf32>,
        %swap3A_494 = vector.shape_cast %swap3A_493 : vector<1x16xf32> to vector<16xf32>
        %swap3A_495 = vector.shape_cast %add3A_490 : vector<16xf32> to vector<1x16xf32>
        tpu.vector_store %arg10[%swap3A_491, %swap3A_492], %swap3A_495 {strides = array<i32>} : memref<128x64xf32, #tpu.memory_space<vmem>>, vector<1x16xf32>,
        %get3A_496 = arith.index_cast %scan3A_466 : i32 to index
        %get3A_497 = arith.constant 32 : index
        %get3A_498 = tpu.vector_load %arg10[%get3A_496, %get3A_497] {strides = array<i32>} : memref<128x64xf32, #tpu.memory_space<vmem>>, vector<1x16xf32>,
        %get3A_499 = vector.shape_cast %get3A_498 : vector<1x16xf32> to vector<16xf32>
        %get3A_500 = arith.index_cast %add3A_467 : i32 to index
        %get3A_501 = arith.constant 32 : index
        %get3A_502 = tpu.vector_load %arg7[%get3A_500, %get3A_501] {strides = array<i32>} : memref<400x64xf32, #tpu.memory_space<vmem>>, vector<1x16xf32>,
        %get3A_503 = vector.shape_cast %get3A_502 : vector<1x16xf32> to vector<16xf32>
        %add3A_504 = arith.addf %get3A_499, %get3A_503 : vector<16xf32>
        %swap3A_505 = arith.index_cast %scan3A_466 : i32 to index
        %swap3A_506 = arith.constant 32 : index
        %swap3A_507 = tpu.vector_load %arg10[%swap3A_505, %swap3A_506] {strides = array<i32>} : memref<128x64xf32, #tpu.memory_space<vmem>>, vector<1x16xf32>,
        %swap3A_508 = vector.shape_cast %swap3A_507 : vector<1x16xf32> to vector<16xf32>
        %swap3A_509 = vector.shape_cast %add3A_504 : vector<16xf32> to vector<1x16xf32>
        tpu.vector_store %arg10[%swap3A_505, %swap3A_506], %swap3A_509 {strides = array<i32>} : memref<128x64xf32, #tpu.memory_space<vmem>>, vector<1x16xf32>,
        %get3A_510 = arith.index_cast %scan3A_466 : i32 to index
        %get3A_511 = arith.constant 48 : index
        %get3A_512 = tpu.vector_load %arg10[%get3A_510, %get3A_511] {strides = array<i32>} : memref<128x64xf32, #tpu.memory_space<vmem>>, vector<1x16xf32>,
        %get3A_513 = vector.shape_cast %get3A_512 : vector<1x16xf32> to vector<16xf32>
        %get3A_514 = arith.index_cast %add3A_467 : i32 to index
        %get3A_515 = arith.constant 48 : index
        %get3A_516 = tpu.vector_load %arg7[%get3A_514, %get3A_515] {strides = array<i32>} : memref<400x64xf32, #tpu.memory_space<vmem>>, vector<1x16xf32>,
        %get3A_517 = vector.shape_cast %get3A_516 : vector<1x16xf32> to vector<16xf32>
        %add3A_518 = arith.addf %get3A_513, %get3A_517 : vector<16xf32>
        %swap3A_519 = arith.index_cast %scan3A_466 : i32 to index
        %swap3A_520 = arith.constant 48 : index
        %swap3A_521 = tpu.vector_load %arg10[%swap3A_519, %swap3A_520] {strides = array<i32>} : memref<128x64xf32, #tpu.memory_space<vmem>>, vector<1x16xf32>,
        %swap3A_522 = vector.shape_cast %swap3A_521 : vector<1x16xf32> to vector<16xf32>
        %swap3A_523 = vector.shape_cast %add3A_518 : vector<16xf32> to vector<1x16xf32>
        tpu.vector_store %arg10[%swap3A_519, %swap3A_520], %swap3A_523 {strides = array<i32>} : memref<128x64xf32, #tpu.memory_space<vmem>>, vector<1x16xf32>,
        %scan3A_524 = arith.constant 2 : i32
        %scan3A_525 = arith.addi %scan3A_407, %scan3A_524 : i32
        %add3A_526 = arith.addi %rem3A_393, %scan3A_525 : i32
        %get3A_527 = arith.index_cast %scan3A_525 : i32 to index
        %get3A_528 = arith.constant 0 : index
        %get3A_529 = tpu.vector_load %arg10[%get3A_527, %get3A_528] {strides = array<i32>} : memref<128x64xf32, #tpu.memory_space<vmem>>, vector<1x16xf32>,
        %get3A_530 = vector.shape_cast %get3A_529 : vector<1x16xf32> to vector<16xf32>
        %get3A_531 = arith.index_cast %add3A_526 : i32 to index
        %get3A_532 = arith.constant 0 : index
        %get3A_533 = tpu.vector_load %arg7[%get3A_531, %get3A_532] {strides = array<i32>} : memref<400x64xf32, #tpu.memory_space<vmem>>, vector<1x16xf32>,
        %get3A_534 = vector.shape_cast %get3A_533 : vector<1x16xf32> to vector<16xf32>
        %add3A_535 = arith.addf %get3A_530, %get3A_534 : vector<16xf32>
        %swap3A_536 = arith.index_cast %scan3A_525 : i32 to index
        %swap3A_537 = arith.constant 0 : index
        %swap3A_538 = tpu.vector_load %arg10[%swap3A_536, %swap3A_537] {strides = array<i32>} : memref<128x64xf32, #tpu.memory_space<vmem>>, vector<1x16xf32>,
        %swap3A_539 = vector.shape_cast %swap3A_538 : vector<1x16xf32> to vector<16xf32>
        %swap3A_540 = vector.shape_cast %add3A_535 : vector<16xf32> to vector<1x16xf32>
        tpu.vector_store %arg10[%swap3A_536, %swap3A_537], %swap3A_540 {strides = array<i32>} : memref<128x64xf32, #tpu.memory_space<vmem>>, vector<1x16xf32>,
        %get3A_541 = arith.index_cast %scan3A_525 : i32 to index
        %get3A_542 = arith.constant 16 : index
        %get3A_543 = tpu.vector_load %arg10[%get3A_541, %get3A_542] {strides = array<i32>} : memref<128x64xf32, #tpu.memory_space<vmem>>, vector<1x16xf32>,
        %get3A_544 = vector.shape_cast %get3A_543 : vector<1x16xf32> to vector<16xf32>
        %get3A_545 = arith.index_cast %add3A_526 : i32 to index
        %get3A_546 = arith.constant 16 : index
        %get3A_547 = tpu.vector_load %arg7[%get3A_545, %get3A_546] {strides = array<i32>} : memref<400x64xf32, #tpu.memory_space<vmem>>, vector<1x16xf32>,
        %get3A_548 = vector.shape_cast %get3A_547 : vector<1x16xf32> to vector<16xf32>
        %add3A_549 = arith.addf %get3A_544, %get3A_548 : vector<16xf32>
        %swap3A_550 = arith.index_cast %scan3A_525 : i32 to index
        %swap3A_551 = arith.constant 16 : index
        %swap3A_552 = tpu.vector_load %arg10[%swap3A_550, %swap3A_551] {strides = array<i32>} : memref<128x64xf32, #tpu.memory_space<vmem>>, vector<1x16xf32>,
        %swap3A_553 = vector.shape_cast %swap3A_552 : vector<1x16xf32> to vector<16xf32>
        %swap3A_554 = vector.shape_cast %add3A_549 : vector<16xf32> to vector<1x16xf32>
        tpu.vector_store %arg10[%swap3A_550, %swap3A_551], %swap3A_554 {strides = array<i32>} : memref<128x64xf32, #tpu.memory_space<vmem>>, vector<1x16xf32>,
        %get3A_555 = arith.index_cast %scan3A_525 : i32 to index
        %get3A_556 = arith.constant 32 : index
        %get3A_557 = tpu.vector_load %arg10[%get3A_555, %get3A_556] {strides = array<i32>} : memref<128x64xf32, #tpu.memory_space<vmem>>, vector<1x16xf32>,
        %get3A_558 = vector.shape_cast %get3A_557 : vector<1x16xf32> to vector<16xf32>
        %get3A_559 = arith.index_cast %add3A_526 : i32 to index
        %get3A_560 = arith.constant 32 : index
        %get3A_561 = tpu.vector_load %arg7[%get3A_559, %get3A_560] {strides = array<i32>} : memref<400x64xf32, #tpu.memory_space<vmem>>, vector<1x16xf32>,
        %get3A_562 = vector.shape_cast %get3A_561 : vector<1x16xf32> to vector<16xf32>
        %add3A_563 = arith.addf %get3A_558, %get3A_562 : vector<16xf32>
        %swap3A_564 = arith.index_cast %scan3A_525 : i32 to index
        %swap3A_565 = arith.constant 32 : index
        %swap3A_566 = tpu.vector_load %arg10[%swap3A_564, %swap3A_565] {strides = array<i32>} : memref<128x64xf32, #tpu.memory_space<vmem>>, vector<1x16xf32>,
        %swap3A_567 = vector.shape_cast %swap3A_566 : vector<1x16xf32> to vector<16xf32>
        %swap3A_568 = vector.shape_cast %add3A_563 : vector<16xf32> to vector<1x16xf32>
        tpu.vector_store %arg10[%swap3A_564, %swap3A_565], %swap3A_568 {strides = array<i32>} : memref<128x64xf32, #tpu.memory_space<vmem>>, vector<1x16xf32>,
        %get3A_569 = arith.index_cast %scan3A_525 : i32 to index
        %get3A_570 = arith.constant 48 : index
        %get3A_571 = tpu.vector_load %arg10[%get3A_569, %get3A_570] {strides = array<i32>} : memref<128x64xf32, #tpu.memory_space<vmem>>, vector<1x16xf32>,
        %get3A_572 = vector.shape_cast %get3A_571 : vector<1x16xf32> to vector<16xf32>
        %get3A_573 = arith.index_cast %add3A_526 : i32 to index
        %get3A_574 = arith.constant 48 : index
        %get3A_575 = tpu.vector_load %arg7[%get3A_573, %get3A_574] {strides = array<i32>} : memref<400x64xf32, #tpu.memory_space<vmem>>, vector<1x16xf32>,
        %get3A_576 = vector.shape_cast %get3A_575 : vector<1x16xf32> to vector<16xf32>
        %add3A_577 = arith.addf %get3A_572, %get3A_576 : vector<16xf32>
        %swap3A_578 = arith.index_cast %scan3A_525 : i32 to index
        %swap3A_579 = arith.constant 48 : index
        %swap3A_580 = tpu.vector_load %arg10[%swap3A_578, %swap3A_579] {strides = array<i32>} : memref<128x64xf32, #tpu.memory_space<vmem>>, vector<1x16xf32>,
        %swap3A_581 = vector.shape_cast %swap3A_580 : vector<1x16xf32> to vector<16xf32>
        %swap3A_582 = vector.shape_cast %add3A_577 : vector<16xf32> to vector<1x16xf32>
        tpu.vector_store %arg10[%swap3A_578, %swap3A_579], %swap3A_582 {strides = array<i32>} : memref<128x64xf32, #tpu.memory_space<vmem>>, vector<1x16xf32>,
        %scan3A_583 = arith.constant 3 : i32
        %scan3A_584 = arith.addi %scan3A_407, %scan3A_583 : i32
        %add3A_585 = arith.addi %rem3A_393, %scan3A_584 : i32
        %get3A_586 = arith.index_cast %scan3A_584 : i32 to index
        %get3A_587 = arith.constant 0 : index
        %get3A_588 = tpu.vector_load %arg10[%get3A_586, %get3A_587] {strides = array<i32>} : memref<128x64xf32, #tpu.memory_space<vmem>>, vector<1x16xf32>,
        %get3A_589 = vector.shape_cast %get3A_588 : vector<1x16xf32> to vector<16xf32>
        %get3A_590 = arith.index_cast %add3A_585 : i32 to index
        %get3A_591 = arith.constant 0 : index
        %get3A_592 = tpu.vector_load %arg7[%get3A_590, %get3A_591] {strides = array<i32>} : memref<400x64xf32, #tpu.memory_space<vmem>>, vector<1x16xf32>,
        %get3A_593 = vector.shape_cast %get3A_592 : vector<1x16xf32> to vector<16xf32>
        %add3A_594 = arith.addf %get3A_589, %get3A_593 : vector<16xf32>
        %swap3A_595 = arith.index_cast %scan3A_584 : i32 to index
        %swap3A_596 = arith.constant 0 : index
        %swap3A_597 = tpu.vector_load %arg10[%swap3A_595, %swap3A_596] {strides = array<i32>} : memref<128x64xf32, #tpu.memory_space<vmem>>, vector<1x16xf32>,
        %swap3A_598 = vector.shape_cast %swap3A_597 : vector<1x16xf32> to vector<16xf32>
        %swap3A_599 = vector.shape_cast %add3A_594 : vector<16xf32> to vector<1x16xf32>
        tpu.vector_store %arg10[%swap3A_595, %swap3A_596], %swap3A_599 {strides = array<i32>} : memref<128x64xf32, #tpu.memory_space<vmem>>, vector<1x16xf32>,
        %get3A_600 = arith.index_cast %scan3A_584 : i32 to index
        %get3A_601 = arith.constant 16 : index
        %get3A_602 = tpu.vector_load %arg10[%get3A_600, %get3A_601] {strides = array<i32>} : memref<128x64xf32, #tpu.memory_space<vmem>>, vector<1x16xf32>,
        %get3A_603 = vector.shape_cast %get3A_602 : vector<1x16xf32> to vector<16xf32>
        %get3A_604 = arith.index_cast %add3A_585 : i32 to index
        %get3A_605 = arith.constant 16 : index
        %get3A_606 = tpu.vector_load %arg7[%get3A_604, %get3A_605] {strides = array<i32>} : memref<400x64xf32, #tpu.memory_space<vmem>>, vector<1x16xf32>,
        %get3A_607 = vector.shape_cast %get3A_606 : vector<1x16xf32> to vector<16xf32>
        %add3A_608 = arith.addf %get3A_603, %get3A_607 : vector<16xf32>
        %swap3A_609 = arith.index_cast %scan3A_584 : i32 to index
        %swap3A_610 = arith.constant 16 : index
        %swap3A_611 = tpu.vector_load %arg10[%swap3A_609, %swap3A_610] {strides = array<i32>} : memref<128x64xf32, #tpu.memory_space<vmem>>, vector<1x16xf32>,
        %swap3A_612 = vector.shape_cast %swap3A_611 : vector<1x16xf32> to vector<16xf32>
        %swap3A_613 = vector.shape_cast %add3A_608 : vector<16xf32> to vector<1x16xf32>
        tpu.vector_store %arg10[%swap3A_609, %swap3A_610], %swap3A_613 {strides = array<i32>} : memref<128x64xf32, #tpu.memory_space<vmem>>, vector<1x16xf32>,
        %get3A_614 = arith.index_cast %scan3A_584 : i32 to index
        %get3A_615 = arith.constant 32 : index
        %get3A_616 = tpu.vector_load %arg10[%get3A_614, %get3A_615] {strides = array<i32>} : memref<128x64xf32, #tpu.memory_space<vmem>>, vector<1x16xf32>,
        %get3A_617 = vector.shape_cast %get3A_616 : vector<1x16xf32> to vector<16xf32>
        %get3A_618 = arith.index_cast %add3A_585 : i32 to index
        %get3A_619 = arith.constant 32 : index
        %get3A_620 = tpu.vector_load %arg7[%get3A_618, %get3A_619] {strides = array<i32>} : memref<400x64xf32, #tpu.memory_space<vmem>>, vector<1x16xf32>,
        %get3A_621 = vector.shape_cast %get3A_620 : vector<1x16xf32> to vector<16xf32>
        %add3A_622 = arith.addf %get3A_617, %get3A_621 : vector<16xf32>
        %swap3A_623 = arith.index_cast %scan3A_584 : i32 to index
        %swap3A_624 = arith.constant 32 : index
        %swap3A_625 = tpu.vector_load %arg10[%swap3A_623, %swap3A_624] {strides = array<i32>} : memref<128x64xf32, #tpu.memory_space<vmem>>, vector<1x16xf32>,
        %swap3A_626 = vector.shape_cast %swap3A_625 : vector<1x16xf32> to vector<16xf32>
        %swap3A_627 = vector.shape_cast %add3A_622 : vector<16xf32> to vector<1x16xf32>
        tpu.vector_store %arg10[%swap3A_623, %swap3A_624], %swap3A_627 {strides = array<i32>} : memref<128x64xf32, #tpu.memory_space<vmem>>, vector<1x16xf32>,
        %get3A_628 = arith.index_cast %scan3A_584 : i32 to index
        %get3A_629 = arith.constant 48 : index
        %get3A_630 = tpu.vector_load %arg10[%get3A_628, %get3A_629] {strides = array<i32>} : memref<128x64xf32, #tpu.memory_space<vmem>>, vector<1x16xf32>,
        %get3A_631 = vector.shape_cast %get3A_630 : vector<1x16xf32> to vector<16xf32>
        %get3A_632 = arith.index_cast %add3A_585 : i32 to index
        %get3A_633 = arith.constant 48 : index
        %get3A_634 = tpu.vector_load %arg7[%get3A_632, %get3A_633] {strides = array<i32>} : memref<400x64xf32, #tpu.memory_space<vmem>>, vector<1x16xf32>,
        %get3A_635 = vector.shape_cast %get3A_634 : vector<1x16xf32> to vector<16xf32>
        %add3A_636 = arith.addf %get3A_631, %get3A_635 : vector<16xf32>
        %swap3A_637 = arith.index_cast %scan3A_584 : i32 to index
        %swap3A_638 = arith.constant 48 : index
        %swap3A_639 = tpu.vector_load %arg10[%swap3A_637, %swap3A_638] {strides = array<i32>} : memref<128x64xf32, #tpu.memory_space<vmem>>, vector<1x16xf32>,
        %swap3A_640 = vector.shape_cast %swap3A_639 : vector<1x16xf32> to vector<16xf32>
        %swap3A_641 = vector.shape_cast %add3A_636 : vector<16xf32> to vector<1x16xf32>
        tpu.vector_store %arg10[%swap3A_637, %swap3A_638], %swap3A_641 {strides = array<i32>} : memref<128x64xf32, #tpu.memory_space<vmem>>, vector<1x16xf32>,
      }
      %scan3A_399 = arith.constant 128 : i32
      %mul3A_400 = arith.constant 128 : i32
      %mul3A_401 = arith.muli %add3A_375, %mul3A_400 : i32
      %add3A_402 = arith.addi %mul3A_2, %mul3A_401 : i32
      %dma_start3A_403 = arith.constant 0 : i32
      %dma_start3A_404 = tpu.memref_slice %arg5[%add3A_402, %dma_start3A_403] : memref<204800x64xf32, #tpu.memory_space<hbm>> -> memref<128x64xf32, #tpu.memory_space<hbm>>
      %dma_start3A_405 = arith.constant 0 : i32
      %dma_start3A_406 = tpu.memref_slice %arg5[%add3A_402, %dma_start3A_405] : memref<204800x64xf32, #tpu.memory_space<hbm>> -> memref<128x64xf32, #tpu.memory_space<hbm>>
      tpu.enqueue_dma source(%arg10 : memref<128x64xf32, #tpu.memory_space<vmem>>) target(%dma_start3A_406 : memref<128x64xf32, #tpu.memory_space<hbm>>) target_semaphore(%arg16 : memref<!tpu.dma_semaphore, #tpu.memory_space<semaphore_mem>>)
    }
    %scan3A_242 = arith.constant 16 : i32
    %dma_wait3A = arith.constant 0 : i32
    %dma_wait3A_243 = arith.constant 0 : i32
    %dma_wait3A_244 = tpu.memref_slice %arg6[%dma_wait3A, %dma_wait3A_243] : memref<50x128xi32, #tpu.memory_space<vmem>> -> memref<1x128xi32, #tpu.memory_space<vmem>>
    %dma_wait3A_245 = tpu.memref_squeeze %dma_wait3A_244 : memref<1x128xi32, #tpu.memory_space<vmem>> -> memref<128xi32, #tpu.memory_space<vmem>>
    %dma_wait3A_246 = arith.constant 0 : i32
    %dma_wait3A_247 = arith.constant 0 : i32
    %dma_wait3A_248 = tpu.memref_slice %arg2[%dma_wait3A_246, %dma_wait3A_247] : memref<1000001x64xf32, #tpu.memory_space<hbm>> -> memref<1000001x64xf32, #tpu.memory_space<hbm>>
    tpu.wait_indirect_dma semaphore(%arg11 : memref<!tpu.dma_semaphore, #tpu.memory_space<semaphore_mem>>) src(%dma_wait3A_248 : memref<1000001x64xf32, #tpu.memory_space<hbm>>) dst(%arg8 : memref<128x64xf32, #tpu.memory_space<vmem>>)
    %rem3A = arith.constant 6144 : i32
    %rem3A_249 = arith.constant 200 : i32
    %rem3A_250 = arith.remsi %rem3A, %rem3A_249 : i32
    %scan3A_251 = arith.constant 0 : i32
    %scan3A_252 = arith.constant 0 : i32
    %scan3A_253 = arith.constant 128 : i32
    %scan3A_254 = arith.addi %scan3A_252, %scan3A_253 : i32
    %scan3A_255 = arith.constant 4 : i32
    scf.for %scan3A_306 = %scan3A_252 to %scan3A_254 step %scan3A_255  : i32 {
      %add3A_307 = arith.addi %rem3A_250, %scan3A_306 : i32
      %get3A_308 = arith.index_cast %scan3A_306 : i32 to index
      %get3A_309 = arith.constant 0 : index
      %get3A_310 = tpu.vector_load %arg8[%get3A_308, %get3A_309] {strides = array<i32>} : memref<128x64xf32, #tpu.memory_space<vmem>>, vector<1x16xf32>,
      %get3A_311 = vector.shape_cast %get3A_310 : vector<1x16xf32> to vector<16xf32>
      %get3A_312 = arith.index_cast %add3A_307 : i32 to index
      %get3A_313 = arith.constant 0 : index
      %get3A_314 = tpu.vector_load %arg7[%get3A_312, %get3A_313] {strides = array<i32>} : memref<400x64xf32, #tpu.memory_space<vmem>>, vector<1x16xf32>,
      %get3A_315 = vector.shape_cast %get3A_314 : vector<1x16xf32> to vector<16xf32>
      %add3A_316 = arith.addf %get3A_311, %get3A_315 : vector<16xf32>
      %swap3A_317 = arith.index_cast %scan3A_306 : i32 to index
      %swap3A_318 = arith.constant 0 : index
      %swap3A_319 = tpu.vector_load %arg8[%swap3A_317, %swap3A_318] {strides = array<i32>} : memref<128x64xf32, #tpu.memory_space<vmem>>, vector<1x16xf32>,
      %swap3A_320 = vector.shape_cast %swap3A_319 : vector<1x16xf32> to vector<16xf32>
      %swap3A_321 = vector.shape_cast %add3A_316 : vector<16xf32> to vector<1x16xf32>
      tpu.vector_store %arg8[%swap3A_317, %swap3A_318], %swap3A_321 {strides = array<i32>} : memref<128x64xf32, #tpu.memory_space<vmem>>, vector<1x16xf32>,
      %get3A_322 = arith.index_cast %scan3A_306 : i32 to index
      %get3A_323 = arith.constant 16 : index
      %get3A_324 = tpu.vector_load %arg8[%get3A_322, %get3A_323] {strides = array<i32>} : memref<128x64xf32, #tpu.memory_space<vmem>>, vector<1x16xf32>,
      %get3A_325 = vector.shape_cast %get3A_324 : vector<1x16xf32> to vector<16xf32>
      %get3A_326 = arith.index_cast %add3A_307 : i32 to index
      %get3A_327 = arith.constant 16 : index
      %get3A_328 = tpu.vector_load %arg7[%get3A_326, %get3A_327] {strides = array<i32>} : memref<400x64xf32, #tpu.memory_space<vmem>>, vector<1x16xf32>,
      %get3A_329 = vector.shape_cast %get3A_328 : vector<1x16xf32> to vector<16xf32>
      %add3A_330 = arith.addf %get3A_325, %get3A_329 : vector<16xf32>
      %swap3A_331 = arith.index_cast %scan3A_306 : i32 to index
      %swap3A_332 = arith.constant 16 : index
      %swap3A_333 = tpu.vector_load %arg8[%swap3A_331, %swap3A_332] {strides = array<i32>} : memref<128x64xf32, #tpu.memory_space<vmem>>, vector<1x16xf32>,
      %swap3A_334 = vector.shape_cast %swap3A_333 : vector<1x16xf32> to vector<16xf32>
      %swap3A_335 = vector.shape_cast %add3A_330 : vector<16xf32> to vector<1x16xf32>
      tpu.vector_store %arg8[%swap3A_331, %swap3A_332], %swap3A_335 {strides = array<i32>} : memref<128x64xf32, #tpu.memory_space<vmem>>, vector<1x16xf32>,
      %get3A_336 = arith.index_cast %scan3A_306 : i32 to index
      %get3A_337 = arith.constant 32 : index
      %get3A_338 = tpu.vector_load %arg8[%get3A_336, %get3A_337] {strides = array<i32>} : memref<128x64xf32, #tpu.memory_space<vmem>>, vector<1x16xf32>,
      %get3A_339 = vector.shape_cast %get3A_338 : vector<1x16xf32> to vector<16xf32>
      %get3A_340 = arith.index_cast %add3A_307 : i32 to index
      %get3A_341 = arith.constant 32 : index
      %get3A_342 = tpu.vector_load %arg7[%get3A_340, %get3A_341] {strides = array<i32>} : memref<400x64xf32, #tpu.memory_space<vmem>>, vector<1x16xf32>,
      %get3A_343 = vector.shape_cast %get3A_342 : vector<1x16xf32> to vector<16xf32>
      %add3A_344 = arith.addf %get3A_339, %get3A_343 : vector<16xf32>
      %swap3A_345 = arith.index_cast %scan3A_306 : i32 to index
      %swap3A_346 = arith.constant 32 : index
      %swap3A_347 = tpu.vector_load %arg8[%swap3A_345, %swap3A_346] {strides = array<i32>} : memref<128x64xf32, #tpu.memory_space<vmem>>, vector<1x16xf32>,
      %swap3A_348 = vector.shape_cast %swap3A_347 : vector<1x16xf32> to vector<16xf32>
      %swap3A_349 = vector.shape_cast %add3A_344 : vector<16xf32> to vector<1x16xf32>
      tpu.vector_store %arg8[%swap3A_345, %swap3A_346], %swap3A_349 {strides = array<i32>} : memref<128x64xf32, #tpu.memory_space<vmem>>, vector<1x16xf32>,
      %get3A_350 = arith.index_cast %scan3A_306 : i32 to index
      %get3A_351 = arith.constant 48 : index
      %get3A_352 = tpu.vector_load %arg8[%get3A_350, %get3A_351] {strides = array<i32>} : memref<128x64xf32, #tpu.memory_space<vmem>>, vector<1x16xf32>,
      %get3A_353 = vector.shape_cast %get3A_352 : vector<1x16xf32> to vector<16xf32>
      %get3A_354 = arith.index_cast %add3A_307 : i32 to index
      %get3A_355 = arith.constant 48 : index
      %get3A_356 = tpu.vector_load %arg7[%get3A_354, %get3A_355] {strides = array<i32>} : memref<400x64xf32, #tpu.memory_space<vmem>>, vector<1x16xf32>,
      %get3A_357 = vector.shape_cast %get3A_356 : vector<1x16xf32> to vector<16xf32>
      %add3A_358 = arith.addf %get3A_353, %get3A_357 : vector<16xf32>
      %swap3A_359 = arith.index_cast %scan3A_306 : i32 to index
      %swap3A_360 = arith.constant 48 : index
      %swap3A_361 = tpu.vector_load %arg8[%swap3A_359, %swap3A_360] {strides = array<i32>} : memref<128x64xf32, #tpu.memory_space<vmem>>, vector<1x16xf32>,
      %swap3A_362 = vector.shape_cast %swap3A_361 : vector<1x16xf32> to vector<16xf32>
      %swap3A_363 = vector.shape_cast %add3A_358 : vector<16xf32> to vector<1x16xf32>
      tpu.vector_store %arg8[%swap3A_359, %swap3A_360], %swap3A_363 {strides = array<i32>} : memref<128x64xf32, #tpu.memory_space<vmem>>, vector<1x16xf32>,
      %scan3A_364 = arith.constant 1 : i32
      %scan3A_365 = arith.addi %scan3A_306, %scan3A_364 : i32
      %add3A_366 = arith.addi %rem3A_250, %scan3A_365 : i32
      %get3A_367 = arith.index_cast %scan3A_365 : i32 to index
      %get3A_368 = arith.constant 0 : index
      %get3A_369 = tpu.vector_load %arg8[%get3A_367, %get3A_368] {strides = array<i32>} : memref<128x64xf32, #tpu.memory_space<vmem>>, vector<1x16xf32>,
      %get3A_370 = vector.shape_cast %get3A_369 : vector<1x16xf32> to vector<16xf32>
      %get3A_371 = arith.index_cast %add3A_366 : i32 to index
      %get3A_372 = arith.constant 0 : index
      %get3A_373 = tpu.vector_load %arg7[%get3A_371, %get3A_372] {strides = array<i32>} : memref<400x64xf32, #tpu.memory_space<vmem>>, vector<1x16xf32>,
      %get3A_374 = vector.shape_cast %get3A_373 : vector<1x16xf32> to vector<16xf32>
      %add3A_375 = arith.addf %get3A_370, %get3A_374 : vector<16xf32>
      %swap3A_376 = arith.index_cast %scan3A_365 : i32 to index
      %swap3A_377 = arith.constant 0 : index
      %swap3A_378 = tpu.vector_load %arg8[%swap3A_376, %swap3A_377] {strides = array<i32>} : memref<128x64xf32, #tpu.memory_space<vmem>>, vector<1x16xf32>,
      %swap3A_379 = vector.shape_cast %swap3A_378 : vector<1x16xf32> to vector<16xf32>
      %swap3A_380 = vector.shape_cast %add3A_375 : vector<16xf32> to vector<1x16xf32>
      tpu.vector_store %arg8[%swap3A_376, %swap3A_377], %swap3A_380 {strides = array<i32>} : memref<128x64xf32, #tpu.memory_space<vmem>>, vector<1x16xf32>,
      %get3A_381 = arith.index_cast %scan3A_365 : i32 to index
      %get3A_382 = arith.constant 16 : index
      %get3A_383 = tpu.vector_load %arg8[%get3A_381, %get3A_382] {strides = array<i32>} : memref<128x64xf32, #tpu.memory_space<vmem>>, vector<1x16xf32>,
      %get3A_384 = vector.shape_cast %get3A_383 : vector<1x16xf32> to vector<16xf32>
      %get3A_385 = arith.index_cast %add3A_366 : i32 to index
      %get3A_386 = arith.constant 16 : index
      %get3A_387 = tpu.vector_load %arg7[%get3A_385, %get3A_386] {strides = array<i32>} : memref<400x64xf32, #tpu.memory_space<vmem>>, vector<1x16xf32>,
      %get3A_388 = vector.shape_cast %get3A_387 : vector<1x16xf32> to vector<16xf32>
      %add3A_389 = arith.addf %get3A_384, %get3A_388 : vector<16xf32>
      %swap3A_390 = arith.index_cast %scan3A_365 : i32 to index
      %swap3A_391 = arith.constant 16 : index
      %swap3A_392 = tpu.vector_load %arg8[%swap3A_390, %swap3A_391] {strides = array<i32>} : memref<128x64xf32, #tpu.memory_space<vmem>>, vector<1x16xf32>,
      %swap3A_393 = vector.shape_cast %swap3A_392 : vector<1x16xf32> to vector<16xf32>
      %swap3A_394 = vector.shape_cast %add3A_389 : vector<16xf32> to vector<1x16xf32>
      tpu.vector_store %arg8[%swap3A_390, %swap3A_391], %swap3A_394 {strides = array<i32>} : memref<128x64xf32, #tpu.memory_space<vmem>>, vector<1x16xf32>,
      %get3A_395 = arith.index_cast %scan3A_365 : i32 to index
      %get3A_396 = arith.constant 32 : index
      %get3A_397 = tpu.vector_load %arg8[%get3A_395, %get3A_396] {strides = array<i32>} : memref<128x64xf32, #tpu.memory_space<vmem>>, vector<1x16xf32>,
      %get3A_398 = vector.shape_cast %get3A_397 : vector<1x16xf32> to vector<16xf32>
      %get3A_399 = arith.index_cast %add3A_366 : i32 to index
      %get3A_400 = arith.constant 32 : index
      %get3A_401 = tpu.vector_load %arg7[%get3A_399, %get3A_400] {strides = array<i32>} : memref<400x64xf32, #tpu.memory_space<vmem>>, vector<1x16xf32>,
      %get3A_402 = vector.shape_cast %get3A_401 : vector<1x16xf32> to vector<16xf32>
      %add3A_403 = arith.addf %get3A_398, %get3A_402 : vector<16xf32>
      %swap3A_404 = arith.index_cast %scan3A_365 : i32 to index
      %swap3A_405 = arith.constant 32 : index
      %swap3A_406 = tpu.vector_load %arg8[%swap3A_404, %swap3A_405] {strides = array<i32>} : memref<128x64xf32, #tpu.memory_space<vmem>>, vector<1x16xf32>,
      %swap3A_407 = vector.shape_cast %swap3A_406 : vector<1x16xf32> to vector<16xf32>
      %swap3A_408 = vector.shape_cast %add3A_403 : vector<16xf32> to vector<1x16xf32>
      tpu.vector_store %arg8[%swap3A_404, %swap3A_405], %swap3A_408 {strides = array<i32>} : memref<128x64xf32, #tpu.memory_space<vmem>>, vector<1x16xf32>,
      %get3A_409 = arith.index_cast %scan3A_365 : i32 to index
      %get3A_410 = arith.constant 48 : index
      %get3A_411 = tpu.vector_load %arg8[%get3A_409, %get3A_410] {strides = array<i32>} : memref<128x64xf32, #tpu.memory_space<vmem>>, vector<1x16xf32>,
      %get3A_412 = vector.shape_cast %get3A_411 : vector<1x16xf32> to vector<16xf32>
      %get3A_413 = arith.index_cast %add3A_366 : i32 to index
      %get3A_414 = arith.constant 48 : index
      %get3A_415 = tpu.vector_load %arg7[%get3A_413, %get3A_414] {strides = array<i32>} : memref<400x64xf32, #tpu.memory_space<vmem>>, vector<1x16xf32>,
      %get3A_416 = vector.shape_cast %get3A_415 : vector<1x16xf32> to vector<16xf32>
      %add3A_417 = arith.addf %get3A_412, %get3A_416 : vector<16xf32>
      %swap3A_418 = arith.index_cast %scan3A_365 : i32 to index
      %swap3A_419 = arith.constant 48 : index
      %swap3A_420 = tpu.vector_load %arg8[%swap3A_418, %swap3A_419] {strides = array<i32>} : memref<128x64xf32, #tpu.memory_space<vmem>>, vector<1x16xf32>,
      %swap3A_421 = vector.shape_cast %swap3A_420 : vector<1x16xf32> to vector<16xf32>
      %swap3A_422 = vector.shape_cast %add3A_417 : vector<16xf32> to vector<1x16xf32>
      tpu.vector_store %arg8[%swap3A_418, %swap3A_419], %swap3A_422 {strides = array<i32>} : memref<128x64xf32, #tpu.memory_space<vmem>>, vector<1x16xf32>,
      %scan3A_423 = arith.constant 2 : i32
      %scan3A_424 = arith.addi %scan3A_306, %scan3A_423 : i32
      %add3A_425 = arith.addi %rem3A_250, %scan3A_424 : i32
      %get3A_426 = arith.index_cast %scan3A_424 : i32 to index
      %get3A_427 = arith.constant 0 : index
      %get3A_428 = tpu.vector_load %arg8[%get3A_426, %get3A_427] {strides = array<i32>} : memref<128x64xf32, #tpu.memory_space<vmem>>, vector<1x16xf32>,
      %get3A_429 = vector.shape_cast %get3A_428 : vector<1x16xf32> to vector<16xf32>
      %get3A_430 = arith.index_cast %add3A_425 : i32 to index
      %get3A_431 = arith.constant 0 : index
      %get3A_432 = tpu.vector_load %arg7[%get3A_430, %get3A_431] {strides = array<i32>} : memref<400x64xf32, #tpu.memory_space<vmem>>, vector<1x16xf32>,
      %get3A_433 = vector.shape_cast %get3A_432 : vector<1x16xf32> to vector<16xf32>
      %add3A_434 = arith.addf %get3A_429, %get3A_433 : vector<16xf32>
      %swap3A_435 = arith.index_cast %scan3A_424 : i32 to index
      %swap3A_436 = arith.constant 0 : index
      %swap3A_437 = tpu.vector_load %arg8[%swap3A_435, %swap3A_436] {strides = array<i32>} : memref<128x64xf32, #tpu.memory_space<vmem>>, vector<1x16xf32>,
      %swap3A_438 = vector.shape_cast %swap3A_437 : vector<1x16xf32> to vector<16xf32>
      %swap3A_439 = vector.shape_cast %add3A_434 : vector<16xf32> to vector<1x16xf32>
      tpu.vector_store %arg8[%swap3A_435, %swap3A_436], %swap3A_439 {strides = array<i32>} : memref<128x64xf32, #tpu.memory_space<vmem>>, vector<1x16xf32>,
      %get3A_440 = arith.index_cast %scan3A_424 : i32 to index
      %get3A_441 = arith.constant 16 : index
      %get3A_442 = tpu.vector_load %arg8[%get3A_440, %get3A_441] {strides = array<i32>} : memref<128x64xf32, #tpu.memory_space<vmem>>, vector<1x16xf32>,
      %get3A_443 = vector.shape_cast %get3A_442 : vector<1x16xf32> to vector<16xf32>
      %get3A_444 = arith.index_cast %add3A_425 : i32 to index
      %get3A_445 = arith.constant 16 : index
      %get3A_446 = tpu.vector_load %arg7[%get3A_444, %get3A_445] {strides = array<i32>} : memref<400x64xf32, #tpu.memory_space<vmem>>, vector<1x16xf32>,
      %get3A_447 = vector.shape_cast %get3A_446 : vector<1x16xf32> to vector<16xf32>
      %add3A_448 = arith.addf %get3A_443, %get3A_447 : vector<16xf32>
      %swap3A_449 = arith.index_cast %scan3A_424 : i32 to index
      %swap3A_450 = arith.constant 16 : index
      %swap3A_451 = tpu.vector_load %arg8[%swap3A_449, %swap3A_450] {strides = array<i32>} : memref<128x64xf32, #tpu.memory_space<vmem>>, vector<1x16xf32>,
      %swap3A_452 = vector.shape_cast %swap3A_451 : vector<1x16xf32> to vector<16xf32>
      %swap3A_453 = vector.shape_cast %add3A_448 : vector<16xf32> to vector<1x16xf32>
      tpu.vector_store %arg8[%swap3A_449, %swap3A_450], %swap3A_453 {strides = array<i32>} : memref<128x64xf32, #tpu.memory_space<vmem>>, vector<1x16xf32>,
      %get3A_454 = arith.index_cast %scan3A_424 : i32 to index
      %get3A_455 = arith.constant 32 : index
      %get3A_456 = tpu.vector_load %arg8[%get3A_454, %get3A_455] {strides = array<i32>} : memref<128x64xf32, #tpu.memory_space<vmem>>, vector<1x16xf32>,
      %get3A_457 = vector.shape_cast %get3A_456 : vector<1x16xf32> to vector<16xf32>
      %get3A_458 = arith.index_cast %add3A_425 : i32 to index
      %get3A_459 = arith.constant 32 : index
      %get3A_460 = tpu.vector_load %arg7[%get3A_458, %get3A_459] {strides = array<i32>} : memref<400x64xf32, #tpu.memory_space<vmem>>, vector<1x16xf32>,
      %get3A_461 = vector.shape_cast %get3A_460 : vector<1x16xf32> to vector<16xf32>
      %add3A_462 = arith.addf %get3A_457, %get3A_461 : vector<16xf32>
      %swap3A_463 = arith.index_cast %scan3A_424 : i32 to index
      %swap3A_464 = arith.constant 32 : index
      %swap3A_465 = tpu.vector_load %arg8[%swap3A_463, %swap3A_464] {strides = array<i32>} : memref<128x64xf32, #tpu.memory_space<vmem>>, vector<1x16xf32>,
      %swap3A_466 = vector.shape_cast %swap3A_465 : vector<1x16xf32> to vector<16xf32>
      %swap3A_467 = vector.shape_cast %add3A_462 : vector<16xf32> to vector<1x16xf32>
      tpu.vector_store %arg8[%swap3A_463, %swap3A_464], %swap3A_467 {strides = array<i32>} : memref<128x64xf32, #tpu.memory_space<vmem>>, vector<1x16xf32>,
      %get3A_468 = arith.index_cast %scan3A_424 : i32 to index
      %get3A_469 = arith.constant 48 : index
      %get3A_470 = tpu.vector_load %arg8[%get3A_468, %get3A_469] {strides = array<i32>} : memref<128x64xf32, #tpu.memory_space<vmem>>, vector<1x16xf32>,
      %get3A_471 = vector.shape_cast %get3A_470 : vector<1x16xf32> to vector<16xf32>
      %get3A_472 = arith.index_cast %add3A_425 : i32 to index
      %get3A_473 = arith.constant 48 : index
      %get3A_474 = tpu.vector_load %arg7[%get3A_472, %get3A_473] {strides = array<i32>} : memref<400x64xf32, #tpu.memory_space<vmem>>, vector<1x16xf32>,
      %get3A_475 = vector.shape_cast %get3A_474 : vector<1x16xf32> to vector<16xf32>
      %add3A_476 = arith.addf %get3A_471, %get3A_475 : vector<16xf32>
      %swap3A_477 = arith.index_cast %scan3A_424 : i32 to index
      %swap3A_478 = arith.constant 48 : index
      %swap3A_479 = tpu.vector_load %arg8[%swap3A_477, %swap3A_478] {strides = array<i32>} : memref<128x64xf32, #tpu.memory_space<vmem>>, vector<1x16xf32>,
      %swap3A_480 = vector.shape_cast %swap3A_479 : vector<1x16xf32> to vector<16xf32>
      %swap3A_481 = vector.shape_cast %add3A_476 : vector<16xf32> to vector<1x16xf32>
      tpu.vector_store %arg8[%swap3A_477, %swap3A_478], %swap3A_481 {strides = array<i32>} : memref<128x64xf32, #tpu.memory_space<vmem>>, vector<1x16xf32>,
      %scan3A_482 = arith.constant 3 : i32
      %scan3A_483 = arith.addi %scan3A_306, %scan3A_482 : i32
      %add3A_484 = arith.addi %rem3A_250, %scan3A_483 : i32
      %get3A_485 = arith.index_cast %scan3A_483 : i32 to index
      %get3A_486 = arith.constant 0 : index
      %get3A_487 = tpu.vector_load %arg8[%get3A_485, %get3A_486] {strides = array<i32>} : memref<128x64xf32, #tpu.memory_space<vmem>>, vector<1x16xf32>,
      %get3A_488 = vector.shape_cast %get3A_487 : vector<1x16xf32> to vector<16xf32>
      %get3A_489 = arith.index_cast %add3A_484 : i32 to index
      %get3A_490 = arith.constant 0 : index
      %get3A_491 = tpu.vector_load %arg7[%get3A_489, %get3A_490] {strides = array<i32>} : memref<400x64xf32, #tpu.memory_space<vmem>>, vector<1x16xf32>,
      %get3A_492 = vector.shape_cast %get3A_491 : vector<1x16xf32> to vector<16xf32>
      %add3A_493 = arith.addf %get3A_488, %get3A_492 : vector<16xf32>
      %swap3A_494 = arith.index_cast %scan3A_483 : i32 to index
      %swap3A_495 = arith.constant 0 : index
      %swap3A_496 = tpu.vector_load %arg8[%swap3A_494, %swap3A_495] {strides = array<i32>} : memref<128x64xf32, #tpu.memory_space<vmem>>, vector<1x16xf32>,
      %swap3A_497 = vector.shape_cast %swap3A_496 : vector<1x16xf32> to vector<16xf32>
      %swap3A_498 = vector.shape_cast %add3A_493 : vector<16xf32> to vector<1x16xf32>
      tpu.vector_store %arg8[%swap3A_494, %swap3A_495], %swap3A_498 {strides = array<i32>} : memref<128x64xf32, #tpu.memory_space<vmem>>, vector<1x16xf32>,
      %get3A_499 = arith.index_cast %scan3A_483 : i32 to index
      %get3A_500 = arith.constant 16 : index
      %get3A_501 = tpu.vector_load %arg8[%get3A_499, %get3A_500] {strides = array<i32>} : memref<128x64xf32, #tpu.memory_space<vmem>>, vector<1x16xf32>,
      %get3A_502 = vector.shape_cast %get3A_501 : vector<1x16xf32> to vector<16xf32>
      %get3A_503 = arith.index_cast %add3A_484 : i32 to index
      %get3A_504 = arith.constant 16 : index
      %get3A_505 = tpu.vector_load %arg7[%get3A_503, %get3A_504] {strides = array<i32>} : memref<400x64xf32, #tpu.memory_space<vmem>>, vector<1x16xf32>,
      %get3A_506 = vector.shape_cast %get3A_505 : vector<1x16xf32> to vector<16xf32>
      %add3A_507 = arith.addf %get3A_502, %get3A_506 : vector<16xf32>
      %swap3A_508 = arith.index_cast %scan3A_483 : i32 to index
      %swap3A_509 = arith.constant 16 : index
      %swap3A_510 = tpu.vector_load %arg8[%swap3A_508, %swap3A_509] {strides = array<i32>} : memref<128x64xf32, #tpu.memory_space<vmem>>, vector<1x16xf32>,
      %swap3A_511 = vector.shape_cast %swap3A_510 : vector<1x16xf32> to vector<16xf32>
      %swap3A_512 = vector.shape_cast %add3A_507 : vector<16xf32> to vector<1x16xf32>
      tpu.vector_store %arg8[%swap3A_508, %swap3A_509], %swap3A_512 {strides = array<i32>} : memref<128x64xf32, #tpu.memory_space<vmem>>, vector<1x16xf32>,
      %get3A_513 = arith.index_cast %scan3A_483 : i32 to index
      %get3A_514 = arith.constant 32 : index
      %get3A_515 = tpu.vector_load %arg8[%get3A_513, %get3A_514] {strides = array<i32>} : memref<128x64xf32, #tpu.memory_space<vmem>>, vector<1x16xf32>,
      %get3A_516 = vector.shape_cast %get3A_515 : vector<1x16xf32> to vector<16xf32>
      %get3A_517 = arith.index_cast %add3A_484 : i32 to index
      %get3A_518 = arith.constant 32 : index
      %get3A_519 = tpu.vector_load %arg7[%get3A_517, %get3A_518] {strides = array<i32>} : memref<400x64xf32, #tpu.memory_space<vmem>>, vector<1x16xf32>,
      %get3A_520 = vector.shape_cast %get3A_519 : vector<1x16xf32> to vector<16xf32>
      %add3A_521 = arith.addf %get3A_516, %get3A_520 : vector<16xf32>
      %swap3A_522 = arith.index_cast %scan3A_483 : i32 to index
      %swap3A_523 = arith.constant 32 : index
      %swap3A_524 = tpu.vector_load %arg8[%swap3A_522, %swap3A_523] {strides = array<i32>} : memref<128x64xf32, #tpu.memory_space<vmem>>, vector<1x16xf32>,
      %swap3A_525 = vector.shape_cast %swap3A_524 : vector<1x16xf32> to vector<16xf32>
      %swap3A_526 = vector.shape_cast %add3A_521 : vector<16xf32> to vector<1x16xf32>
      tpu.vector_store %arg8[%swap3A_522, %swap3A_523], %swap3A_526 {strides = array<i32>} : memref<128x64xf32, #tpu.memory_space<vmem>>, vector<1x16xf32>,
      %get3A_527 = arith.index_cast %scan3A_483 : i32 to index
      %get3A_528 = arith.constant 48 : index
      %get3A_529 = tpu.vector_load %arg8[%get3A_527, %get3A_528] {strides = array<i32>} : memref<128x64xf32, #tpu.memory_space<vmem>>, vector<1x16xf32>,
      %get3A_530 = vector.shape_cast %get3A_529 : vector<1x16xf32> to vector<16xf32>
      %get3A_531 = arith.index_cast %add3A_484 : i32 to index
      %get3A_532 = arith.constant 48 : index
      %get3A_533 = tpu.vector_load %arg7[%get3A_531, %get3A_532] {strides = array<i32>} : memref<400x64xf32, #tpu.memory_space<vmem>>, vector<1x16xf32>,
      %get3A_534 = vector.shape_cast %get3A_533 : vector<1x16xf32> to vector<16xf32>
      %add3A_535 = arith.addf %get3A_530, %get3A_534 : vector<16xf32>
      %swap3A_536 = arith.index_cast %scan3A_483 : i32 to index
      %swap3A_537 = arith.constant 48 : index
      %swap3A_538 = tpu.vector_load %arg8[%swap3A_536, %swap3A_537] {strides = array<i32>} : memref<128x64xf32, #tpu.memory_space<vmem>>, vector<1x16xf32>,
      %swap3A_539 = vector.shape_cast %swap3A_538 : vector<1x16xf32> to vector<16xf32>
      %swap3A_540 = vector.shape_cast %add3A_535 : vector<16xf32> to vector<1x16xf32>
      tpu.vector_store %arg8[%swap3A_536, %swap3A_537], %swap3A_540 {strides = array<i32>} : memref<128x64xf32, #tpu.memory_space<vmem>>, vector<1x16xf32>,
    }
    %scan3A_256 = arith.constant 128 : i32
    %add3A_257 = arith.constant 6144 : i32
    %add3A_258 = arith.addi %mul3A_2, %add3A_257 : i32
    %dma_start3A_259 = arith.constant 0 : i32
    %dma_start3A_260 = tpu.memref_slice %arg5[%add3A_258, %dma_start3A_259] : memref<204800x64xf32, #tpu.memory_space<hbm>> -> memref<128x64xf32, #tpu.memory_space<hbm>>
    %dma_start3A_261 = arith.constant 0 : i32
    %dma_start3A_262 = tpu.memref_slice %arg5[%add3A_258, %dma_start3A_261] : memref<204800x64xf32, #tpu.memory_space<hbm>> -> memref<128x64xf32, #tpu.memory_space<hbm>>
    tpu.enqueue_dma source(%arg8 : memref<128x64xf32, #tpu.memory_space<vmem>>) target(%dma_start3A_262 : memref<128x64xf32, #tpu.memory_space<hbm>>) target_semaphore(%arg14 : memref<!tpu.dma_semaphore, #tpu.memory_space<semaphore_mem>>)
    %dma_wait3A_263 = arith.constant 0 : i32
    %dma_wait3A_264 = arith.constant 0 : i32
    %dma_wait3A_265 = tpu.memref_slice %arg6[%dma_wait3A_263, %dma_wait3A_264] : memref<50x128xi32, #tpu.memory_space<vmem>> -> memref<1x128xi32, #tpu.memory_space<vmem>>
    %dma_wait3A_266 = tpu.memref_squeeze %dma_wait3A_265 : memref<1x128xi32, #tpu.memory_space<vmem>> -> memref<128xi32, #tpu.memory_space<vmem>>
    %dma_wait3A_267 = arith.constant 0 : i32
    %dma_wait3A_268 = arith.constant 0 : i32
    %dma_wait3A_269 = tpu.memref_slice %arg2[%dma_wait3A_267, %dma_wait3A_268] : memref<1000001x64xf32, #tpu.memory_space<hbm>> -> memref<1000001x64xf32, #tpu.memory_space<hbm>>
    tpu.wait_indirect_dma semaphore(%arg12 : memref<!tpu.dma_semaphore, #tpu.memory_space<semaphore_mem>>) src(%dma_wait3A_269 : memref<1000001x64xf32, #tpu.memory_space<hbm>>) dst(%arg9 : memref<128x64xf32, #tpu.memory_space<vmem>>)
    %rem3A_270 = arith.constant 6272 : i32
    %rem3A_271 = arith.constant 200 : i32
    %rem3A_272 = arith.remsi %rem3A_270, %rem3A_271 : i32
    %scan3A_273 = arith.constant 0 : i32
    %scan3A_274 = arith.constant 0 : i32
    %scan3A_275 = arith.constant 128 : i32
    %scan3A_276 = arith.addi %scan3A_274, %scan3A_275 : i32
    %scan3A_277 = arith.constant 4 : i32
    scf.for %scan3A_306 = %scan3A_274 to %scan3A_276 step %scan3A_277  : i32 {
      %add3A_307 = arith.addi %rem3A_272, %scan3A_306 : i32
      %get3A_308 = arith.index_cast %scan3A_306 : i32 to index
      %get3A_309 = arith.constant 0 : index
      %get3A_310 = tpu.vector_load %arg9[%get3A_308, %get3A_309] {strides = array<i32>} : memref<128x64xf32, #tpu.memory_space<vmem>>, vector<1x16xf32>,
      %get3A_311 = vector.shape_cast %get3A_310 : vector<1x16xf32> to vector<16xf32>
      %get3A_312 = arith.index_cast %add3A_307 : i32 to index
      %get3A_313 = arith.constant 0 : index
      %get3A_314 = tpu.vector_load %arg7[%get3A_312, %get3A_313] {strides = array<i32>} : memref<400x64xf32, #tpu.memory_space<vmem>>, vector<1x16xf32>,
      %get3A_315 = vector.shape_cast %get3A_314 : vector<1x16xf32> to vector<16xf32>
      %add3A_316 = arith.addf %get3A_311, %get3A_315 : vector<16xf32>
      %swap3A_317 = arith.index_cast %scan3A_306 : i32 to index
      %swap3A_318 = arith.constant 0 : index
      %swap3A_319 = tpu.vector_load %arg9[%swap3A_317, %swap3A_318] {strides = array<i32>} : memref<128x64xf32, #tpu.memory_space<vmem>>, vector<1x16xf32>,
      %swap3A_320 = vector.shape_cast %swap3A_319 : vector<1x16xf32> to vector<16xf32>
      %swap3A_321 = vector.shape_cast %add3A_316 : vector<16xf32> to vector<1x16xf32>
      tpu.vector_store %arg9[%swap3A_317, %swap3A_318], %swap3A_321 {strides = array<i32>} : memref<128x64xf32, #tpu.memory_space<vmem>>, vector<1x16xf32>,
      %get3A_322 = arith.index_cast %scan3A_306 : i32 to index
      %get3A_323 = arith.constant 16 : index
      %get3A_324 = tpu.vector_load %arg9[%get3A_322, %get3A_323] {strides = array<i32>} : memref<128x64xf32, #tpu.memory_space<vmem>>, vector<1x16xf32>,
      %get3A_325 = vector.shape_cast %get3A_324 : vector<1x16xf32> to vector<16xf32>
      %get3A_326 = arith.index_cast %add3A_307 : i32 to index
      %get3A_327 = arith.constant 16 : index
      %get3A_328 = tpu.vector_load %arg7[%get3A_326, %get3A_327] {strides = array<i32>} : memref<400x64xf32, #tpu.memory_space<vmem>>, vector<1x16xf32>,
      %get3A_329 = vector.shape_cast %get3A_328 : vector<1x16xf32> to vector<16xf32>
      %add3A_330 = arith.addf %get3A_325, %get3A_329 : vector<16xf32>
      %swap3A_331 = arith.index_cast %scan3A_306 : i32 to index
      %swap3A_332 = arith.constant 16 : index
      %swap3A_333 = tpu.vector_load %arg9[%swap3A_331, %swap3A_332] {strides = array<i32>} : memref<128x64xf32, #tpu.memory_space<vmem>>, vector<1x16xf32>,
      %swap3A_334 = vector.shape_cast %swap3A_333 : vector<1x16xf32> to vector<16xf32>
      %swap3A_335 = vector.shape_cast %add3A_330 : vector<16xf32> to vector<1x16xf32>
      tpu.vector_store %arg9[%swap3A_331, %swap3A_332], %swap3A_335 {strides = array<i32>} : memref<128x64xf32, #tpu.memory_space<vmem>>, vector<1x16xf32>,
      %get3A_336 = arith.index_cast %scan3A_306 : i32 to index
      %get3A_337 = arith.constant 32 : index
      %get3A_338 = tpu.vector_load %arg9[%get3A_336, %get3A_337] {strides = array<i32>} : memref<128x64xf32, #tpu.memory_space<vmem>>, vector<1x16xf32>,
      %get3A_339 = vector.shape_cast %get3A_338 : vector<1x16xf32> to vector<16xf32>
      %get3A_340 = arith.index_cast %add3A_307 : i32 to index
      %get3A_341 = arith.constant 32 : index
      %get3A_342 = tpu.vector_load %arg7[%get3A_340, %get3A_341] {strides = array<i32>} : memref<400x64xf32, #tpu.memory_space<vmem>>, vector<1x16xf32>,
      %get3A_343 = vector.shape_cast %get3A_342 : vector<1x16xf32> to vector<16xf32>
      %add3A_344 = arith.addf %get3A_339, %get3A_343 : vector<16xf32>
      %swap3A_345 = arith.index_cast %scan3A_306 : i32 to index
      %swap3A_346 = arith.constant 32 : index
      %swap3A_347 = tpu.vector_load %arg9[%swap3A_345, %swap3A_346] {strides = array<i32>} : memref<128x64xf32, #tpu.memory_space<vmem>>, vector<1x16xf32>,
      %swap3A_348 = vector.shape_cast %swap3A_347 : vector<1x16xf32> to vector<16xf32>
      %swap3A_349 = vector.shape_cast %add3A_344 : vector<16xf32> to vector<1x16xf32>
      tpu.vector_store %arg9[%swap3A_345, %swap3A_346], %swap3A_349 {strides = array<i32>} : memref<128x64xf32, #tpu.memory_space<vmem>>, vector<1x16xf32>,
      %get3A_350 = arith.index_cast %scan3A_306 : i32 to index
      %get3A_351 = arith.constant 48 : index
      %get3A_352 = tpu.vector_load %arg9[%get3A_350, %get3A_351] {strides = array<i32>} : memref<128x64xf32, #tpu.memory_space<vmem>>, vector<1x16xf32>,
      %get3A_353 = vector.shape_cast %get3A_352 : vector<1x16xf32> to vector<16xf32>
      %get3A_354 = arith.index_cast %add3A_307 : i32 to index
      %get3A_355 = arith.constant 48 : index
      %get3A_356 = tpu.vector_load %arg7[%get3A_354, %get3A_355] {strides = array<i32>} : memref<400x64xf32, #tpu.memory_space<vmem>>, vector<1x16xf32>,
      %get3A_357 = vector.shape_cast %get3A_356 : vector<1x16xf32> to vector<16xf32>
      %add3A_358 = arith.addf %get3A_353, %get3A_357 : vector<16xf32>
      %swap3A_359 = arith.index_cast %scan3A_306 : i32 to index
      %swap3A_360 = arith.constant 48 : index
      %swap3A_361 = tpu.vector_load %arg9[%swap3A_359, %swap3A_360] {strides = array<i32>} : memref<128x64xf32, #tpu.memory_space<vmem>>, vector<1x16xf32>,
      %swap3A_362 = vector.shape_cast %swap3A_361 : vector<1x16xf32> to vector<16xf32>
      %swap3A_363 = vector.shape_cast %add3A_358 : vector<16xf32> to vector<1x16xf32>
      tpu.vector_store %arg9[%swap3A_359, %swap3A_360], %swap3A_363 {strides = array<i32>} : memref<128x64xf32, #tpu.memory_space<vmem>>, vector<1x16xf32>,
      %scan3A_364 = arith.constant 1 : i32
      %scan3A_365 = arith.addi %scan3A_306, %scan3A_364 : i32
      %add3A_366 = arith.addi %rem3A_272, %scan3A_365 : i32
      %get3A_367 = arith.index_cast %scan3A_365 : i32 to index
      %get3A_368 = arith.constant 0 : index
      %get3A_369 = tpu.vector_load %arg9[%get3A_367, %get3A_368] {strides = array<i32>} : memref<128x64xf32, #tpu.memory_space<vmem>>, vector<1x16xf32>,
      %get3A_370 = vector.shape_cast %get3A_369 : vector<1x16xf32> to vector<16xf32>
      %get3A_371 = arith.index_cast %add3A_366 : i32 to index
      %get3A_372 = arith.constant 0 : index
      %get3A_373 = tpu.vector_load %arg7[%get3A_371, %get3A_372] {strides = array<i32>} : memref<400x64xf32, #tpu.memory_space<vmem>>, vector<1x16xf32>,
      %get3A_374 = vector.shape_cast %get3A_373 : vector<1x16xf32> to vector<16xf32>
      %add3A_375 = arith.addf %get3A_370, %get3A_374 : vector<16xf32>
      %swap3A_376 = arith.index_cast %scan3A_365 : i32 to index
      %swap3A_377 = arith.constant 0 : index
      %swap3A_378 = tpu.vector_load %arg9[%swap3A_376, %swap3A_377] {strides = array<i32>} : memref<128x64xf32, #tpu.memory_space<vmem>>, vector<1x16xf32>,
      %swap3A_379 = vector.shape_cast %swap3A_378 : vector<1x16xf32> to vector<16xf32>
      %swap3A_380 = vector.shape_cast %add3A_375 : vector<16xf32> to vector<1x16xf32>
      tpu.vector_store %arg9[%swap3A_376, %swap3A_377], %swap3A_380 {strides = array<i32>} : memref<128x64xf32, #tpu.memory_space<vmem>>, vector<1x16xf32>,
      %get3A_381 = arith.index_cast %scan3A_365 : i32 to index
      %get3A_382 = arith.constant 16 : index
      %get3A_383 = tpu.vector_load %arg9[%get3A_381, %get3A_382] {strides = array<i32>} : memref<128x64xf32, #tpu.memory_space<vmem>>, vector<1x16xf32>,
      %get3A_384 = vector.shape_cast %get3A_383 : vector<1x16xf32> to vector<16xf32>
      %get3A_385 = arith.index_cast %add3A_366 : i32 to index
      %get3A_386 = arith.constant 16 : index
      %get3A_387 = tpu.vector_load %arg7[%get3A_385, %get3A_386] {strides = array<i32>} : memref<400x64xf32, #tpu.memory_space<vmem>>, vector<1x16xf32>,
      %get3A_388 = vector.shape_cast %get3A_387 : vector<1x16xf32> to vector<16xf32>
      %add3A_389 = arith.addf %get3A_384, %get3A_388 : vector<16xf32>
      %swap3A_390 = arith.index_cast %scan3A_365 : i32 to index
      %swap3A_391 = arith.constant 16 : index
      %swap3A_392 = tpu.vector_load %arg9[%swap3A_390, %swap3A_391] {strides = array<i32>} : memref<128x64xf32, #tpu.memory_space<vmem>>, vector<1x16xf32>,
      %swap3A_393 = vector.shape_cast %swap3A_392 : vector<1x16xf32> to vector<16xf32>
      %swap3A_394 = vector.shape_cast %add3A_389 : vector<16xf32> to vector<1x16xf32>
      tpu.vector_store %arg9[%swap3A_390, %swap3A_391], %swap3A_394 {strides = array<i32>} : memref<128x64xf32, #tpu.memory_space<vmem>>, vector<1x16xf32>,
      %get3A_395 = arith.index_cast %scan3A_365 : i32 to index
      %get3A_396 = arith.constant 32 : index
      %get3A_397 = tpu.vector_load %arg9[%get3A_395, %get3A_396] {strides = array<i32>} : memref<128x64xf32, #tpu.memory_space<vmem>>, vector<1x16xf32>,
      %get3A_398 = vector.shape_cast %get3A_397 : vector<1x16xf32> to vector<16xf32>
      %get3A_399 = arith.index_cast %add3A_366 : i32 to index
      %get3A_400 = arith.constant 32 : index
      %get3A_401 = tpu.vector_load %arg7[%get3A_399, %get3A_400] {strides = array<i32>} : memref<400x64xf32, #tpu.memory_space<vmem>>, vector<1x16xf32>,
      %get3A_402 = vector.shape_cast %get3A_401 : vector<1x16xf32> to vector<16xf32>
      %add3A_403 = arith.addf %get3A_398, %get3A_402 : vector<16xf32>
      %swap3A_404 = arith.index_cast %scan3A_365 : i32 to index
      %swap3A_405 = arith.constant 32 : index
      %swap3A_406 = tpu.vector_load %arg9[%swap3A_404, %swap3A_405] {strides = array<i32>} : memref<128x64xf32, #tpu.memory_space<vmem>>, vector<1x16xf32>,
      %swap3A_407 = vector.shape_cast %swap3A_406 : vector<1x16xf32> to vector<16xf32>
      %swap3A_408 = vector.shape_cast %add3A_403 : vector<16xf32> to vector<1x16xf32>
      tpu.vector_store %arg9[%swap3A_404, %swap3A_405], %swap3A_408 {strides = array<i32>} : memref<128x64xf32, #tpu.memory_space<vmem>>, vector<1x16xf32>,
      %get3A_409 = arith.index_cast %scan3A_365 : i32 to index
      %get3A_410 = arith.constant 48 : index
      %get3A_411 = tpu.vector_load %arg9[%get3A_409, %get3A_410] {strides = array<i32>} : memref<128x64xf32, #tpu.memory_space<vmem>>, vector<1x16xf32>,
      %get3A_412 = vector.shape_cast %get3A_411 : vector<1x16xf32> to vector<16xf32>
      %get3A_413 = arith.index_cast %add3A_366 : i32 to index
      %get3A_414 = arith.constant 48 : index
      %get3A_415 = tpu.vector_load %arg7[%get3A_413, %get3A_414] {strides = array<i32>} : memref<400x64xf32, #tpu.memory_space<vmem>>, vector<1x16xf32>,
      %get3A_416 = vector.shape_cast %get3A_415 : vector<1x16xf32> to vector<16xf32>
      %add3A_417 = arith.addf %get3A_412, %get3A_416 : vector<16xf32>
      %swap3A_418 = arith.index_cast %scan3A_365 : i32 to index
      %swap3A_419 = arith.constant 48 : index
      %swap3A_420 = tpu.vector_load %arg9[%swap3A_418, %swap3A_419] {strides = array<i32>} : memref<128x64xf32, #tpu.memory_space<vmem>>, vector<1x16xf32>,
      %swap3A_421 = vector.shape_cast %swap3A_420 : vector<1x16xf32> to vector<16xf32>
      %swap3A_422 = vector.shape_cast %add3A_417 : vector<16xf32> to vector<1x16xf32>
      tpu.vector_store %arg9[%swap3A_418, %swap3A_419], %swap3A_422 {strides = array<i32>} : memref<128x64xf32, #tpu.memory_space<vmem>>, vector<1x16xf32>,
      %scan3A_423 = arith.constant 2 : i32
      %scan3A_424 = arith.addi %scan3A_306, %scan3A_423 : i32
      %add3A_425 = arith.addi %rem3A_272, %scan3A_424 : i32
      %get3A_426 = arith.index_cast %scan3A_424 : i32 to index
      %get3A_427 = arith.constant 0 : index
      %get3A_428 = tpu.vector_load %arg9[%get3A_426, %get3A_427] {strides = array<i32>} : memref<128x64xf32, #tpu.memory_space<vmem>>, vector<1x16xf32>,
      %get3A_429 = vector.shape_cast %get3A_428 : vector<1x16xf32> to vector<16xf32>
      %get3A_430 = arith.index_cast %add3A_425 : i32 to index
      %get3A_431 = arith.constant 0 : index
      %get3A_432 = tpu.vector_load %arg7[%get3A_430, %get3A_431] {strides = array<i32>} : memref<400x64xf32, #tpu.memory_space<vmem>>, vector<1x16xf32>,
      %get3A_433 = vector.shape_cast %get3A_432 : vector<1x16xf32> to vector<16xf32>
      %add3A_434 = arith.addf %get3A_429, %get3A_433 : vector<16xf32>
      %swap3A_435 = arith.index_cast %scan3A_424 : i32 to index
      %swap3A_436 = arith.constant 0 : index
      %swap3A_437 = tpu.vector_load %arg9[%swap3A_435, %swap3A_436] {strides = array<i32>} : memref<128x64xf32, #tpu.memory_space<vmem>>, vector<1x16xf32>,
      %swap3A_438 = vector.shape_cast %swap3A_437 : vector<1x16xf32> to vector<16xf32>
      %swap3A_439 = vector.shape_cast %add3A_434 : vector<16xf32> to vector<1x16xf32>
      tpu.vector_store %arg9[%swap3A_435, %swap3A_436], %swap3A_439 {strides = array<i32>} : memref<128x64xf32, #tpu.memory_space<vmem>>, vector<1x16xf32>,
      %get3A_440 = arith.index_cast %scan3A_424 : i32 to index
      %get3A_441 = arith.constant 16 : index
      %get3A_442 = tpu.vector_load %arg9[%get3A_440, %get3A_441] {strides = array<i32>} : memref<128x64xf32, #tpu.memory_space<vmem>>, vector<1x16xf32>,
      %get3A_443 = vector.shape_cast %get3A_442 : vector<1x16xf32> to vector<16xf32>
      %get3A_444 = arith.index_cast %add3A_425 : i32 to index
      %get3A_445 = arith.constant 16 : index
      %get3A_446 = tpu.vector_load %arg7[%get3A_444, %get3A_445] {strides = array<i32>} : memref<400x64xf32, #tpu.memory_space<vmem>>, vector<1x16xf32>,
      %get3A_447 = vector.shape_cast %get3A_446 : vector<1x16xf32> to vector<16xf32>
      %add3A_448 = arith.addf %get3A_443, %get3A_447 : vector<16xf32>
      %swap3A_449 = arith.index_cast %scan3A_424 : i32 to index
      %swap3A_450 = arith.constant 16 : index
      %swap3A_451 = tpu.vector_load %arg9[%swap3A_449, %swap3A_450] {strides = array<i32>} : memref<128x64xf32, #tpu.memory_space<vmem>>, vector<1x16xf32>,
      %swap3A_452 = vector.shape_cast %swap3A_451 : vector<1x16xf32> to vector<16xf32>
      %swap3A_453 = vector.shape_cast %add3A_448 : vector<16xf32> to vector<1x16xf32>
      tpu.vector_store %arg9[%swap3A_449, %swap3A_450], %swap3A_453 {strides = array<i32>} : memref<128x64xf32, #tpu.memory_space<vmem>>, vector<1x16xf32>,
      %get3A_454 = arith.index_cast %scan3A_424 : i32 to index
      %get3A_455 = arith.constant 32 : index
      %get3A_456 = tpu.vector_load %arg9[%get3A_454, %get3A_455] {strides = array<i32>} : memref<128x64xf32, #tpu.memory_space<vmem>>, vector<1x16xf32>,
      %get3A_457 = vector.shape_cast %get3A_456 : vector<1x16xf32> to vector<16xf32>
      %get3A_458 = arith.index_cast %add3A_425 : i32 to index
      %get3A_459 = arith.constant 32 : index
      %get3A_460 = tpu.vector_load %arg7[%get3A_458, %get3A_459] {strides = array<i32>} : memref<400x64xf32, #tpu.memory_space<vmem>>, vector<1x16xf32>,
      %get3A_461 = vector.shape_cast %get3A_460 : vector<1x16xf32> to vector<16xf32>
      %add3A_462 = arith.addf %get3A_457, %get3A_461 : vector<16xf32>
      %swap3A_463 = arith.index_cast %scan3A_424 : i32 to index
      %swap3A_464 = arith.constant 32 : index
      %swap3A_465 = tpu.vector_load %arg9[%swap3A_463, %swap3A_464] {strides = array<i32>} : memref<128x64xf32, #tpu.memory_space<vmem>>, vector<1x16xf32>,
      %swap3A_466 = vector.shape_cast %swap3A_465 : vector<1x16xf32> to vector<16xf32>
      %swap3A_467 = vector.shape_cast %add3A_462 : vector<16xf32> to vector<1x16xf32>
      tpu.vector_store %arg9[%swap3A_463, %swap3A_464], %swap3A_467 {strides = array<i32>} : memref<128x64xf32, #tpu.memory_space<vmem>>, vector<1x16xf32>,
      %get3A_468 = arith.index_cast %scan3A_424 : i32 to index
      %get3A_469 = arith.constant 48 : index
      %get3A_470 = tpu.vector_load %arg9[%get3A_468, %get3A_469] {strides = array<i32>} : memref<128x64xf32, #tpu.memory_space<vmem>>, vector<1x16xf32>,
      %get3A_471 = vector.shape_cast %get3A_470 : vector<1x16xf32> to vector<16xf32>
      %get3A_472 = arith.index_cast %add3A_425 : i32 to index
      %get3A_473 = arith.constant 48 : index
      %get3A_474 = tpu.vector_load %arg7[%get3A_472, %get3A_473] {strides = array<i32>} : memref<400x64xf32, #tpu.memory_space<vmem>>, vector<1x16xf32>,
      %get3A_475 = vector.shape_cast %get3A_474 : vector<1x16xf32> to vector<16xf32>
      %add3A_476 = arith.addf %get3A_471, %get3A_475 : vector<16xf32>
      %swap3A_477 = arith.index_cast %scan3A_424 : i32 to index
      %swap3A_478 = arith.constant 48 : index
      %swap3A_479 = tpu.vector_load %arg9[%swap3A_477, %swap3A_478] {strides = array<i32>} : memref<128x64xf32, #tpu.memory_space<vmem>>, vector<1x16xf32>,
      %swap3A_480 = vector.shape_cast %swap3A_479 : vector<1x16xf32> to vector<16xf32>
      %swap3A_481 = vector.shape_cast %add3A_476 : vector<16xf32> to vector<1x16xf32>
      tpu.vector_store %arg9[%swap3A_477, %swap3A_478], %swap3A_481 {strides = array<i32>} : memref<128x64xf32, #tpu.memory_space<vmem>>, vector<1x16xf32>,
      %scan3A_482 = arith.constant 3 : i32
      %scan3A_483 = arith.addi %scan3A_306, %scan3A_482 : i32
      %add3A_484 = arith.addi %rem3A_272, %scan3A_483 : i32
      %get3A_485 = arith.index_cast %scan3A_483 : i32 to index
      %get3A_486 = arith.constant 0 : index
      %get3A_487 = tpu.vector_load %arg9[%get3A_485, %get3A_486] {strides = array<i32>} : memref<128x64xf32, #tpu.memory_space<vmem>>, vector<1x16xf32>,
      %get3A_488 = vector.shape_cast %get3A_487 : vector<1x16xf32> to vector<16xf32>
      %get3A_489 = arith.index_cast %add3A_484 : i32 to index
      %get3A_490 = arith.constant 0 : index
      %get3A_491 = tpu.vector_load %arg7[%get3A_489, %get3A_490] {strides = array<i32>} : memref<400x64xf32, #tpu.memory_space<vmem>>, vector<1x16xf32>,
      %get3A_492 = vector.shape_cast %get3A_491 : vector<1x16xf32> to vector<16xf32>
      %add3A_493 = arith.addf %get3A_488, %get3A_492 : vector<16xf32>
      %swap3A_494 = arith.index_cast %scan3A_483 : i32 to index
      %swap3A_495 = arith.constant 0 : index
      %swap3A_496 = tpu.vector_load %arg9[%swap3A_494, %swap3A_495] {strides = array<i32>} : memref<128x64xf32, #tpu.memory_space<vmem>>, vector<1x16xf32>,
      %swap3A_497 = vector.shape_cast %swap3A_496 : vector<1x16xf32> to vector<16xf32>
      %swap3A_498 = vector.shape_cast %add3A_493 : vector<16xf32> to vector<1x16xf32>
      tpu.vector_store %arg9[%swap3A_494, %swap3A_495], %swap3A_498 {strides = array<i32>} : memref<128x64xf32, #tpu.memory_space<vmem>>, vector<1x16xf32>,
      %get3A_499 = arith.index_cast %scan3A_483 : i32 to index
      %get3A_500 = arith.constant 16 : index
      %get3A_501 = tpu.vector_load %arg9[%get3A_499, %get3A_500] {strides = array<i32>} : memref<128x64xf32, #tpu.memory_space<vmem>>, vector<1x16xf32>,
      %get3A_502 = vector.shape_cast %get3A_501 : vector<1x16xf32> to vector<16xf32>
      %get3A_503 = arith.index_cast %add3A_484 : i32 to index
      %get3A_504 = arith.constant 16 : index
      %get3A_505 = tpu.vector_load %arg7[%get3A_503, %get3A_504] {strides = array<i32>} : memref<400x64xf32, #tpu.memory_space<vmem>>, vector<1x16xf32>,
      %get3A_506 = vector.shape_cast %get3A_505 : vector<1x16xf32> to vector<16xf32>
      %add3A_507 = arith.addf %get3A_502, %get3A_506 : vector<16xf32>
      %swap3A_508 = arith.index_cast %scan3A_483 : i32 to index
      %swap3A_509 = arith.constant 16 : index
      %swap3A_510 = tpu.vector_load %arg9[%swap3A_508, %swap3A_509] {strides = array<i32>} : memref<128x64xf32, #tpu.memory_space<vmem>>, vector<1x16xf32>,
      %swap3A_511 = vector.shape_cast %swap3A_510 : vector<1x16xf32> to vector<16xf32>
      %swap3A_512 = vector.shape_cast %add3A_507 : vector<16xf32> to vector<1x16xf32>
      tpu.vector_store %arg9[%swap3A_508, %swap3A_509], %swap3A_512 {strides = array<i32>} : memref<128x64xf32, #tpu.memory_space<vmem>>, vector<1x16xf32>,
      %get3A_513 = arith.index_cast %scan3A_483 : i32 to index
      %get3A_514 = arith.constant 32 : index
      %get3A_515 = tpu.vector_load %arg9[%get3A_513, %get3A_514] {strides = array<i32>} : memref<128x64xf32, #tpu.memory_space<vmem>>, vector<1x16xf32>,
      %get3A_516 = vector.shape_cast %get3A_515 : vector<1x16xf32> to vector<16xf32>
      %get3A_517 = arith.index_cast %add3A_484 : i32 to index
      %get3A_518 = arith.constant 32 : index
      %get3A_519 = tpu.vector_load %arg7[%get3A_517, %get3A_518] {strides = array<i32>} : memref<400x64xf32, #tpu.memory_space<vmem>>, vector<1x16xf32>,
      %get3A_520 = vector.shape_cast %get3A_519 : vector<1x16xf32> to vector<16xf32>
      %add3A_521 = arith.addf %get3A_516, %get3A_520 : vector<16xf32>
      %swap3A_522 = arith.index_cast %scan3A_483 : i32 to index
      %swap3A_523 = arith.constant 32 : index
      %swap3A_524 = tpu.vector_load %arg9[%swap3A_522, %swap3A_523] {strides = array<i32>} : memref<128x64xf32, #tpu.memory_space<vmem>>, vector<1x16xf32>,
      %swap3A_525 = vector.shape_cast %swap3A_524 : vector<1x16xf32> to vector<16xf32>
      %swap3A_526 = vector.shape_cast %add3A_521 : vector<16xf32> to vector<1x16xf32>
      tpu.vector_store %arg9[%swap3A_522, %swap3A_523], %swap3A_526 {strides = array<i32>} : memref<128x64xf32, #tpu.memory_space<vmem>>, vector<1x16xf32>,
      %get3A_527 = arith.index_cast %scan3A_483 : i32 to index
      %get3A_528 = arith.constant 48 : index
      %get3A_529 = tpu.vector_load %arg9[%get3A_527, %get3A_528] {strides = array<i32>} : memref<128x64xf32, #tpu.memory_space<vmem>>, vector<1x16xf32>,
      %get3A_530 = vector.shape_cast %get3A_529 : vector<1x16xf32> to vector<16xf32>
      %get3A_531 = arith.index_cast %add3A_484 : i32 to index
      %get3A_532 = arith.constant 48 : index
      %get3A_533 = tpu.vector_load %arg7[%get3A_531, %get3A_532] {strides = array<i32>} : memref<400x64xf32, #tpu.memory_space<vmem>>, vector<1x16xf32>,
      %get3A_534 = vector.shape_cast %get3A_533 : vector<1x16xf32> to vector<16xf32>
      %add3A_535 = arith.addf %get3A_530, %get3A_534 : vector<16xf32>
      %swap3A_536 = arith.index_cast %scan3A_483 : i32 to index
      %swap3A_537 = arith.constant 48 : index
      %swap3A_538 = tpu.vector_load %arg9[%swap3A_536, %swap3A_537] {strides = array<i32>} : memref<128x64xf32, #tpu.memory_space<vmem>>, vector<1x16xf32>,
      %swap3A_539 = vector.shape_cast %swap3A_538 : vector<1x16xf32> to vector<16xf32>
      %swap3A_540 = vector.shape_cast %add3A_535 : vector<16xf32> to vector<1x16xf32>
      tpu.vector_store %arg9[%swap3A_536, %swap3A_537], %swap3A_540 {strides = array<i32>} : memref<128x64xf32, #tpu.memory_space<vmem>>, vector<1x16xf32>,
    }
    %scan3A_278 = arith.constant 128 : i32
    %add3A_279 = arith.constant 6272 : i32
    %add3A_280 = arith.addi %mul3A_2, %add3A_279 : i32
    %dma_start3A_281 = arith.constant 0 : i32
    %dma_start3A_282 = tpu.memref_slice %arg5[%add3A_280, %dma_start3A_281] : memref<204800x64xf32, #tpu.memory_space<hbm>> -> memref<128x64xf32, #tpu.memory_space<hbm>>
    %dma_start3A_283 = arith.constant 0 : i32
    %dma_start3A_284 = tpu.memref_slice %arg5[%add3A_280, %dma_start3A_283] : memref<204800x64xf32, #tpu.memory_space<hbm>> -> memref<128x64xf32, #tpu.memory_space<hbm>>
    tpu.enqueue_dma source(%arg9 : memref<128x64xf32, #tpu.memory_space<vmem>>) target(%dma_start3A_284 : memref<128x64xf32, #tpu.memory_space<hbm>>) target_semaphore(%arg15 : memref<!tpu.dma_semaphore, #tpu.memory_space<semaphore_mem>>)
    %dma_wait3A_285 = arith.constant 0 : i32
    %dma_wait3A_286 = arith.constant 0 : i32
    %dma_wait3A_287 = tpu.memref_slice %arg6[%dma_wait3A_285, %dma_wait3A_286] : memref<50x128xi32, #tpu.memory_space<vmem>> -> memref<1x128xi32, #tpu.memory_space<vmem>>
    %dma_wait3A_288 = tpu.memref_squeeze %dma_wait3A_287 : memref<1x128xi32, #tpu.memory_space<vmem>> -> memref<128xi32, #tpu.memory_space<vmem>>
    %dma_wait3A_289 = arith.constant 0 : i32
    %dma_wait3A_290 = arith.constant 0 : i32
    %dma_wait3A_291 = tpu.memref_slice %arg2[%dma_wait3A_289, %dma_wait3A_290] : memref<1000001x64xf32, #tpu.memory_space<hbm>> -> memref<1000001x64xf32, #tpu.memory_space<hbm>>
    tpu.wait_indirect_dma semaphore(%arg14 : memref<!tpu.dma_semaphore, #tpu.memory_space<semaphore_mem>>) src(%dma_wait3A_291 : memref<1000001x64xf32, #tpu.memory_space<hbm>>) dst(%arg8 : memref<128x64xf32, #tpu.memory_space<vmem>>)
    %dma_wait3A_292 = arith.constant 0 : i32
    %dma_wait3A_293 = arith.constant 0 : i32
    %dma_wait3A_294 = tpu.memref_slice %arg6[%dma_wait3A_292, %dma_wait3A_293] : memref<50x128xi32, #tpu.memory_space<vmem>> -> memref<1x128xi32, #tpu.memory_space<vmem>>
    %dma_wait3A_295 = tpu.memref_squeeze %dma_wait3A_294 : memref<1x128xi32, #tpu.memory_space<vmem>> -> memref<128xi32, #tpu.memory_space<vmem>>
    %dma_wait3A_296 = arith.constant 0 : i32
    %dma_wait3A_297 = arith.constant 0 : i32
    %dma_wait3A_298 = tpu.memref_slice %arg2[%dma_wait3A_296, %dma_wait3A_297] : memref<1000001x64xf32, #tpu.memory_space<hbm>> -> memref<1000001x64xf32, #tpu.memory_space<hbm>>
    tpu.wait_indirect_dma semaphore(%arg15 : memref<!tpu.dma_semaphore, #tpu.memory_space<semaphore_mem>>) src(%dma_wait3A_298 : memref<1000001x64xf32, #tpu.memory_space<hbm>>) dst(%arg9 : memref<128x64xf32, #tpu.memory_space<vmem>>)
    %dma_wait3A_299 = arith.constant 0 : i32
    %dma_wait3A_300 = arith.constant 0 : i32
    %dma_wait3A_301 = tpu.memref_slice %arg6[%dma_wait3A_299, %dma_wait3A_300] : memref<50x128xi32, #tpu.memory_space<vmem>> -> memref<1x128xi32, #tpu.memory_space<vmem>>
    %dma_wait3A_302 = tpu.memref_squeeze %dma_wait3A_301 : memref<1x128xi32, #tpu.memory_space<vmem>> -> memref<128xi32, #tpu.memory_space<vmem>>
    %dma_wait3A_303 = arith.constant 0 : i32
    %dma_wait3A_304 = arith.constant 0 : i32
    %dma_wait3A_305 = tpu.memref_slice %arg2[%dma_wait3A_303, %dma_wait3A_304] : memref<1000001x64xf32, #tpu.memory_space<hbm>> -> memref<1000001x64xf32, #tpu.memory_space<hbm>>
    tpu.wait_indirect_dma semaphore(%arg16 : memref<!tpu.dma_semaphore, #tpu.memory_space<semaphore_mem>>) src(%dma_wait3A_305 : memref<1000001x64xf32, #tpu.memory_space<hbm>>) dst(%arg10 : memref<128x64xf32, #tpu.memory_space<vmem>>)
    return
  }
}

</mosaic_0001>

<sc_bundles>
// kernel: kernel.3.cloned.1.call-start
scs
__scs_entry_jumppad:
0x0: {  	(pc) =	sbr.rel $0x88, $3  }
0x1: {  	(tag) =	ssettag $0x0;
	lr =	simm.s32 $0x1  }
0x2: {  	[smem:$0x3F9F] =	sst lr;
	_ =	strace $0xD0000000  }
0x3: {  	_ = 	snop  }
0x4: {  	_ = 	snop  }
0x5: {  	_ = 	snop  }
0x6: {  	_ = 	snop  }
0x7: {  	_ = 	snop  }
__scs_overlays_trampoline_lowered:
0x8: {  	[smem:$0x3FAE] =	sst s0  }
0x9: {  	[smem:$0x3FAF] =	sst s1  }
0xa: {  	[smem:$0x3FB0] =	sst s2  }
0xb: {  	[smem:$0x3FB1] =	sst s3  }
0xc: {  	[smem:$0x3FB2] =	sst s4  }
0xd: {  	[smem:$0x3FB3] =	sst s5  }
0xe: {  	[smem:$0x3FB4] =	sst s6  }
0xf: {  	[smem:$0x3FB5] =	sst s7  }
0x10: {  	[smem:$0x3FB6] =	sst s8  }
0x11: {  	[smem:$0x3FB7] =	sst s9;
	s0 =	simm.s32 @!p0 $0x0  }
0x12: {  	s1 =	sld [smem:$0x3F9D];
	s0 =	simm.s32 @p0 $0x1  }
0x13: {  	[smem:$0x3FB8] =	sst s0;
	s0 =	simm.s32 @!p1 $0x0  }
0x14: {  	s2 =	sld [smem:$0x3F9C];
	s0 =	simm.s32 @p1 $0x1  }
0x15: {  	[smem:$0x3FB9] =	sst s0;
	s0 =	simm.s32 @!p2 $0x0  }
0x16: {  	s3 =	sld [smem:$0x3FDB];
	s0 =	simm.s32 @p2 $0x1  }
0x17: {  	s4 =	simm.s32 $0x1BF5;
	[smem:$0x3FBB] =	sst s0  }
0x18: {  	s0 =	sld [smem:$0x3F9E];
	_ =	swait.ge [sflag:s4], $0x0  }
0x19: {  	s7 =	sld [smem:$0x3F9F]  }
0x1a: {  	s8 =	sadd.s32 $0xFFFFE003, lr  }
0x1b: {  	s9 =	sadd.s32 $0xFFFFFEF7, lr;
	s5 =	simm.s32 $0xFFFFFFFF;
	p2 =	slt.u32 s8, $0xFFFFF086  }
0x1c: {  	p1 =	slt.u32 s9, $0xF7A;
	s5 =	simm.s32 @!p2 $0x0  }
0x1d: {  	s5 =	simm.s32 @p1 $0x1;
	p0 =	seq.s32 s7, s2  }
0x1e: {  	s7 =	smul.u32 @!p0 $0xF7A, s2;
	p2 =	seq.s32 @!p0 s5, $0x0  }
0x1f: {  	s9 =	smul.u32 $0xF7A, s1;
	s8 =	simm.s32 @!p0 $0x1BF5;
	p2 =	por !p2, p0  }
0x20: {  	[sflag:s8] =	ssyncset.s32 @!p0 $0xFFFFF086;
	s6 =	sadd.s32 @!p0 s3, s7;
	s7 =	simm.s32 @!p0 $0x108  }
0x21: {  	s3 =	sadd.s32 s3, s9;
	s6 =	sadd.s32 @!p0 $0x88, s6;
	s7 =	simm.s32 @p2 $0x1082  }
0x22: {  	[simem:s7], [sflag:s8] =	dma.local @!p0 [hbm:s6], $0xF7A  }
0x23: {  	s9 =	sor.u32 $0xD0000000, s2;
	s6 =	simm.s32 $0x108;
	_ =	swait.ge @!p0 [sflag:s8], $0x0  }
0x24: {  	s3 =	sadd.s32 $0x88, s3;
	s6 =	simm.s32 @!p1 $0x1082;
	[sflag:s4] =	ssyncset.s32 $0xFFFFF086  }
0x25: {  	[simem:s6], [sflag:s4] =	dma.local [hbm:s3], $0xF7A  }
0x26: {  	[smem:$0x3F9F] =	sst s1;
	(tag) =	ssettag s2;
	_ =	strace s9  }
0x27: {  	s1 =	sld [smem:$0x3FAF]  }
0x28: {  	s2 =	sld [smem:$0x3FB0]  }
0x29: {  	s4 =	sld [smem:$0x3FB2]  }
0x2a: {  	p0 =	seq.s32 s5, $0x0;
	s5 =	sld [smem:$0x3FB3]  }
0x2b: {  	s6 =	sld [smem:$0x3FB4]  }
0x2c: {  	s7 =	sld [smem:$0x3FB5]  }
0x2d: {  	s3 =	simm.s32 $0x108;
	s8 =	sld [smem:$0x3FB6]  }
0x2e: {  	s3 =	simm.s32 @!p0 $0x1082;
	s9 =	sld [smem:$0x3FB7]  }
0x2f: {  	lr =	sadd.s32 s0, s3;
	s0 =	sld [smem:$0x3FAE]  }
0x30: {  	s3 =	sld [smem:$0x3FB1]  }
0x31: {  	[smem:$0x3FBA] =	sst s10  }
0x32: {  	s10 =	sld [smem:$0x3FB8];
	_ =	sdelay $0x3  }
0x33: {  	p0 =	seq.s32 s10, $0x1;
	s10 =	sld [smem:$0x3FBA];
	_ =	sdelay $0x3  }
0x34: {  	[smem:$0x3FBA] =	sst s10  }
0x35: {  	s10 =	sld [smem:$0x3FB9];
	_ =	sdelay $0x3  }
0x36: {  	p1 =	seq.s32 s10, $0x1;
	s10 =	sld [smem:$0x3FBA];
	_ =	sdelay $0x3  }
0x37: {  	[smem:$0x3FBA] =	sst s10  }
0x38: {  	s10 =	sld [smem:$0x3FBB]  }
0x39: {  	_ = 	snop;
	(pc) =	sbr.ind lr, $3  }
0x3a: {  	_ = 	snop  }
0x3b: {  	_ = 	snop  }
0x3c: {  	p2 =	seq.s32 s10, $0x1;
	s10 =	sld [smem:$0x3FBA]  }
0x3d: {  	_ =	shalt  }
0x3e: {  	_ =	shalt  }
0x3f: {  	_ =	shalt  }
0x40: {  	_ =	shalt  }
0x41: {  	_ =	shalt  }
0x42: {  	_ =	shalt  }
0x43: {  	_ =	shalt  }
0x44: {  	_ =	shalt  }
0x45: {  	_ =	shalt  }
0x46: {  	_ =	shalt  }
0x47: {  	_ =	shalt  }
0x48: {  	_ =	shalt  }
0x49: {  	_ =	shalt  }
0x4a: {  	_ =	shalt  }
0x4b: {  	_ =	shalt  }
0x4c: {  	_ =	shalt  }
0x4d: {  	_ =	shalt  }
0x4e: {  	_ =	shalt  }
0x4f: {  	_ =	shalt  }
0x50: {  	_ =	shalt  }
0x51: {  	_ =	shalt  }
0x52: {  	_ =	shalt  }
0x53: {  	_ =	shalt  }
0x54: {  	_ =	shalt  }
0x55: {  	_ =	shalt  }
0x56: {  	_ =	shalt  }
0x57: {  	_ =	shalt  }
0x58: {  	_ =	shalt  }
0x59: {  	_ =	shalt  }
0x5a: {  	_ =	shalt  }
0x5b: {  	_ =	shalt  }
0x5c: {  	_ =	shalt  }
0x5d: {  	_ =	shalt  }
0x5e: {  	_ =	shalt  }
0x5f: {  	_ =	shalt  }
0x60: {  	_ =	shalt  }
0x61: {  	_ =	shalt  }
0x62: {  	_ =	shalt  }
0x63: {  	_ =	shalt  }
0x64: {  	_ =	shalt  }
0x65: {  	_ =	shalt  }
0x66: {  	_ =	shalt  }
0x67: {  	_ =	shalt  }
0x68: {  	_ =	shalt  }
0x69: {  	_ =	shalt  }
0x6a: {  	_ =	shalt  }
0x6b: {  	_ =	shalt  }
0x6c: {  	_ =	shalt  }
0x6d: {  	_ =	shalt  }
0x6e: {  	_ =	shalt  }
0x6f: {  	_ =	shalt  }
0x70: {  	_ =	shalt  }
0x71: {  	_ =	shalt  }
0x72: {  	_ =	shalt  }
0x73: {  	_ =	shalt  }
0x74: {  	_ =	shalt  }
0x75: {  	_ =	shalt  }
0x76: {  	_ =	shalt  }
0x77: {  	_ =	shalt  }
0x78: {  	_ =	shalt  }
0x79: {  	_ =	shalt  }
0x7a: {  	_ =	shalt  }
0x7b: {  	_ =	shalt  }
0x7c: {  	_ =	shalt  }
0x7d: {  	_ =	shalt  }
0x7e: {  	_ =	shalt  }
0x7f: {  	_ =	shalt  }
0x80: {  	_ =	shalt  }
0x81: {  	_ =	shalt  }
0x82: {  	_ =	shalt  }
0x83: {  	_ =	shalt  }
0x84: {  	_ =	shalt  }
0x85: {  	_ =	shalt  }
0x86: {  	_ =	shalt  }
0x87: {  	_ =	shalt  }
.Lfunc_end0:
.L_simem_size_0:
called_computation.1_lowered:
.L_overlay_start_0:
0x88: {  	s2 =	sld [smem:$0x3FD9]  }
0x89: {  	s3 =	sld [smem:$0x3FFE];
	_ =	sdelay $0x1  }
0x8a: {  	s1 =	srdreg.scid  }
0x8b: {  	s0 =	sand.u32 $0x1, s1  }
0x8c: {  	s17 =	sshll.u32 s0, $0xA;
	s2 =	sadd.s32 s3, s2  }
0x8d: {  	s2 =	sadd.s32 s2, s17  }
0x8e: {  	[smem:$0x3FC6] =	sst s2  }
0x8f: {  	_ = 	snop  }
0x90: {  	s2 =	sld [smem:$0x3FD0];
	(tm) =	ssettm $0x1  }
0x91: {  	s18 =	sld [smem:$0x3FFB];
	_ =	sdelay $0x3  }
0x92: {  	_ =	strace s18  }
0x93: {  	s3 =	sld [smem:$0x3FFC];
	_ =	sdelay $0x3  }
0x94: {  	_ =	strace s3  }
0x95: {  	s3 =	sld [smem:$0x3FFD];
	_ =	sdelay $0x3  }
0x96: {  	_ =	strace s3  }
0x97: {  	_ =	strace $0x8FFFFFFF  }
0x98: {  	s19 =	sld [smem:$0x3FDB];
	_ =	sdelay $0x1  }
0x99: {  	s4 =	simm.s32 $_scs_section_size  }
0x9a: {  	s5 =	simm.s32 $_size__tile_overlayer_lowered;
	s6 =	simm.s32 $_tile_overlayer_lowered  }
0x9b: {  	s22 =	simm.s32 $0x1BFF;
	s21 =	sshll.u32 s6, $0x1;
	s3 =	sadd.s32 s4, s19  }
0x9c: {  	s7 =	simm.s32 $0x0;
	s20 =	sshll.u32 s5, $0x1;
	s5 =	sadd.s32 s21, s3  }
0x9d: {  	[timem:s7], [sflag:s22] =	dma.local [hbm:s5], s20  }
0x9e: {  	_ =	swait.ge [sflag:s22], s20  }
0x9f: {  	s4 =	ssub.s32 $0x0, s20;
	[sflag:s22] =	ssyncset.done $0x0  }
0xa0: {  	[sflag:s22] =	ssyncadd.s32 s4;
	_ =	sdelay $0x1  }
0xa1: {  	s23 =	simm.s32 $0x1B8B  }
0xa2: {  	_ =	swait.ge [sflag:s23], $0x1  }
0xa3: {  	[sflag:s23] =	ssyncset.done $0x0  }
0xa4: {  	s25 =	simm.s32 $0x1B8E;
	s24 =	sld [smem:$0x3FFE];
	[sflag:s23] =	ssyncadd.s32 $0xFFFFFFFF  }
0xa5: {  	s26 =	simm.s32 $execute0_lowered;
	[smem:$0x3FD2] =	sst s25  }
0xa6: {  	s5 =	sshll.u32 s26, $0x1;
	_ =	strace $0x80000046;
	[dreg:$0x1] =	wrdreg $0xFFFFFFFF  }
0xa7: {  	s28 =	simm.s32 $_size_execute0_lowered;
	s3 =	sadd.s32 s3, s5;
	[dreg:$0x0] =	wrdreg $0x0  }
0xa8: {  	s5 =	sshll.u32 s28, $0x1;
	[dreg:$0x2] =	wrdreg s3  }
0xa9: {  	[dreg:$0x3] =	wrdreg s5  }
0xaa: {  	[dreg:$0x4] =	wrdreg $0xC0  }
0xab: {  	_ =	task [dreg:s7], $0x5FFFF  }
0xac: {  	[dreg:$0x1] =	wrdreg $0xFFFFFFFF  }
0xad: {  	[dreg:$0x0] =	wrdreg $0x60  }
0xae: {  	[dreg:$0x2] =	wrdreg s24  }
0xaf: {  	[dreg:$0x3] =	wrdreg s2  }
0xb0: {  	[dreg:$0x4] =	wrdreg $0x9  }
0xb1: {  	_ =	task.clear_ibuf [dreg:s7], $0x5FFFF;
	_ =	strace $0x90000046  }
0xb2: {  	s29 =	simm.s32 $0x9;
	_ =	strace $0x80000048  }
0xb3: {  	_ =	swait.ge [sflag:s29], $0x1  }
0xb4: {  	[sflag:s29] =	ssyncadd.s32 $0xFFFFFFFF  }
0xb5: {  	_ =	strace $0x90000048  }
0xb6: {  	_ =	sfence  }
0xb7: {  	s30 =	sld [smem:$0x0];
	_ =	sdelay $0x2  }
0xb8: {  	s31 =	sshll.u32 s1, $0xD;
	s1 =	sshrl.u32 s1, $0x2  }
0xb9: {  	s3 =	sand.u32 $0x4000, s31;
	s1 =	sadd.s32 s1, s30  }
0xba: {  	s0 =	sor.u32 s3, s0;
	s1 =	sshll.u32 s1, $0x11  }
0xbb: {  	s0 =	sor.u32 s1, s0  }
0xbc: {  	s0 =	sadd.s32 $0x8F2B, s0  }
0xbd: {  	[sflag:s0] =	ssyncadd.remote.s32 $0x1  }
0xbe: {  	_ =	sfence.sel $0xFFFF  }
0xbf: {  	[dreg:$0x0] =	wrdreg $0xFFFFFFFF;
	(pc) =	sbr.abs _section_cstart, $3  }
0xc0: {  	[dreg:$0x1] =	wrdreg $0xFFFFFFFF  }
0xc1: {  	_ =	task.clear_ibuf [dreg:s7], $0x2FFFF;
	_ =	strace $0x9FFFFFFF  }
0xc2: {  	(tm) =	ssettm $0x7FFFFFFF  }
0xc3: {  	_ =	shalt  }
tec
execute0_lowered:
.L_overlay_start_1:
0x0: {  	(tag) =	ssettag $0x1  }
0x1: {  	s0 =	srdreg.scid  }
0x2: {  	s2 =	stileid.u32;
	s1 =	rddreg [dreg:$0x0]  }
0x3: {  	s11 =	simm.s32 $0x7;
	s13 =	simm.s32 $0x7D00;
	s14 =	simm.s32 $0x9D00  }
0x4: {  	s15 =	simm.s32 $0x80;
	s16 =	simm.s32 $0xBD00;
	s17 =	simm.s32 $0x1  }
0x5: {  	s18 =	simm.s32 $0x4;
	s0 =	sand.u32 $0x1, s0;
	s3 =	sshll.u32 s2, $0x1  }
0x6: {  	s19 =	simm.s32 $0x2;
	s2 =	rddreg [dreg:$0x1];
	s5 =	sor.u32 s0, s3  }
0x7: {  	s3 =	simm.s32 $0x0;
	s0 =	ssub.s32 $0x2, s0;
	s4 =	smul.u32 $0x1900, s5  }
0x8: {  	[smem:$0x7FF] =	sst s3;
	s6 =	smul.u32 $0x64000, s5;
	s28 =	sshrl.u32 s0, $0x1  }
0x9: {  	s5 =	sadd.s32 $0xF43800, s1;
	_ =	strace $0x80000047;
	s0 =	ssub.s32 s0, s28  }
0xa: {  	s7 =	sshrl.u32 s4, $0x3;
	s6 =	sshrl.u32 s6, $0x3;
	s0 =	smax.u32 s0, $0x1  }
0xb: {  	s7 =	sadd.s32 s7, s1;
	s1 =	sadd.s32 $0x7600, s1;
	[dreg:$0x7] =	wrdreg s0  }
0xc: {  	s6 =	sadd.s32 s2, s6;
	[dreg:$0x3] =	wrdreg s1;
	s29 =	sadd.s32 $0x1200, s7  }
0xd: {  	s20 =	simm.s32 $0x5;
	s30 =	sadd.s32 $0xC000, s6;
	[dreg:$0x4] =	wrdreg s29  }
0xe: {  	s21 =	simm.s32 $0x3;
	s31 =	sadd.s32 $0xC400, s6;
	[dreg:$0x5] =	wrdreg s30  }
0xf: {  	s22 =	simm.s32 $0x6;
	s23 =	simm.s32 $0x0;
	[dreg:$0x6] =	wrdreg s31  }
.LBB2_1:
0x10: {  	s0 =	rddreg [dreg:$0x4]  }
0x11: {  	[tilespmem:s3], [sflag:$0x7] =	stream.linear.gather [hbm4b:s0+s3], $0x1900, $0x38;
	[tilespmem:$0xDD00] =	vst v63  }
0x12: {  	_ =	swait.ge [sflag:s11], $0x1900  }
0x13: {  	[sflag:s11] =	ssyncset.done $0x0  }
0x14: {  	s1 =	simm.s32 $0x1900;
	s26 =	rddreg [dreg:$0x3];
	[sflag:s11] =	ssyncadd.s32 $0xFFFFE700  }
0x15: {  	[tilespmem:s1], [sflag:$0x7] =	stream.linear.gather [hbm4b:s26+s3], $0x6400, $0x38;
	[tilespmem:$0xDD00] =	vst v63  }
0x16: {  	_ =	swait.ge [sflag:s11], $0x6400  }
0x17: {  	[sflag:s11] =	ssyncset.done $0x0  }
0x18: {  	[sflag:s11] =	ssyncadd.s32 $0xFFFF9C00  }
0x19: {  	v0 =	vld [tilespmem:$0x0]  }
0x1a: {  	v1 =	vld [tilespmem:$0x10]  }
0x1b: {  	v2 =	vld [tilespmem:$0x20]  }
0x1c: {  	v3 =	vld [tilespmem:$0x30]  }
0x1d: {  	v4 =	vld [tilespmem:$0x40]  }
0x1e: {  	v5 =	vld [tilespmem:$0x50];
	v0 =	vadd.s32 $0x1, v0  }
0x1f: {  	v41 =	vld [tilespmem:$0x60];
	v40 =	vadd.s32 $0x1, v1;
	[tilespmem:$0x0] =	vst v0  }
0x20: {  	v43 =	vld [tilespmem:$0x70];
	v42 =	vadd.s32 $0x1, v2;
	[tilespmem:$0x10] =	vst v40  }
0x21: {  	v44 =	vadd.s32 $0x1, v3;
	[tilespmem:$0x20] =	vst v42  }
0x22: {  	v45 =	vadd.s32 $0x1, v4;
	[tilespmem:$0x30] =	vst v44  }
0x23: {  	v46 =	vadd.s32 $0x1, v5;
	[tilespmem:$0x40] =	vst v45  }
0x24: {  	v47 =	vadd.s32 $0x1, v41;
	[tilespmem:$0x50] =	vst v46  }
0x25: {  	v48 =	vadd.s32 $0x1, v43;
	[tilespmem:$0x60] =	vst v47  }
0x26: {  	[tilespmem:$0x70] =	vst v48  }
0x27: {  	[tilespmem:s13], [sflag:$0x1] =	stream.indirect.gather [hbm4b:s5+s15], $0x40, s3, s15, $0xb8;
	[tilespmem:$0xDD00] =	vst v63  }
0x28: {  	v49 =	vld [tilespmem:$0x80]  }
0x29: {  	v50 =	vld [tilespmem:$0x90]  }
0x2a: {  	v51 =	vld [tilespmem:$0xA0]  }
0x2b: {  	v52 =	vld [tilespmem:$0xB0]  }
0x2c: {  	v53 =	vld [tilespmem:$0xC0]  }
0x2d: {  	v54 =	vld [tilespmem:$0xD0];
	v0 =	vadd.s32 $0x1, v49  }
0x2e: {  	v56 =	vld [tilespmem:$0xE0];
	v55 =	vadd.s32 $0x1, v50;
	[tilespmem:$0x80] =	vst v0  }
0x2f: {  	v58 =	vld [tilespmem:$0xF0];
	v57 =	vadd.s32 $0x1, v51;
	[tilespmem:$0x90] =	vst v55  }
0x30: {  	v59 =	vadd.s32 $0x1, v52;
	[tilespmem:$0xA0] =	vst v57  }
0x31: {  	v60 =	vadd.s32 $0x1, v53;
	[tilespmem:$0xB0] =	vst v59  }
0x32: {  	v61 =	vadd.s32 $0x1, v54;
	[tilespmem:$0xC0] =	vst v60  }
0x33: {  	s24 =	simm.s32 $0x19F0;
	v62 =	vadd.s32 $0x1, v56;
	[tilespmem:$0xD0] =	vst v61  }
0x34: {  	s25 =	simm.s32 $0x39F0;
	s28 =	simm.s32 $0x100;
	s29 =	simm.s32 $0x80;
	v63 =	vadd.s32 $0x1, v58;
	[tilespmem:$0xE0] =	vst v62  }
0x35: {  	s30 =	simm.s32 $0x0;
	s31 =	simm.s32 $0x0;
	s26 =	simm.s32 $0x59F0;
	[tilespmem:$0xF0] =	vst v63  }
0x36: {  	[tilespmem:s14], [sflag:$0x2] =	stream.indirect.gather [hbm4b:s5+s15], $0x40, s15, s15, $0xb8;
	[tilespmem:$0xDD00] =	vst v63  }
.LBB2_2:
0x37: {  	p0 =	seq.s32 s31, $0x0  }
0x38: {  	s0 =	simm.s32 @!p0 $0x6  }
0x39: {  	_ =	swait.ge @!p0 [sflag:s0], $0x2000  }
0x3a: {  	s12 =	smul.u32 $0x180, s31;
	[sflag:s0] =	ssyncset.done @!p0 $0x0  }
0x3b: {  	[sflag:s0] =	ssyncadd.s32 @!p0 $0xFFFFE000  }
0x3c: {  	v0 =	vld [tilespmem:s12+$0x100]  }
0x3d: {  	v1 =	vld [tilespmem:s12+$0x110]  }
0x3e: {  	v2 =	vld [tilespmem:s12+$0x120]  }
0x3f: {  	v3 =	vld [tilespmem:s12+$0x130]  }
0x40: {  	v4 =	vld [tilespmem:s12+$0x140]  }
0x41: {  	v5 =	vld [tilespmem:s12+$0x150];
	v0 =	vadd.s32 $0x1, v0  }
0x42: {  	[tilespmem:s12+$0x100] =	vst v0;
	v0 =	vadd.s32 $0x1, v1;
	v1 =	vld [tilespmem:s12+$0x160]  }
0x43: {  	[tilespmem:s12+$0x110] =	vst v0;
	v0 =	vadd.s32 $0x1, v2;
	v2 =	vld [tilespmem:s12+$0x170]  }
0x44: {  	[tilespmem:s12+$0x120] =	vst v0;
	v0 =	vadd.s32 $0x1, v3  }
0x45: {  	[tilespmem:s12+$0x130] =	vst v0;
	v0 =	vadd.s32 $0x1, v4  }
0x46: {  	[tilespmem:s12+$0x140] =	vst v0;
	v0 =	vadd.s32 $0x1, v5  }
0x47: {  	s9 =	smulhi.u32 $0x51EB851F, s30;
	[tilespmem:s12+$0x150] =	vst v0;
	v0 =	vadd.s32 $0x1, v1  }
0x48: {  	[tilespmem:s12+$0x160] =	vst v0;
	v0 =	vadd.s32 $0x1, v2  }
0x49: {  	s1 =	sadd.s32 $0x100, s12;
	s0 =	sshrl.u32 s9, $0x6;
	[tilespmem:s12+$0x170] =	vst v0  }
0x4a: {  	[tilespmem:s16], [sflag:$0x3] =	stream.indirect.gather [hbm4b:s5+s15], $0x40, s1, s15, $0xb8;
	[tilespmem:$0xDD00] =	vst v63  }
0x4b: {  	s0 =	smul.u32 $0xFFFF3800, s0;
	_ =	swait.ge [sflag:s17], $0x2000  }
0x4c: {  	[sflag:s17] =	ssyncset.done $0x0  }
0x4d: {  	s7 =	simm.s32 $0x7D80;
	s0 =	sshra.s32 s0, $0x2;
	[sflag:s17] =	ssyncadd.s32 $0xFFFFE000  }
0x4e: {  	s8 =	sadd.s32 s0, s24;
	v0 =	vld [tilespmem:s7+$0xFFFFFF80]  }
0x4f: {  	v1 =	vld [tilespmem:s8+$0xFFFFFF10];
	_ =	sdelay $0x4  }
0x50: {  	v0 =	vadd.f32 v1, v0;
	_ =	sdelay $0x1  }
0x51: {  	[tilespmem:s7+$0xFFFFFF80] =	vst v0;
	v0 =	vld [tilespmem:s7+$0xFFFFFF90]  }
0x52: {  	v1 =	vld [tilespmem:s8+$0xFFFFFF20];
	_ =	sdelay $0x4  }
0x53: {  	v0 =	vadd.f32 v1, v0;
	_ =	sdelay $0x1  }
0x54: {  	[tilespmem:s7+$0xFFFFFF90] =	vst v0;
	v0 =	vld [tilespmem:s7+$0xFFFFFFA0]  }
0x55: {  	v1 =	vld [tilespmem:s8+$0xFFFFFF30];
	_ =	sdelay $0x4  }
0x56: {  	v0 =	vadd.f32 v1, v0;
	_ =	sdelay $0x1  }
0x57: {  	[tilespmem:s7+$0xFFFFFFA0] =	vst v0;
	v0 =	vld [tilespmem:s7+$0xFFFFFFB0]  }
0x58: {  	v1 =	vld [tilespmem:s8+$0xFFFFFF40];
	_ =	sdelay $0x4  }
0x59: {  	v0 =	vadd.f32 v1, v0;
	_ =	sdelay $0x1  }
0x5a: {  	[tilespmem:s7+$0xFFFFFFB0] =	vst v0;
	v0 =	vld [tilespmem:s7+$0xFFFFFFC0]  }
0x5b: {  	v1 =	vld [tilespmem:s8+$0xFFFFFF50];
	_ =	sdelay $0x4  }
0x5c: {  	v0 =	vadd.f32 v1, v0;
	_ =	sdelay $0x1  }
0x5d: {  	[tilespmem:s7+$0xFFFFFFC0] =	vst v0;
	v0 =	vld [tilespmem:s7+$0xFFFFFFD0]  }
0x5e: {  	v1 =	vld [tilespmem:s8+$0xFFFFFF60];
	_ =	sdelay $0x4  }
0x5f: {  	v0 =	vadd.f32 v1, v0;
	_ =	sdelay $0x1  }
0x60: {  	[tilespmem:s7+$0xFFFFFFD0] =	vst v0;
	v0 =	vld [tilespmem:s7+$0xFFFFFFE0]  }
0x61: {  	v1 =	vld [tilespmem:s8+$0xFFFFFF70];
	_ =	sdelay $0x4  }
0x62: {  	v0 =	vadd.f32 v1, v0;
	_ =	sdelay $0x1  }
0x63: {  	[tilespmem:s7+$0xFFFFFFE0] =	vst v0;
	v0 =	vld [tilespmem:s7+$0xFFFFFFF0]  }
0x64: {  	v1 =	vld [tilespmem:s8+$0xFFFFFF80];
	_ =	sdelay $0x4  }
0x65: {  	v0 =	vadd.f32 v1, v0;
	_ =	sdelay $0x1  }
0x66: {  	[tilespmem:s7+$0xFFFFFFF0] =	vst v0;
	v0 =	vld [tilespmem:s7+$0x0]  }
0x67: {  	v1 =	vld [tilespmem:s8+$0xFFFFFF90];
	_ =	sdelay $0x4  }
0x68: {  	v0 =	vadd.f32 v1, v0;
	_ =	sdelay $0x1  }
0x69: {  	[tilespmem:s7+$0x0] =	vst v0;
	v0 =	vld [tilespmem:s7+$0x10]  }
0x6a: {  	v1 =	vld [tilespmem:s8+$0xFFFFFFA0];
	_ =	sdelay $0x4  }
0x6b: {  	v0 =	vadd.f32 v1, v0;
	_ =	sdelay $0x1  }
0x6c: {  	[tilespmem:s7+$0x10] =	vst v0;
	v0 =	vld [tilespmem:s7+$0x20]  }
0x6d: {  	v1 =	vld [tilespmem:s8+$0xFFFFFFB0];
	_ =	sdelay $0x4  }
0x6e: {  	v0 =	vadd.f32 v1, v0;
	_ =	sdelay $0x1  }
0x6f: {  	[tilespmem:s7+$0x20] =	vst v0;
	v0 =	vld [tilespmem:s7+$0x30]  }
0x70: {  	v1 =	vld [tilespmem:s8+$0xFFFFFFC0];
	_ =	sdelay $0x4  }
0x71: {  	v0 =	vadd.f32 v1, v0;
	_ =	sdelay $0x1  }
0x72: {  	[tilespmem:s7+$0x30] =	vst v0;
	v0 =	vld [tilespmem:s7+$0x40]  }
0x73: {  	v1 =	vld [tilespmem:s8+$0xFFFFFFD0];
	_ =	sdelay $0x4  }
0x74: {  	v0 =	vadd.f32 v1, v0;
	_ =	sdelay $0x1  }
0x75: {  	[tilespmem:s7+$0x40] =	vst v0;
	v0 =	vld [tilespmem:s7+$0x50]  }
0x76: {  	v1 =	vld [tilespmem:s8+$0xFFFFFFE0];
	_ =	sdelay $0x4  }
0x77: {  	v0 =	vadd.f32 v1, v0;
	_ =	sdelay $0x1  }
0x78: {  	[tilespmem:s7+$0x50] =	vst v0;
	v0 =	vld [tilespmem:s7+$0x60]  }
0x79: {  	v1 =	vld [tilespmem:s8+$0xFFFFFFF0];
	_ =	sdelay $0x4  }
0x7a: {  	v0 =	vadd.f32 v1, v0;
	_ =	sdelay $0x1  }
0x7b: {  	s6 =	smulhi.u32 $0x51EB851F, s29;
	[tilespmem:s7+$0x60] =	vst v0;
	v0 =	vld [tilespmem:s7+$0x70]  }
0x7c: {  	s10 =	smulhi.u32 $0x51EB851F, s28;
	v1 =	vld [tilespmem:s8+$0x0]  }
0x7d: {  	s6 =	sshrl.u32 s6, $0x6  }
0x7e: {  	s6 =	smul.u32 $0xFFFF3800, s6;
	s0 =	sshrl.u32 s10, $0x6  }
0x7f: {  	s0 =	smul.u32 $0xFFFF3800, s0;
	_ =	sdelay $0x1  }
0x80: {  	s9 =	simm.s32 $0x0;
	s6 =	sshra.s32 s6, $0x2;
	s0 =	sshra.s32 s0, $0x2;
	v0 =	vadd.f32 v1, v0  }
0x81: {  	s6 =	sadd.s32 s6, s25;
	s10 =	simm.s32 $0x7E80;
	s0 =	sadd.s32 s0, s26  }
.LBB2_3:
0x82: {  	v1 =	vld [tilespmem:s10+$0xFFFFFF80];
	[tilespmem:s7+$0x70] =	vst v0;
	s8 =	sadd.s32 $0x100, s8;
	s7 =	smov.u32 s10  }
0x83: {  	s9 =	sadd.s32 $0x4, s9;
	v0 =	vld [tilespmem:s8+$0xFFFFFF10]  }
0x84: {  	p0 =	slt.u32 s9, $0x7C;
	_ =	sdelay $0x3  }
0x85: {  	v0 =	vadd.f32 v0, v1;
	_ =	sdelay $0x1  }
0x86: {  	[tilespmem:s10+$0xFFFFFF80] =	vst v0;
	v0 =	vld [tilespmem:s10+$0xFFFFFF90]  }
0x87: {  	v1 =	vld [tilespmem:s8+$0xFFFFFF20];
	_ =	sdelay $0x4  }
0x88: {  	v0 =	vadd.f32 v1, v0;
	_ =	sdelay $0x1  }
0x89: {  	[tilespmem:s10+$0xFFFFFF90] =	vst v0;
	v0 =	vld [tilespmem:s10+$0xFFFFFFA0]  }
0x8a: {  	v1 =	vld [tilespmem:s8+$0xFFFFFF30];
	_ =	sdelay $0x4  }
0x8b: {  	v0 =	vadd.f32 v1, v0;
	_ =	sdelay $0x1  }
0x8c: {  	[tilespmem:s10+$0xFFFFFFA0] =	vst v0;
	v0 =	vld [tilespmem:s10+$0xFFFFFFB0]  }
0x8d: {  	v1 =	vld [tilespmem:s8+$0xFFFFFF40];
	_ =	sdelay $0x4  }
0x8e: {  	v0 =	vadd.f32 v1, v0;
	_ =	sdelay $0x1  }
0x8f: {  	[tilespmem:s10+$0xFFFFFFB0] =	vst v0;
	v0 =	vld [tilespmem:s10+$0xFFFFFFC0]  }
0x90: {  	v1 =	vld [tilespmem:s8+$0xFFFFFF50];
	_ =	sdelay $0x4  }
0x91: {  	v0 =	vadd.f32 v1, v0;
	_ =	sdelay $0x1  }
0x92: {  	[tilespmem:s10+$0xFFFFFFC0] =	vst v0;
	v0 =	vld [tilespmem:s10+$0xFFFFFFD0]  }
0x93: {  	v1 =	vld [tilespmem:s8+$0xFFFFFF60];
	_ =	sdelay $0x4  }
0x94: {  	v0 =	vadd.f32 v1, v0;
	_ =	sdelay $0x1  }
0x95: {  	[tilespmem:s10+$0xFFFFFFD0] =	vst v0;
	v0 =	vld [tilespmem:s10+$0xFFFFFFE0]  }
0x96: {  	v1 =	vld [tilespmem:s8+$0xFFFFFF70];
	_ =	sdelay $0x4  }
0x97: {  	v0 =	vadd.f32 v1, v0;
	_ =	sdelay $0x1  }
0x98: {  	[tilespmem:s10+$0xFFFFFFE0] =	vst v0;
	v0 =	vld [tilespmem:s10+$0xFFFFFFF0]  }
0x99: {  	v1 =	vld [tilespmem:s8+$0xFFFFFF80];
	_ =	sdelay $0x4  }
0x9a: {  	v0 =	vadd.f32 v1, v0;
	_ =	sdelay $0x1  }
0x9b: {  	[tilespmem:s10+$0xFFFFFFF0] =	vst v0;
	v0 =	vld [tilespmem:s10+$0x0]  }
0x9c: {  	v1 =	vld [tilespmem:s8+$0xFFFFFF90];
	_ =	sdelay $0x4  }
0x9d: {  	v0 =	vadd.f32 v1, v0;
	_ =	sdelay $0x1  }
0x9e: {  	[tilespmem:s10+$0x0] =	vst v0;
	v0 =	vld [tilespmem:s10+$0x10]  }
0x9f: {  	v1 =	vld [tilespmem:s8+$0xFFFFFFA0];
	_ =	sdelay $0x4  }
0xa0: {  	v0 =	vadd.f32 v1, v0;
	_ =	sdelay $0x1  }
0xa1: {  	[tilespmem:s10+$0x10] =	vst v0;
	v0 =	vld [tilespmem:s10+$0x20]  }
0xa2: {  	v1 =	vld [tilespmem:s8+$0xFFFFFFB0];
	_ =	sdelay $0x4  }
0xa3: {  	v0 =	vadd.f32 v1, v0;
	_ =	sdelay $0x1  }
0xa4: {  	[tilespmem:s10+$0x20] =	vst v0;
	v0 =	vld [tilespmem:s10+$0x30]  }
0xa5: {  	v1 =	vld [tilespmem:s8+$0xFFFFFFC0];
	_ =	sdelay $0x4  }
0xa6: {  	v0 =	vadd.f32 v1, v0;
	_ =	sdelay $0x1  }
0xa7: {  	[tilespmem:s10+$0x30] =	vst v0;
	v0 =	vld [tilespmem:s10+$0x40]  }
0xa8: {  	v1 =	vld [tilespmem:s8+$0xFFFFFFD0];
	_ =	sdelay $0x4  }
0xa9: {  	v0 =	vadd.f32 v1, v0;
	_ =	sdelay $0x1  }
0xaa: {  	[tilespmem:s10+$0x40] =	vst v0;
	v0 =	vld [tilespmem:s10+$0x50]  }
0xab: {  	v1 =	vld [tilespmem:s8+$0xFFFFFFE0];
	_ =	sdelay $0x4  }
0xac: {  	v0 =	vadd.f32 v1, v0;
	_ =	sdelay $0x1  }
0xad: {  	[tilespmem:s10+$0x50] =	vst v0;
	v0 =	vld [tilespmem:s10+$0x60]  }
0xae: {  	v1 =	vld [tilespmem:s8+$0xFFFFFFF0];
	_ =	sdelay $0x4  }
0xaf: {  	v0 =	vadd.f32 v1, v0;
	_ =	sdelay $0x1  }
0xb0: {  	[tilespmem:s10+$0x60] =	vst v0;
	v0 =	vld [tilespmem:s10+$0x70]  }
0xb1: {  	v1 =	vld [tilespmem:s8+$0x0];
	_ =	sdelay $0x1  }
.Ltmp0:
0xb2: {  	(pc) =	sbr.rel @p0 .LBB2_3-.Ltmp0, $3  }
0xb3: {  	_ =	sdelay $0x1  }
0xb4: {  	v0 =	vadd.f32 v1, v0  }
0xb5: {  	s10 =	sadd.s32 $0x100, s10  }
0xb6: {  	s8 =	sadd.s32 s4, s12  }
0xb7: {  	s8 =	sshll.u32 s8, $0x3  }
0xb8: {  	[tilespmem:s7+$0x70] =	vst v0;
	s9 =	sadd.s32 s2, s8  }
0xb9: {  	[hbm4b:s9+s3] =	stream.linear.scatter [tilespmem:s13], [sflag:$0x4], $0x2000, $0x38;
	[tilespmem:$0xDD00] =	vst v63  }
0xba: {  	_ =	swait.ge [sflag:s18], $0x2000  }
0xbb: {  	[sflag:s18] =	ssyncset.done $0x0  }
0xbc: {  	[sflag:s18] =	ssyncadd.s32 $0xFFFFE000  }
0xbd: {  	v0 =	vld [tilespmem:s12+$0x180]  }
0xbe: {  	v1 =	vld [tilespmem:s12+$0x190]  }
0xbf: {  	v2 =	vld [tilespmem:s12+$0x1A0]  }
0xc0: {  	v3 =	vld [tilespmem:s12+$0x1B0]  }
0xc1: {  	v4 =	vld [tilespmem:s12+$0x1C0]  }
0xc2: {  	v5 =	vld [tilespmem:s12+$0x1D0];
	v0 =	vadd.s32 $0x1, v0  }
0xc3: {  	[tilespmem:s12+$0x180] =	vst v0;
	v0 =	vadd.s32 $0x1, v1;
	v1 =	vld [tilespmem:s12+$0x1E0]  }
0xc4: {  	[tilespmem:s12+$0x190] =	vst v0;
	v0 =	vadd.s32 $0x1, v2;
	v2 =	vld [tilespmem:s12+$0x1F0]  }
0xc5: {  	[tilespmem:s12+$0x1A0] =	vst v0;
	v0 =	vadd.s32 $0x1, v3  }
0xc6: {  	[tilespmem:s12+$0x1B0] =	vst v0;
	v0 =	vadd.s32 $0x1, v4  }
0xc7: {  	[tilespmem:s12+$0x1C0] =	vst v0;
	v0 =	vadd.s32 $0x1, v5  }
0xc8: {  	[tilespmem:s12+$0x1D0] =	vst v0;
	v0 =	vadd.s32 $0x1, v1  }
0xc9: {  	[tilespmem:s12+$0x1E0] =	vst v0;
	v0 =	vadd.s32 $0x1, v2  }
0xca: {  	s10 =	sadd.s32 $0x180, s12;
	[tilespmem:s12+$0x1F0] =	vst v0  }
0xcb: {  	[tilespmem:s13], [sflag:$0x1] =	stream.indirect.gather [hbm4b:s5+s15], $0x40, s10, s15, $0xb8;
	[tilespmem:$0xDD00] =	vst v63  }
0xcc: {  	_ =	swait.ge [sflag:s19], $0x2000  }
0xcd: {  	[sflag:s19] =	ssyncset.done $0x0  }
0xce: {  	s7 =	simm.s32 $0x9D80;
	[sflag:s19] =	ssyncadd.s32 $0xFFFFE000  }
0xcf: {  	v0 =	vld [tilespmem:s7+$0xFFFFFF80]  }
0xd0: {  	v1 =	vld [tilespmem:s6+$0xFFFFFF10];
	_ =	sdelay $0x4  }
0xd1: {  	v0 =	vadd.f32 v1, v0;
	_ =	sdelay $0x1  }
0xd2: {  	[tilespmem:s7+$0xFFFFFF80] =	vst v0;
	v0 =	vld [tilespmem:s7+$0xFFFFFF90]  }
0xd3: {  	v1 =	vld [tilespmem:s6+$0xFFFFFF20];
	_ =	sdelay $0x4  }
0xd4: {  	v0 =	vadd.f32 v1, v0;
	_ =	sdelay $0x1  }
0xd5: {  	[tilespmem:s7+$0xFFFFFF90] =	vst v0;
	v0 =	vld [tilespmem:s7+$0xFFFFFFA0]  }
0xd6: {  	v1 =	vld [tilespmem:s6+$0xFFFFFF30];
	_ =	sdelay $0x4  }
0xd7: {  	v0 =	vadd.f32 v1, v0;
	_ =	sdelay $0x1  }
0xd8: {  	[tilespmem:s7+$0xFFFFFFA0] =	vst v0;
	v0 =	vld [tilespmem:s7+$0xFFFFFFB0]  }
0xd9: {  	v1 =	vld [tilespmem:s6+$0xFFFFFF40];
	_ =	sdelay $0x4  }
0xda: {  	v0 =	vadd.f32 v1, v0;
	_ =	sdelay $0x1  }
0xdb: {  	[tilespmem:s7+$0xFFFFFFB0] =	vst v0;
	v0 =	vld [tilespmem:s7+$0xFFFFFFC0]  }
0xdc: {  	v1 =	vld [tilespmem:s6+$0xFFFFFF50];
	_ =	sdelay $0x4  }
0xdd: {  	v0 =	vadd.f32 v1, v0;
	_ =	sdelay $0x1  }
0xde: {  	[tilespmem:s7+$0xFFFFFFC0] =	vst v0;
	v0 =	vld [tilespmem:s7+$0xFFFFFFD0]  }
0xdf: {  	v1 =	vld [tilespmem:s6+$0xFFFFFF60];
	_ =	sdelay $0x4  }
0xe0: {  	v0 =	vadd.f32 v1, v0;
	_ =	sdelay $0x1  }
0xe1: {  	[tilespmem:s7+$0xFFFFFFD0] =	vst v0;
	v0 =	vld [tilespmem:s7+$0xFFFFFFE0]  }
0xe2: {  	v1 =	vld [tilespmem:s6+$0xFFFFFF70];
	_ =	sdelay $0x4  }
0xe3: {  	v0 =	vadd.f32 v1, v0;
	_ =	sdelay $0x1  }
0xe4: {  	[tilespmem:s7+$0xFFFFFFE0] =	vst v0;
	v0 =	vld [tilespmem:s7+$0xFFFFFFF0]  }
0xe5: {  	v1 =	vld [tilespmem:s6+$0xFFFFFF80];
	_ =	sdelay $0x4  }
0xe6: {  	v0 =	vadd.f32 v1, v0;
	_ =	sdelay $0x1  }
0xe7: {  	[tilespmem:s7+$0xFFFFFFF0] =	vst v0;
	v0 =	vld [tilespmem:s7+$0x0]  }
0xe8: {  	v1 =	vld [tilespmem:s6+$0xFFFFFF90];
	_ =	sdelay $0x4  }
0xe9: {  	v0 =	vadd.f32 v1, v0;
	_ =	sdelay $0x1  }
0xea: {  	[tilespmem:s7+$0x0] =	vst v0;
	v0 =	vld [tilespmem:s7+$0x10]  }
0xeb: {  	v1 =	vld [tilespmem:s6+$0xFFFFFFA0];
	_ =	sdelay $0x4  }
0xec: {  	v0 =	vadd.f32 v1, v0;
	_ =	sdelay $0x1  }
0xed: {  	[tilespmem:s7+$0x10] =	vst v0;
	v0 =	vld [tilespmem:s7+$0x20]  }
0xee: {  	v1 =	vld [tilespmem:s6+$0xFFFFFFB0];
	_ =	sdelay $0x4  }
0xef: {  	v0 =	vadd.f32 v1, v0;
	_ =	sdelay $0x1  }
0xf0: {  	[tilespmem:s7+$0x20] =	vst v0;
	v0 =	vld [tilespmem:s7+$0x30]  }
0xf1: {  	v1 =	vld [tilespmem:s6+$0xFFFFFFC0];
	_ =	sdelay $0x4  }
0xf2: {  	v0 =	vadd.f32 v1, v0;
	_ =	sdelay $0x1  }
0xf3: {  	[tilespmem:s7+$0x30] =	vst v0;
	v0 =	vld [tilespmem:s7+$0x40]  }
0xf4: {  	v1 =	vld [tilespmem:s6+$0xFFFFFFD0];
	_ =	sdelay $0x4  }
0xf5: {  	v0 =	vadd.f32 v1, v0;
	_ =	sdelay $0x1  }
0xf6: {  	[tilespmem:s7+$0x40] =	vst v0;
	v0 =	vld [tilespmem:s7+$0x50]  }
0xf7: {  	v1 =	vld [tilespmem:s6+$0xFFFFFFE0];
	_ =	sdelay $0x4  }
0xf8: {  	v0 =	vadd.f32 v1, v0;
	_ =	sdelay $0x1  }
0xf9: {  	[tilespmem:s7+$0x50] =	vst v0;
	v0 =	vld [tilespmem:s7+$0x60]  }
0xfa: {  	v1 =	vld [tilespmem:s6+$0xFFFFFFF0];
	_ =	sdelay $0x4  }
0xfb: {  	v0 =	vadd.f32 v1, v0;
	_ =	sdelay $0x1  }
0xfc: {  	[tilespmem:s7+$0x60] =	vst v0;
	v0 =	vld [tilespmem:s7+$0x70]  }
0xfd: {  	v1 =	vld [tilespmem:s6+$0x0];
	_ =	sdelay $0x4  }
0xfe: {  	v0 =	vadd.f32 v1, v0  }
0xff: {  	s8 =	sadd.s32 $0x80, s12;
	s9 =	simm.s32 $0x0;
	s10 =	simm.s32 $0x9E80  }
.LBB2_5:
0x100: {  	v1 =	vld [tilespmem:s10+$0xFFFFFF80];
	[tilespmem:s7+$0x70] =	vst v0;
	s6 =	sadd.s32 $0x100, s6;
	s7 =	smov.u32 s10  }
0x101: {  	s9 =	sadd.s32 $0x4, s9;
	v0 =	vld [tilespmem:s6+$0xFFFFFF10]  }
0x102: {  	p0 =	slt.u32 s9, $0x7C;
	_ =	sdelay $0x3  }
0x103: {  	v0 =	vadd.f32 v0, v1;
	_ =	sdelay $0x1  }
0x104: {  	[tilespmem:s10+$0xFFFFFF80] =	vst v0;
	v0 =	vld [tilespmem:s10+$0xFFFFFF90]  }
0x105: {  	v1 =	vld [tilespmem:s6+$0xFFFFFF20];
	_ =	sdelay $0x4  }
0x106: {  	v0 =	vadd.f32 v1, v0;
	_ =	sdelay $0x1  }
0x107: {  	[tilespmem:s10+$0xFFFFFF90] =	vst v0;
	v0 =	vld [tilespmem:s10+$0xFFFFFFA0]  }
0x108: {  	v1 =	vld [tilespmem:s6+$0xFFFFFF30];
	_ =	sdelay $0x4  }
0x109: {  	v0 =	vadd.f32 v1, v0;
	_ =	sdelay $0x1  }
0x10a: {  	[tilespmem:s10+$0xFFFFFFA0] =	vst v0;
	v0 =	vld [tilespmem:s10+$0xFFFFFFB0]  }
0x10b: {  	v1 =	vld [tilespmem:s6+$0xFFFFFF40];
	_ =	sdelay $0x4  }
0x10c: {  	v0 =	vadd.f32 v1, v0;
	_ =	sdelay $0x1  }
0x10d: {  	[tilespmem:s10+$0xFFFFFFB0] =	vst v0;
	v0 =	vld [tilespmem:s10+$0xFFFFFFC0]  }
0x10e: {  	v1 =	vld [tilespmem:s6+$0xFFFFFF50];
	_ =	sdelay $0x4  }
0x10f: {  	v0 =	vadd.f32 v1, v0;
	_ =	sdelay $0x1  }
0x110: {  	[tilespmem:s10+$0xFFFFFFC0] =	vst v0;
	v0 =	vld [tilespmem:s10+$0xFFFFFFD0]  }
0x111: {  	v1 =	vld [tilespmem:s6+$0xFFFFFF60];
	_ =	sdelay $0x4  }
0x112: {  	v0 =	vadd.f32 v1, v0;
	_ =	sdelay $0x1  }
0x113: {  	[tilespmem:s10+$0xFFFFFFD0] =	vst v0;
	v0 =	vld [tilespmem:s10+$0xFFFFFFE0]  }
0x114: {  	v1 =	vld [tilespmem:s6+$0xFFFFFF70];
	_ =	sdelay $0x4  }
0x115: {  	v0 =	vadd.f32 v1, v0;
	_ =	sdelay $0x1  }
0x116: {  	[tilespmem:s10+$0xFFFFFFE0] =	vst v0;
	v0 =	vld [tilespmem:s10+$0xFFFFFFF0]  }
0x117: {  	v1 =	vld [tilespmem:s6+$0xFFFFFF80];
	_ =	sdelay $0x4  }
0x118: {  	v0 =	vadd.f32 v1, v0;
	_ =	sdelay $0x1  }
0x119: {  	[tilespmem:s10+$0xFFFFFFF0] =	vst v0;
	v0 =	vld [tilespmem:s10+$0x0]  }
0x11a: {  	v1 =	vld [tilespmem:s6+$0xFFFFFF90];
	_ =	sdelay $0x4  }
0x11b: {  	v0 =	vadd.f32 v1, v0;
	_ =	sdelay $0x1  }
0x11c: {  	[tilespmem:s10+$0x0] =	vst v0;
	v0 =	vld [tilespmem:s10+$0x10]  }
0x11d: {  	v1 =	vld [tilespmem:s6+$0xFFFFFFA0];
	_ =	sdelay $0x4  }
0x11e: {  	v0 =	vadd.f32 v1, v0;
	_ =	sdelay $0x1  }
0x11f: {  	[tilespmem:s10+$0x10] =	vst v0;
	v0 =	vld [tilespmem:s10+$0x20]  }
0x120: {  	v1 =	vld [tilespmem:s6+$0xFFFFFFB0];
	_ =	sdelay $0x4  }
0x121: {  	v0 =	vadd.f32 v1, v0;
	_ =	sdelay $0x1  }
0x122: {  	[tilespmem:s10+$0x20] =	vst v0;
	v0 =	vld [tilespmem:s10+$0x30]  }
0x123: {  	v1 =	vld [tilespmem:s6+$0xFFFFFFC0];
	_ =	sdelay $0x4  }
0x124: {  	v0 =	vadd.f32 v1, v0;
	_ =	sdelay $0x1  }
0x125: {  	[tilespmem:s10+$0x30] =	vst v0;
	v0 =	vld [tilespmem:s10+$0x40]  }
0x126: {  	v1 =	vld [tilespmem:s6+$0xFFFFFFD0];
	_ =	sdelay $0x4  }
0x127: {  	v0 =	vadd.f32 v1, v0;
	_ =	sdelay $0x1  }
0x128: {  	[tilespmem:s10+$0x40] =	vst v0;
	v0 =	vld [tilespmem:s10+$0x50]  }
0x129: {  	v1 =	vld [tilespmem:s6+$0xFFFFFFE0];
	_ =	sdelay $0x4  }
0x12a: {  	v0 =	vadd.f32 v1, v0;
	_ =	sdelay $0x1  }
0x12b: {  	[tilespmem:s10+$0x50] =	vst v0;
	v0 =	vld [tilespmem:s10+$0x60]  }
0x12c: {  	v1 =	vld [tilespmem:s6+$0xFFFFFFF0];
	_ =	sdelay $0x4  }
0x12d: {  	v0 =	vadd.f32 v1, v0;
	_ =	sdelay $0x1  }
0x12e: {  	[tilespmem:s10+$0x60] =	vst v0;
	v0 =	vld [tilespmem:s10+$0x70]  }
0x12f: {  	v1 =	vld [tilespmem:s6+$0x0];
	_ =	sdelay $0x1  }
.Ltmp1:
0x130: {  	(pc) =	sbr.rel @p0 .LBB2_5-.Ltmp1, $3  }
0x131: {  	_ =	sdelay $0x1  }
0x132: {  	v0 =	vadd.f32 v1, v0  }
0x133: {  	s10 =	sadd.s32 $0x100, s10  }
0x134: {  	s6 =	sadd.s32 s4, s8  }
0x135: {  	s6 =	sshll.u32 s6, $0x3  }
0x136: {  	s6 =	sand.u32 $0x1FFFFC00, s6  }
0x137: {  	[tilespmem:s7+$0x70] =	vst v0;
	s6 =	sadd.s32 s2, s6  }
0x138: {  	[hbm4b:s6+s3] =	stream.linear.scatter [tilespmem:s14], [sflag:$0x5], $0x2000, $0x38;
	[tilespmem:$0xDD00] =	vst v63  }
0x139: {  	_ =	swait.ge [sflag:s20], $0x2000  }
0x13a: {  	[sflag:s20] =	ssyncset.done $0x0  }
0x13b: {  	[sflag:s20] =	ssyncadd.s32 $0xFFFFE000  }
0x13c: {  	v0 =	vld [tilespmem:s12+$0x200]  }
0x13d: {  	v1 =	vld [tilespmem:s12+$0x210]  }
0x13e: {  	v2 =	vld [tilespmem:s12+$0x220]  }
0x13f: {  	v3 =	vld [tilespmem:s12+$0x230]  }
0x140: {  	v4 =	vld [tilespmem:s12+$0x240]  }
0x141: {  	v5 =	vld [tilespmem:s12+$0x250];
	v0 =	vadd.s32 $0x1, v0  }
0x142: {  	[tilespmem:s12+$0x200] =	vst v0;
	v0 =	vadd.s32 $0x1, v1;
	v1 =	vld [tilespmem:s12+$0x260]  }
0x143: {  	[tilespmem:s12+$0x210] =	vst v0;
	v0 =	vadd.s32 $0x1, v2;
	v2 =	vld [tilespmem:s12+$0x270]  }
0x144: {  	[tilespmem:s12+$0x220] =	vst v0;
	v0 =	vadd.s32 $0x1, v3  }
0x145: {  	[tilespmem:s12+$0x230] =	vst v0;
	v0 =	vadd.s32 $0x1, v4  }
0x146: {  	[tilespmem:s12+$0x240] =	vst v0;
	v0 =	vadd.s32 $0x1, v5  }
0x147: {  	[tilespmem:s12+$0x250] =	vst v0;
	v0 =	vadd.s32 $0x1, v1  }
0x148: {  	[tilespmem:s12+$0x260] =	vst v0;
	v0 =	vadd.s32 $0x1, v2  }
0x149: {  	s10 =	sadd.s32 $0x200, s12;
	[tilespmem:s12+$0x270] =	vst v0  }
0x14a: {  	[tilespmem:s14], [sflag:$0x2] =	stream.indirect.gather [hbm4b:s5+s15], $0x40, s10, s15, $0xb8;
	[tilespmem:$0xDD00] =	vst v63  }
0x14b: {  	_ =	swait.ge [sflag:s21], $0x2000  }
0x14c: {  	[sflag:s21] =	ssyncset.done $0x0  }
0x14d: {  	s6 =	simm.s32 $0xBD80;
	[sflag:s21] =	ssyncadd.s32 $0xFFFFE000  }
0x14e: {  	v0 =	vld [tilespmem:s6+$0xFFFFFF80]  }
0x14f: {  	v1 =	vld [tilespmem:s0+$0xFFFFFF10];
	_ =	sdelay $0x4  }
0x150: {  	v0 =	vadd.f32 v1, v0;
	_ =	sdelay $0x1  }
0x151: {  	[tilespmem:s6+$0xFFFFFF80] =	vst v0;
	v0 =	vld [tilespmem:s6+$0xFFFFFF90]  }
0x152: {  	v1 =	vld [tilespmem:s0+$0xFFFFFF20];
	_ =	sdelay $0x4  }
0x153: {  	v0 =	vadd.f32 v1, v0;
	_ =	sdelay $0x1  }
0x154: {  	[tilespmem:s6+$0xFFFFFF90] =	vst v0;
	v0 =	vld [tilespmem:s6+$0xFFFFFFA0]  }
0x155: {  	v1 =	vld [tilespmem:s0+$0xFFFFFF30];
	_ =	sdelay $0x4  }
0x156: {  	v0 =	vadd.f32 v1, v0;
	_ =	sdelay $0x1  }
0x157: {  	[tilespmem:s6+$0xFFFFFFA0] =	vst v0;
	v0 =	vld [tilespmem:s6+$0xFFFFFFB0]  }
0x158: {  	v1 =	vld [tilespmem:s0+$0xFFFFFF40];
	_ =	sdelay $0x4  }
0x159: {  	v0 =	vadd.f32 v1, v0;
	_ =	sdelay $0x1  }
0x15a: {  	[tilespmem:s6+$0xFFFFFFB0] =	vst v0;
	v0 =	vld [tilespmem:s6+$0xFFFFFFC0]  }
0x15b: {  	v1 =	vld [tilespmem:s0+$0xFFFFFF50];
	_ =	sdelay $0x4  }
0x15c: {  	v0 =	vadd.f32 v1, v0;
	_ =	sdelay $0x1  }
0x15d: {  	[tilespmem:s6+$0xFFFFFFC0] =	vst v0;
	v0 =	vld [tilespmem:s6+$0xFFFFFFD0]  }
0x15e: {  	v1 =	vld [tilespmem:s0+$0xFFFFFF60];
	_ =	sdelay $0x4  }
0x15f: {  	v0 =	vadd.f32 v1, v0;
	_ =	sdelay $0x1  }
0x160: {  	[tilespmem:s6+$0xFFFFFFD0] =	vst v0;
	v0 =	vld [tilespmem:s6+$0xFFFFFFE0]  }
0x161: {  	v1 =	vld [tilespmem:s0+$0xFFFFFF70];
	_ =	sdelay $0x4  }
0x162: {  	v0 =	vadd.f32 v1, v0;
	_ =	sdelay $0x1  }
0x163: {  	[tilespmem:s6+$0xFFFFFFE0] =	vst v0;
	v0 =	vld [tilespmem:s6+$0xFFFFFFF0]  }
0x164: {  	v1 =	vld [tilespmem:s0+$0xFFFFFF80];
	_ =	sdelay $0x4  }
0x165: {  	v0 =	vadd.f32 v1, v0;
	_ =	sdelay $0x1  }
0x166: {  	[tilespmem:s6+$0xFFFFFFF0] =	vst v0;
	v0 =	vld [tilespmem:s6+$0x0]  }
0x167: {  	v1 =	vld [tilespmem:s0+$0xFFFFFF90];
	_ =	sdelay $0x4  }
0x168: {  	v0 =	vadd.f32 v1, v0;
	_ =	sdelay $0x1  }
0x169: {  	[tilespmem:s6+$0x0] =	vst v0;
	v0 =	vld [tilespmem:s6+$0x10]  }
0x16a: {  	v1 =	vld [tilespmem:s0+$0xFFFFFFA0];
	_ =	sdelay $0x4  }
0x16b: {  	v0 =	vadd.f32 v1, v0;
	_ =	sdelay $0x1  }
0x16c: {  	[tilespmem:s6+$0x10] =	vst v0;
	v0 =	vld [tilespmem:s6+$0x20]  }
0x16d: {  	v1 =	vld [tilespmem:s0+$0xFFFFFFB0];
	_ =	sdelay $0x4  }
0x16e: {  	v0 =	vadd.f32 v1, v0;
	_ =	sdelay $0x1  }
0x16f: {  	[tilespmem:s6+$0x20] =	vst v0;
	v0 =	vld [tilespmem:s6+$0x30]  }
0x170: {  	v1 =	vld [tilespmem:s0+$0xFFFFFFC0];
	_ =	sdelay $0x4  }
0x171: {  	v0 =	vadd.f32 v1, v0;
	_ =	sdelay $0x1  }
0x172: {  	[tilespmem:s6+$0x30] =	vst v0;
	v0 =	vld [tilespmem:s6+$0x40]  }
0x173: {  	v1 =	vld [tilespmem:s0+$0xFFFFFFD0];
	_ =	sdelay $0x4  }
0x174: {  	v0 =	vadd.f32 v1, v0;
	_ =	sdelay $0x1  }
0x175: {  	[tilespmem:s6+$0x40] =	vst v0;
	v0 =	vld [tilespmem:s6+$0x50]  }
0x176: {  	v1 =	vld [tilespmem:s0+$0xFFFFFFE0];
	_ =	sdelay $0x4  }
0x177: {  	v0 =	vadd.f32 v1, v0;
	_ =	sdelay $0x1  }
0x178: {  	[tilespmem:s6+$0x50] =	vst v0;
	v0 =	vld [tilespmem:s6+$0x60]  }
0x179: {  	v1 =	vld [tilespmem:s0+$0xFFFFFFF0];
	_ =	sdelay $0x4  }
0x17a: {  	v0 =	vadd.f32 v1, v0;
	_ =	sdelay $0x1  }
0x17b: {  	[tilespmem:s6+$0x60] =	vst v0;
	v0 =	vld [tilespmem:s6+$0x70]  }
0x17c: {  	v1 =	vld [tilespmem:s0+$0x0];
	_ =	sdelay $0x4  }
0x17d: {  	v0 =	vadd.f32 v1, v0  }
0x17e: {  	s7 =	simm.s32 $0x0;
	s8 =	simm.s32 $0xBE80  }
.LBB2_7:
0x17f: {  	v1 =	vld [tilespmem:s8+$0xFFFFFF80];
	[tilespmem:s6+$0x70] =	vst v0;
	s0 =	sadd.s32 $0x100, s0;
	s6 =	smov.u32 s8  }
0x180: {  	s7 =	sadd.s32 $0x4, s7;
	v0 =	vld [tilespmem:s0+$0xFFFFFF10]  }
0x181: {  	p0 =	slt.u32 s7, $0x7C;
	_ =	sdelay $0x3  }
0x182: {  	v0 =	vadd.f32 v0, v1;
	_ =	sdelay $0x1  }
0x183: {  	[tilespmem:s8+$0xFFFFFF80] =	vst v0;
	v0 =	vld [tilespmem:s8+$0xFFFFFF90]  }
0x184: {  	v1 =	vld [tilespmem:s0+$0xFFFFFF20];
	_ =	sdelay $0x4  }
0x185: {  	v0 =	vadd.f32 v1, v0;
	_ =	sdelay $0x1  }
0x186: {  	[tilespmem:s8+$0xFFFFFF90] =	vst v0;
	v0 =	vld [tilespmem:s8+$0xFFFFFFA0]  }
0x187: {  	v1 =	vld [tilespmem:s0+$0xFFFFFF30];
	_ =	sdelay $0x4  }
0x188: {  	v0 =	vadd.f32 v1, v0;
	_ =	sdelay $0x1  }
0x189: {  	[tilespmem:s8+$0xFFFFFFA0] =	vst v0;
	v0 =	vld [tilespmem:s8+$0xFFFFFFB0]  }
0x18a: {  	v1 =	vld [tilespmem:s0+$0xFFFFFF40];
	_ =	sdelay $0x4  }
0x18b: {  	v0 =	vadd.f32 v1, v0;
	_ =	sdelay $0x1  }
0x18c: {  	[tilespmem:s8+$0xFFFFFFB0] =	vst v0;
	v0 =	vld [tilespmem:s8+$0xFFFFFFC0]  }
0x18d: {  	v1 =	vld [tilespmem:s0+$0xFFFFFF50];
	_ =	sdelay $0x4  }
0x18e: {  	v0 =	vadd.f32 v1, v0;
	_ =	sdelay $0x1  }
0x18f: {  	[tilespmem:s8+$0xFFFFFFC0] =	vst v0;
	v0 =	vld [tilespmem:s8+$0xFFFFFFD0]  }
0x190: {  	v1 =	vld [tilespmem:s0+$0xFFFFFF60];
	_ =	sdelay $0x4  }
0x191: {  	v0 =	vadd.f32 v1, v0;
	_ =	sdelay $0x1  }
0x192: {  	[tilespmem:s8+$0xFFFFFFD0] =	vst v0;
	v0 =	vld [tilespmem:s8+$0xFFFFFFE0]  }
0x193: {  	v1 =	vld [tilespmem:s0+$0xFFFFFF70];
	_ =	sdelay $0x4  }
0x194: {  	v0 =	vadd.f32 v1, v0;
	_ =	sdelay $0x1  }
0x195: {  	[tilespmem:s8+$0xFFFFFFE0] =	vst v0;
	v0 =	vld [tilespmem:s8+$0xFFFFFFF0]  }
0x196: {  	v1 =	vld [tilespmem:s0+$0xFFFFFF80];
	_ =	sdelay $0x4  }
0x197: {  	v0 =	vadd.f32 v1, v0;
	_ =	sdelay $0x1  }
0x198: {  	[tilespmem:s8+$0xFFFFFFF0] =	vst v0;
	v0 =	vld [tilespmem:s8+$0x0]  }
0x199: {  	v1 =	vld [tilespmem:s0+$0xFFFFFF90];
	_ =	sdelay $0x4  }
0x19a: {  	v0 =	vadd.f32 v1, v0;
	_ =	sdelay $0x1  }
0x19b: {  	[tilespmem:s8+$0x0] =	vst v0;
	v0 =	vld [tilespmem:s8+$0x10]  }
0x19c: {  	v1 =	vld [tilespmem:s0+$0xFFFFFFA0];
	_ =	sdelay $0x4  }
0x19d: {  	v0 =	vadd.f32 v1, v0;
	_ =	sdelay $0x1  }
0x19e: {  	[tilespmem:s8+$0x10] =	vst v0;
	v0 =	vld [tilespmem:s8+$0x20]  }
0x19f: {  	v1 =	vld [tilespmem:s0+$0xFFFFFFB0];
	_ =	sdelay $0x4  }
0x1a0: {  	v0 =	vadd.f32 v1, v0;
	_ =	sdelay $0x1  }
0x1a1: {  	[tilespmem:s8+$0x20] =	vst v0;
	v0 =	vld [tilespmem:s8+$0x30]  }
0x1a2: {  	v1 =	vld [tilespmem:s0+$0xFFFFFFC0];
	_ =	sdelay $0x4  }
0x1a3: {  	v0 =	vadd.f32 v1, v0;
	_ =	sdelay $0x1  }
0x1a4: {  	[tilespmem:s8+$0x30] =	vst v0;
	v0 =	vld [tilespmem:s8+$0x40]  }
0x1a5: {  	v1 =	vld [tilespmem:s0+$0xFFFFFFD0];
	_ =	sdelay $0x4  }
0x1a6: {  	v0 =	vadd.f32 v1, v0;
	_ =	sdelay $0x1  }
0x1a7: {  	[tilespmem:s8+$0x40] =	vst v0;
	v0 =	vld [tilespmem:s8+$0x50]  }
0x1a8: {  	v1 =	vld [tilespmem:s0+$0xFFFFFFE0];
	_ =	sdelay $0x4  }
0x1a9: {  	v0 =	vadd.f32 v1, v0;
	_ =	sdelay $0x1  }
0x1aa: {  	[tilespmem:s8+$0x50] =	vst v0;
	v0 =	vld [tilespmem:s8+$0x60]  }
0x1ab: {  	v1 =	vld [tilespmem:s0+$0xFFFFFFF0];
	_ =	sdelay $0x4  }
0x1ac: {  	v0 =	vadd.f32 v1, v0;
	_ =	sdelay $0x1  }
0x1ad: {  	[tilespmem:s8+$0x60] =	vst v0;
	v0 =	vld [tilespmem:s8+$0x70]  }
0x1ae: {  	v1 =	vld [tilespmem:s0+$0x0];
	_ =	sdelay $0x1  }
.Ltmp2:
0x1af: {  	(pc) =	sbr.rel @p0 .LBB2_7-.Ltmp2, $3  }
0x1b0: {  	_ =	sdelay $0x1  }
0x1b1: {  	v0 =	vadd.f32 v1, v0  }
0x1b2: {  	s8 =	sadd.s32 $0x100, s8  }
0x1b3: {  	s31 =	sadd.s32 $0x1, s31  }
0x1b4: {  	p0 =	sne.s32 s31, $0x10  }
.Ltmp3:
0x1b5: {  	s0 =	sadd.s32 s4, s1;
	(pc) =	sbr.rel @p0 .LBB2_2-.Ltmp3, $4  }
0x1b6: {  	s24 =	sadd.s32 $0x6000, s24;
	s30 =	sadd.s32 $0x180, s30;
	s0 =	sshll.u32 s0, $0x3  }
0x1b7: {  	s25 =	sadd.s32 $0x6000, s25;
	s29 =	sadd.s32 $0x180, s29;
	s0 =	sand.u32 $0x1FFFFC00, s0  }
0x1b8: {  	[tilespmem:s6+$0x70] =	vst v0;
	s26 =	sadd.s32 $0x6000, s26;
	s28 =	sadd.s32 $0x180, s28;
	s0 =	sadd.s32 s2, s0  }
0x1b9: {  	[hbm4b:s0+s3] =	stream.linear.scatter [tilespmem:s16], [sflag:$0x6], $0x2000, $0x38;
	[tilespmem:$0xDD00] =	vst v63  }
0x1ba: {  	_ =	swait.ge [sflag:s17], $0x2000  }
0x1bb: {  	[sflag:s17] =	ssyncset.done $0x0  }
0x1bc: {  	s0 =	simm.s32 $0x7D80;
	[sflag:s17] =	ssyncadd.s32 $0xFFFFE000  }
0x1bd: {  	s1 =	simm.s32 $0x3DF0;
	v0 =	vld [tilespmem:s0+$0xFFFFFF80]  }
0x1be: {  	v1 =	vld [tilespmem:s1+$0xFFFFFF10];
	_ =	sdelay $0x4  }
0x1bf: {  	v0 =	vadd.f32 v1, v0;
	_ =	sdelay $0x1  }
0x1c0: {  	[tilespmem:s0+$0xFFFFFF80] =	vst v0;
	v0 =	vld [tilespmem:s0+$0xFFFFFF90]  }
0x1c1: {  	v1 =	vld [tilespmem:s1+$0xFFFFFF20];
	_ =	sdelay $0x4  }
0x1c2: {  	v0 =	vadd.f32 v1, v0;
	_ =	sdelay $0x1  }
0x1c3: {  	[tilespmem:s0+$0xFFFFFF90] =	vst v0;
	v0 =	vld [tilespmem:s0+$0xFFFFFFA0]  }
0x1c4: {  	v1 =	vld [tilespmem:s1+$0xFFFFFF30];
	_ =	sdelay $0x4  }
0x1c5: {  	v0 =	vadd.f32 v1, v0;
	_ =	sdelay $0x1  }
0x1c6: {  	[tilespmem:s0+$0xFFFFFFA0] =	vst v0;
	v0 =	vld [tilespmem:s0+$0xFFFFFFB0]  }
0x1c7: {  	v1 =	vld [tilespmem:s1+$0xFFFFFF40];
	_ =	sdelay $0x4  }
0x1c8: {  	v0 =	vadd.f32 v1, v0;
	_ =	sdelay $0x1  }
0x1c9: {  	[tilespmem:s0+$0xFFFFFFB0] =	vst v0;
	v0 =	vld [tilespmem:s0+$0xFFFFFFC0]  }
0x1ca: {  	v1 =	vld [tilespmem:s1+$0xFFFFFF50];
	_ =	sdelay $0x4  }
0x1cb: {  	v0 =	vadd.f32 v1, v0;
	_ =	sdelay $0x1  }
0x1cc: {  	[tilespmem:s0+$0xFFFFFFC0] =	vst v0;
	v0 =	vld [tilespmem:s0+$0xFFFFFFD0]  }
0x1cd: {  	v1 =	vld [tilespmem:s1+$0xFFFFFF60];
	_ =	sdelay $0x4  }
0x1ce: {  	v0 =	vadd.f32 v1, v0;
	_ =	sdelay $0x1  }
0x1cf: {  	[tilespmem:s0+$0xFFFFFFD0] =	vst v0;
	v0 =	vld [tilespmem:s0+$0xFFFFFFE0]  }
0x1d0: {  	v1 =	vld [tilespmem:s1+$0xFFFFFF70];
	_ =	sdelay $0x4  }
0x1d1: {  	v0 =	vadd.f32 v1, v0;
	_ =	sdelay $0x1  }
0x1d2: {  	[tilespmem:s0+$0xFFFFFFE0] =	vst v0;
	v0 =	vld [tilespmem:s0+$0xFFFFFFF0]  }
0x1d3: {  	v1 =	vld [tilespmem:s1+$0xFFFFFF80];
	_ =	sdelay $0x4  }
0x1d4: {  	v0 =	vadd.f32 v1, v0;
	_ =	sdelay $0x1  }
0x1d5: {  	[tilespmem:s0+$0xFFFFFFF0] =	vst v0;
	v0 =	vld [tilespmem:s0+$0x0]  }
0x1d6: {  	v1 =	vld [tilespmem:s1+$0xFFFFFF90];
	_ =	sdelay $0x4  }
0x1d7: {  	v0 =	vadd.f32 v1, v0;
	_ =	sdelay $0x1  }
0x1d8: {  	[tilespmem:s0+$0x0] =	vst v0;
	v0 =	vld [tilespmem:s0+$0x10]  }
0x1d9: {  	v1 =	vld [tilespmem:s1+$0xFFFFFFA0];
	_ =	sdelay $0x4  }
0x1da: {  	v0 =	vadd.f32 v1, v0;
	_ =	sdelay $0x1  }
0x1db: {  	[tilespmem:s0+$0x10] =	vst v0;
	v0 =	vld [tilespmem:s0+$0x20]  }
0x1dc: {  	v1 =	vld [tilespmem:s1+$0xFFFFFFB0];
	_ =	sdelay $0x4  }
0x1dd: {  	v0 =	vadd.f32 v1, v0;
	_ =	sdelay $0x1  }
0x1de: {  	[tilespmem:s0+$0x20] =	vst v0;
	v0 =	vld [tilespmem:s0+$0x30]  }
0x1df: {  	v1 =	vld [tilespmem:s1+$0xFFFFFFC0];
	_ =	sdelay $0x4  }
0x1e0: {  	v0 =	vadd.f32 v1, v0;
	_ =	sdelay $0x1  }
0x1e1: {  	[tilespmem:s0+$0x30] =	vst v0;
	v0 =	vld [tilespmem:s0+$0x40]  }
0x1e2: {  	v1 =	vld [tilespmem:s1+$0xFFFFFFD0];
	_ =	sdelay $0x4  }
0x1e3: {  	v0 =	vadd.f32 v1, v0;
	_ =	sdelay $0x1  }
0x1e4: {  	[tilespmem:s0+$0x40] =	vst v0;
	v0 =	vld [tilespmem:s0+$0x50]  }
0x1e5: {  	v1 =	vld [tilespmem:s1+$0xFFFFFFE0];
	_ =	sdelay $0x4  }
0x1e6: {  	v0 =	vadd.f32 v1, v0;
	_ =	sdelay $0x1  }
0x1e7: {  	[tilespmem:s0+$0x50] =	vst v0;
	v0 =	vld [tilespmem:s0+$0x60]  }
0x1e8: {  	v1 =	vld [tilespmem:s1+$0xFFFFFFF0];
	_ =	sdelay $0x4  }
0x1e9: {  	v0 =	vadd.f32 v1, v0;
	_ =	sdelay $0x1  }
0x1ea: {  	[tilespmem:s0+$0x60] =	vst v0;
	v0 =	vld [tilespmem:s0+$0x70]  }
0x1eb: {  	v1 =	vld [tilespmem:s1+$0x0];
	_ =	sdelay $0x4  }
0x1ec: {  	v0 =	vadd.f32 v1, v0  }
0x1ed: {  	s6 =	simm.s32 $0x0;
	s7 =	simm.s32 $0x7E80  }
.LBB2_10:
0x1ee: {  	v1 =	vld [tilespmem:s7+$0xFFFFFF80];
	[tilespmem:s0+$0x70] =	vst v0;
	s1 =	sadd.s32 $0x100, s1;
	s0 =	smov.u32 s7  }
0x1ef: {  	s6 =	sadd.s32 $0x4, s6;
	v0 =	vld [tilespmem:s1+$0xFFFFFF10]  }
0x1f0: {  	p0 =	slt.u32 s6, $0x7C;
	_ =	sdelay $0x3  }
0x1f1: {  	v0 =	vadd.f32 v0, v1;
	_ =	sdelay $0x1  }
0x1f2: {  	[tilespmem:s7+$0xFFFFFF80] =	vst v0;
	v0 =	vld [tilespmem:s7+$0xFFFFFF90]  }
0x1f3: {  	v1 =	vld [tilespmem:s1+$0xFFFFFF20];
	_ =	sdelay $0x4  }
0x1f4: {  	v0 =	vadd.f32 v1, v0;
	_ =	sdelay $0x1  }
0x1f5: {  	[tilespmem:s7+$0xFFFFFF90] =	vst v0;
	v0 =	vld [tilespmem:s7+$0xFFFFFFA0]  }
0x1f6: {  	v1 =	vld [tilespmem:s1+$0xFFFFFF30];
	_ =	sdelay $0x4  }
0x1f7: {  	v0 =	vadd.f32 v1, v0;
	_ =	sdelay $0x1  }
0x1f8: {  	[tilespmem:s7+$0xFFFFFFA0] =	vst v0;
	v0 =	vld [tilespmem:s7+$0xFFFFFFB0]  }
0x1f9: {  	v1 =	vld [tilespmem:s1+$0xFFFFFF40];
	_ =	sdelay $0x4  }
0x1fa: {  	v0 =	vadd.f32 v1, v0;
	_ =	sdelay $0x1  }
0x1fb: {  	[tilespmem:s7+$0xFFFFFFB0] =	vst v0;
	v0 =	vld [tilespmem:s7+$0xFFFFFFC0]  }
0x1fc: {  	v1 =	vld [tilespmem:s1+$0xFFFFFF50];
	_ =	sdelay $0x4  }
0x1fd: {  	v0 =	vadd.f32 v1, v0;
	_ =	sdelay $0x1  }
0x1fe: {  	[tilespmem:s7+$0xFFFFFFC0] =	vst v0;
	v0 =	vld [tilespmem:s7+$0xFFFFFFD0]  }
0x1ff: {  	v1 =	vld [tilespmem:s1+$0xFFFFFF60];
	_ =	sdelay $0x4  }
0x200: {  	v0 =	vadd.f32 v1, v0;
	_ =	sdelay $0x1  }
0x201: {  	[tilespmem:s7+$0xFFFFFFD0] =	vst v0;
	v0 =	vld [tilespmem:s7+$0xFFFFFFE0]  }
0x202: {  	v1 =	vld [tilespmem:s1+$0xFFFFFF70];
	_ =	sdelay $0x4  }
0x203: {  	v0 =	vadd.f32 v1, v0;
	_ =	sdelay $0x1  }
0x204: {  	[tilespmem:s7+$0xFFFFFFE0] =	vst v0;
	v0 =	vld [tilespmem:s7+$0xFFFFFFF0]  }
0x205: {  	v1 =	vld [tilespmem:s1+$0xFFFFFF80];
	_ =	sdelay $0x4  }
0x206: {  	v0 =	vadd.f32 v1, v0;
	_ =	sdelay $0x1  }
0x207: {  	[tilespmem:s7+$0xFFFFFFF0] =	vst v0;
	v0 =	vld [tilespmem:s7+$0x0]  }
0x208: {  	v1 =	vld [tilespmem:s1+$0xFFFFFF90];
	_ =	sdelay $0x4  }
0x209: {  	v0 =	vadd.f32 v1, v0;
	_ =	sdelay $0x1  }
0x20a: {  	[tilespmem:s7+$0x0] =	vst v0;
	v0 =	vld [tilespmem:s7+$0x10]  }
0x20b: {  	v1 =	vld [tilespmem:s1+$0xFFFFFFA0];
	_ =	sdelay $0x4  }
0x20c: {  	v0 =	vadd.f32 v1, v0;
	_ =	sdelay $0x1  }
0x20d: {  	[tilespmem:s7+$0x10] =	vst v0;
	v0 =	vld [tilespmem:s7+$0x20]  }
0x20e: {  	v1 =	vld [tilespmem:s1+$0xFFFFFFB0];
	_ =	sdelay $0x4  }
0x20f: {  	v0 =	vadd.f32 v1, v0;
	_ =	sdelay $0x1  }
0x210: {  	[tilespmem:s7+$0x20] =	vst v0;
	v0 =	vld [tilespmem:s7+$0x30]  }
0x211: {  	v1 =	vld [tilespmem:s1+$0xFFFFFFC0];
	_ =	sdelay $0x4  }
0x212: {  	v0 =	vadd.f32 v1, v0;
	_ =	sdelay $0x1  }
0x213: {  	[tilespmem:s7+$0x30] =	vst v0;
	v0 =	vld [tilespmem:s7+$0x40]  }
0x214: {  	v1 =	vld [tilespmem:s1+$0xFFFFFFD0];
	_ =	sdelay $0x4  }
0x215: {  	v0 =	vadd.f32 v1, v0;
	_ =	sdelay $0x1  }
0x216: {  	[tilespmem:s7+$0x40] =	vst v0;
	v0 =	vld [tilespmem:s7+$0x50]  }
0x217: {  	v1 =	vld [tilespmem:s1+$0xFFFFFFE0];
	_ =	sdelay $0x4  }
0x218: {  	v0 =	vadd.f32 v1, v0;
	_ =	sdelay $0x1  }
0x219: {  	[tilespmem:s7+$0x50] =	vst v0;
	v0 =	vld [tilespmem:s7+$0x60]  }
0x21a: {  	v1 =	vld [tilespmem:s1+$0xFFFFFFF0];
	_ =	sdelay $0x4  }
0x21b: {  	v0 =	vadd.f32 v1, v0;
	_ =	sdelay $0x1  }
0x21c: {  	[tilespmem:s7+$0x60] =	vst v0;
	v0 =	vld [tilespmem:s7+$0x70]  }
0x21d: {  	v1 =	vld [tilespmem:s1+$0x0];
	_ =	sdelay $0x1  }
.Ltmp4:
0x21e: {  	(pc) =	sbr.rel @p0 .LBB2_10-.Ltmp4, $3  }
0x21f: {  	_ =	sdelay $0x1  }
0x220: {  	v0 =	vadd.f32 v1, v0  }
0x221: {  	s7 =	sadd.s32 $0x100, s7  }
0x222: {  	[tilespmem:s0+$0x70] =	vst v0;
	s31 =	rddreg [dreg:$0x5]  }
0x223: {  	[hbm4b:s31+s3] =	stream.linear.scatter [tilespmem:s13], [sflag:$0x4], $0x2000, $0x38;
	[tilespmem:$0xDD00] =	vst v63  }
0x224: {  	_ =	swait.ge [sflag:s19], $0x2000  }
0x225: {  	[sflag:s19] =	ssyncset.done $0x0  }
0x226: {  	s0 =	simm.s32 $0x9D80;
	[sflag:s19] =	ssyncadd.s32 $0xFFFFE000  }
0x227: {  	s1 =	simm.s32 $0x2BF0;
	v0 =	vld [tilespmem:s0+$0xFFFFFF80]  }
0x228: {  	v1 =	vld [tilespmem:s1+$0xFFFFFF10];
	_ =	sdelay $0x4  }
0x229: {  	v0 =	vadd.f32 v1, v0;
	_ =	sdelay $0x1  }
0x22a: {  	[tilespmem:s0+$0xFFFFFF80] =	vst v0;
	v0 =	vld [tilespmem:s0+$0xFFFFFF90]  }
0x22b: {  	v1 =	vld [tilespmem:s1+$0xFFFFFF20];
	_ =	sdelay $0x4  }
0x22c: {  	v0 =	vadd.f32 v1, v0;
	_ =	sdelay $0x1  }
0x22d: {  	[tilespmem:s0+$0xFFFFFF90] =	vst v0;
	v0 =	vld [tilespmem:s0+$0xFFFFFFA0]  }
0x22e: {  	v1 =	vld [tilespmem:s1+$0xFFFFFF30];
	_ =	sdelay $0x4  }
0x22f: {  	v0 =	vadd.f32 v1, v0;
	_ =	sdelay $0x1  }
0x230: {  	[tilespmem:s0+$0xFFFFFFA0] =	vst v0;
	v0 =	vld [tilespmem:s0+$0xFFFFFFB0]  }
0x231: {  	v1 =	vld [tilespmem:s1+$0xFFFFFF40];
	_ =	sdelay $0x4  }
0x232: {  	v0 =	vadd.f32 v1, v0;
	_ =	sdelay $0x1  }
0x233: {  	[tilespmem:s0+$0xFFFFFFB0] =	vst v0;
	v0 =	vld [tilespmem:s0+$0xFFFFFFC0]  }
0x234: {  	v1 =	vld [tilespmem:s1+$0xFFFFFF50];
	_ =	sdelay $0x4  }
0x235: {  	v0 =	vadd.f32 v1, v0;
	_ =	sdelay $0x1  }
0x236: {  	[tilespmem:s0+$0xFFFFFFC0] =	vst v0;
	v0 =	vld [tilespmem:s0+$0xFFFFFFD0]  }
0x237: {  	v1 =	vld [tilespmem:s1+$0xFFFFFF60];
	_ =	sdelay $0x4  }
0x238: {  	v0 =	vadd.f32 v1, v0;
	_ =	sdelay $0x1  }
0x239: {  	[tilespmem:s0+$0xFFFFFFD0] =	vst v0;
	v0 =	vld [tilespmem:s0+$0xFFFFFFE0]  }
0x23a: {  	v1 =	vld [tilespmem:s1+$0xFFFFFF70];
	_ =	sdelay $0x4  }
0x23b: {  	v0 =	vadd.f32 v1, v0;
	_ =	sdelay $0x1  }
0x23c: {  	[tilespmem:s0+$0xFFFFFFE0] =	vst v0;
	v0 =	vld [tilespmem:s0+$0xFFFFFFF0]  }
0x23d: {  	v1 =	vld [tilespmem:s1+$0xFFFFFF80];
	_ =	sdelay $0x4  }
0x23e: {  	v0 =	vadd.f32 v1, v0;
	_ =	sdelay $0x1  }
0x23f: {  	[tilespmem:s0+$0xFFFFFFF0] =	vst v0;
	v0 =	vld [tilespmem:s0+$0x0]  }
0x240: {  	v1 =	vld [tilespmem:s1+$0xFFFFFF90];
	_ =	sdelay $0x4  }
0x241: {  	v0 =	vadd.f32 v1, v0;
	_ =	sdelay $0x1  }
0x242: {  	[tilespmem:s0+$0x0] =	vst v0;
	v0 =	vld [tilespmem:s0+$0x10]  }
0x243: {  	v1 =	vld [tilespmem:s1+$0xFFFFFFA0];
	_ =	sdelay $0x4  }
0x244: {  	v0 =	vadd.f32 v1, v0;
	_ =	sdelay $0x1  }
0x245: {  	[tilespmem:s0+$0x10] =	vst v0;
	v0 =	vld [tilespmem:s0+$0x20]  }
0x246: {  	v1 =	vld [tilespmem:s1+$0xFFFFFFB0];
	_ =	sdelay $0x4  }
0x247: {  	v0 =	vadd.f32 v1, v0;
	_ =	sdelay $0x1  }
0x248: {  	[tilespmem:s0+$0x20] =	vst v0;
	v0 =	vld [tilespmem:s0+$0x30]  }
0x249: {  	v1 =	vld [tilespmem:s1+$0xFFFFFFC0];
	_ =	sdelay $0x4  }
0x24a: {  	v0 =	vadd.f32 v1, v0;
	_ =	sdelay $0x1  }
0x24b: {  	[tilespmem:s0+$0x30] =	vst v0;
	v0 =	vld [tilespmem:s0+$0x40]  }
0x24c: {  	v1 =	vld [tilespmem:s1+$0xFFFFFFD0];
	_ =	sdelay $0x4  }
0x24d: {  	v0 =	vadd.f32 v1, v0;
	_ =	sdelay $0x1  }
0x24e: {  	[tilespmem:s0+$0x40] =	vst v0;
	v0 =	vld [tilespmem:s0+$0x50]  }
0x24f: {  	v1 =	vld [tilespmem:s1+$0xFFFFFFE0];
	_ =	sdelay $0x4  }
0x250: {  	v0 =	vadd.f32 v1, v0;
	_ =	sdelay $0x1  }
0x251: {  	[tilespmem:s0+$0x50] =	vst v0;
	v0 =	vld [tilespmem:s0+$0x60]  }
0x252: {  	v1 =	vld [tilespmem:s1+$0xFFFFFFF0];
	_ =	sdelay $0x4  }
0x253: {  	v0 =	vadd.f32 v1, v0;
	_ =	sdelay $0x1  }
0x254: {  	[tilespmem:s0+$0x60] =	vst v0;
	v0 =	vld [tilespmem:s0+$0x70]  }
0x255: {  	v1 =	vld [tilespmem:s1+$0x0];
	_ =	sdelay $0x4  }
0x256: {  	v0 =	vadd.f32 v1, v0  }
0x257: {  	s6 =	simm.s32 $0x0;
	s7 =	simm.s32 $0x9E80  }
.LBB2_12:
0x258: {  	v1 =	vld [tilespmem:s7+$0xFFFFFF80];
	[tilespmem:s0+$0x70] =	vst v0;
	s1 =	sadd.s32 $0x100, s1;
	s0 =	smov.u32 s7  }
0x259: {  	s6 =	sadd.s32 $0x4, s6;
	v0 =	vld [tilespmem:s1+$0xFFFFFF10]  }
0x25a: {  	p0 =	slt.u32 s6, $0x7C;
	_ =	sdelay $0x3  }
0x25b: {  	v0 =	vadd.f32 v0, v1;
	_ =	sdelay $0x1  }
0x25c: {  	[tilespmem:s7+$0xFFFFFF80] =	vst v0;
	v0 =	vld [tilespmem:s7+$0xFFFFFF90]  }
0x25d: {  	v1 =	vld [tilespmem:s1+$0xFFFFFF20];
	_ =	sdelay $0x4  }
0x25e: {  	v0 =	vadd.f32 v1, v0;
	_ =	sdelay $0x1  }
0x25f: {  	[tilespmem:s7+$0xFFFFFF90] =	vst v0;
	v0 =	vld [tilespmem:s7+$0xFFFFFFA0]  }
0x260: {  	v1 =	vld [tilespmem:s1+$0xFFFFFF30];
	_ =	sdelay $0x4  }
0x261: {  	v0 =	vadd.f32 v1, v0;
	_ =	sdelay $0x1  }
0x262: {  	[tilespmem:s7+$0xFFFFFFA0] =	vst v0;
	v0 =	vld [tilespmem:s7+$0xFFFFFFB0]  }
0x263: {  	v1 =	vld [tilespmem:s1+$0xFFFFFF40];
	_ =	sdelay $0x4  }
0x264: {  	v0 =	vadd.f32 v1, v0;
	_ =	sdelay $0x1  }
0x265: {  	[tilespmem:s7+$0xFFFFFFB0] =	vst v0;
	v0 =	vld [tilespmem:s7+$0xFFFFFFC0]  }
0x266: {  	v1 =	vld [tilespmem:s1+$0xFFFFFF50];
	_ =	sdelay $0x4  }
0x267: {  	v0 =	vadd.f32 v1, v0;
	_ =	sdelay $0x1  }
0x268: {  	[tilespmem:s7+$0xFFFFFFC0] =	vst v0;
	v0 =	vld [tilespmem:s7+$0xFFFFFFD0]  }
0x269: {  	v1 =	vld [tilespmem:s1+$0xFFFFFF60];
	_ =	sdelay $0x4  }
0x26a: {  	v0 =	vadd.f32 v1, v0;
	_ =	sdelay $0x1  }
0x26b: {  	[tilespmem:s7+$0xFFFFFFD0] =	vst v0;
	v0 =	vld [tilespmem:s7+$0xFFFFFFE0]  }
0x26c: {  	v1 =	vld [tilespmem:s1+$0xFFFFFF70];
	_ =	sdelay $0x4  }
0x26d: {  	v0 =	vadd.f32 v1, v0;
	_ =	sdelay $0x1  }
0x26e: {  	[tilespmem:s7+$0xFFFFFFE0] =	vst v0;
	v0 =	vld [tilespmem:s7+$0xFFFFFFF0]  }
0x26f: {  	v1 =	vld [tilespmem:s1+$0xFFFFFF80];
	_ =	sdelay $0x4  }
0x270: {  	v0 =	vadd.f32 v1, v0;
	_ =	sdelay $0x1  }
0x271: {  	[tilespmem:s7+$0xFFFFFFF0] =	vst v0;
	v0 =	vld [tilespmem:s7+$0x0]  }
0x272: {  	v1 =	vld [tilespmem:s1+$0xFFFFFF90];
	_ =	sdelay $0x4  }
0x273: {  	v0 =	vadd.f32 v1, v0;
	_ =	sdelay $0x1  }
0x274: {  	[tilespmem:s7+$0x0] =	vst v0;
	v0 =	vld [tilespmem:s7+$0x10]  }
0x275: {  	v1 =	vld [tilespmem:s1+$0xFFFFFFA0];
	_ =	sdelay $0x4  }
0x276: {  	v0 =	vadd.f32 v1, v0;
	_ =	sdelay $0x1  }
0x277: {  	[tilespmem:s7+$0x10] =	vst v0;
	v0 =	vld [tilespmem:s7+$0x20]  }
0x278: {  	v1 =	vld [tilespmem:s1+$0xFFFFFFB0];
	_ =	sdelay $0x4  }
0x279: {  	v0 =	vadd.f32 v1, v0;
	_ =	sdelay $0x1  }
0x27a: {  	[tilespmem:s7+$0x20] =	vst v0;
	v0 =	vld [tilespmem:s7+$0x30]  }
0x27b: {  	v1 =	vld [tilespmem:s1+$0xFFFFFFC0];
	_ =	sdelay $0x4  }
0x27c: {  	v0 =	vadd.f32 v1, v0;
	_ =	sdelay $0x1  }
0x27d: {  	[tilespmem:s7+$0x30] =	vst v0;
	v0 =	vld [tilespmem:s7+$0x40]  }
0x27e: {  	v1 =	vld [tilespmem:s1+$0xFFFFFFD0];
	_ =	sdelay $0x4  }
0x27f: {  	v0 =	vadd.f32 v1, v0;
	_ =	sdelay $0x1  }
0x280: {  	[tilespmem:s7+$0x40] =	vst v0;
	v0 =	vld [tilespmem:s7+$0x50]  }
0x281: {  	v1 =	vld [tilespmem:s1+$0xFFFFFFE0];
	_ =	sdelay $0x4  }
0x282: {  	v0 =	vadd.f32 v1, v0;
	_ =	sdelay $0x1  }
0x283: {  	[tilespmem:s7+$0x50] =	vst v0;
	v0 =	vld [tilespmem:s7+$0x60]  }
0x284: {  	v1 =	vld [tilespmem:s1+$0xFFFFFFF0];
	_ =	sdelay $0x4  }
0x285: {  	v0 =	vadd.f32 v1, v0;
	_ =	sdelay $0x1  }
0x286: {  	[tilespmem:s7+$0x60] =	vst v0;
	v0 =	vld [tilespmem:s7+$0x70]  }
0x287: {  	v1 =	vld [tilespmem:s1+$0x0];
	_ =	sdelay $0x1  }
.Ltmp5:
0x288: {  	(pc) =	sbr.rel @p0 .LBB2_12-.Ltmp5, $3  }
0x289: {  	_ =	sdelay $0x1  }
0x28a: {  	v0 =	vadd.f32 v1, v0  }
0x28b: {  	s7 =	sadd.s32 $0x100, s7  }
0x28c: {  	[tilespmem:s0+$0x70] =	vst v0;
	s30 =	rddreg [dreg:$0x6]  }
0x28d: {  	[hbm4b:s30+s3] =	stream.linear.scatter [tilespmem:s14], [sflag:$0x5], $0x2000, $0x38;
	[tilespmem:$0xDD00] =	vst v63  }
0x28e: {  	_ =	swait.ge [sflag:s18], $0x2000  }
0x28f: {  	[sflag:s18] =	ssyncset.done $0x0  }
0x290: {  	[sflag:s18] =	ssyncadd.s32 $0xFFFFE000  }
0x291: {  	_ =	swait.ge [sflag:s20], $0x2000  }
0x292: {  	[sflag:s20] =	ssyncset.done $0x0  }
0x293: {  	[sflag:s20] =	ssyncadd.s32 $0xFFFFE000  }
0x294: {  	_ =	swait.ge [sflag:s22], $0x2000  }
0x295: {  	s23 =	sadd.s32 $0x1, s23;
	s31 =	rddreg [dreg:$0x7]  }
0x296: {  	p0 =	sne.s32 s23, s31  }
.Ltmp6:
0x297: {  	_ = 	snop;
	(pc) =	sbr.rel @p0 .LBB2_1-.Ltmp6, $3  }
0x298: {  	_ =	sdelay $0x1  }
0x299: {  	[sflag:s22] =	ssyncset.done $0x0  }
0x29a: {  	[sflag:s22] =	ssyncadd.s32 $0xFFFFE000  }
0x29b: {  	_ =	sfence.sel $0x180000  }
0x29c: {  	[bflag:$0x0] =	sbarrier.arrive $0xFFFF  }
0x29d: {  	_ =	strace $0x90000047  }
0x29e: {  	s0 =	stileid.u32;
	[bflag:$0x2] =	sbarrier.arrive $0xFFFF  }
0x29f: {  	p0 =	sne.s32 s0, $0x0;
	s0 =	rddreg [dreg:$0x2]  }
0x2a0: {  	s0 =	sadd.s32 @!p0 $0x100000, s0  }
0x2a1: {  	[sflag:s0] =	ssyncadd.tile.s32 @!p0 $0x1;
	_ =	shalt  }
.Lfunc_end2:
_tile_overlayer_lowered:
.L_overlay_start_2:
0x2a2: {  	(tag) =	ssettag $0x2  }
0x2a3: {  	s0 =	rddreg [dreg:$0x0];
	s2 =	stileid.u32  }
0x2a4: {  	s1 =	rddreg [dreg:$0x1];
	p0 =	sne.s32 s2, $0x0  }
0x2a5: {  	s3 =	rddreg [dreg:$0x2];
	[bflag:$0x3] =	sbarrier.arrive $0xFFFF;
	s2 =	simm.s32 @!p0 $0x1C07  }
0x2a6: {  	[timem:s3], [sflag:s2] =	dma.local @!p0 [hbm:s0], s1  }
0x2a7: {  	s0 =	simm.s32 @!p0 $0x7  }
0x2a8: {  	_ =	swait.ge @!p0 [sflag:s0], s1  }
0x2a9: {  	s1 =	ssub.s32 @!p0 $0x0, s1;
	[sflag:s0] =	ssyncset.done @!p0 $0x0  }
0x2aa: {  	[sflag:s0] =	ssyncadd.s32 @!p0 s1  }
0x2ab: {  	[bflag:$0x3] =	sbarrier.arrive $0xFFFF  }
0x2ac: {  	_ =	shalt  }

// kernel: sparse-core-data-format-call.cloned.1.call-start
scs
called_computation_lowered:
.L_overlay_start_0:
0x0: {  	s2 =	sld [smem:$0x3FD9]  }
0x1: {  	s3 =	sld [smem:$0x3FFE];
	_ =	sdelay $0x1  }
0x2: {  	s1 =	srdreg.scid  }
0x3: {  	s0 =	sand.u32 $0x1, s1  }
0x4: {  	s18 =	sshll.u32 s0, $0xA;
	s2 =	sadd.s32 s3, s2  }
0x5: {  	s2 =	sadd.s32 s2, s18  }
0x6: {  	[smem:$0x3FC6] =	sst s2  }
0x7: {  	_ = 	snop  }
0x8: {  	s2 =	sld [smem:$0x3FD0];
	(tm) =	ssettm $0x1  }
0x9: {  	s19 =	sld [smem:$0x3FFB];
	_ =	sdelay $0x3  }
0xa: {  	_ =	strace s19  }
0xb: {  	s3 =	sld [smem:$0x3FFC];
	_ =	sdelay $0x3  }
0xc: {  	_ =	strace s3  }
0xd: {  	s3 =	sld [smem:$0x3FFD];
	_ =	sdelay $0x3  }
0xe: {  	_ =	strace s3  }
0xf: {  	_ =	strace $0x8FFFFFFF  }
0x10: {  	s20 =	sld [smem:$0x3FDB];
	_ =	sdelay $0x1  }
0x11: {  	s4 =	simm.s32 $_scs_section_size  }
0x12: {  	s5 =	simm.s32 $_size__tile_overlayer_lowered;
	s6 =	simm.s32 $_tile_overlayer_lowered  }
0x13: {  	s23 =	simm.s32 $0x1BFF;
	s22 =	sshll.u32 s6, $0x1;
	s3 =	sadd.s32 s4, s20  }
0x14: {  	s7 =	simm.s32 $0x0;
	s21 =	sshll.u32 s5, $0x1;
	s5 =	sadd.s32 s22, s3  }
0x15: {  	[timem:s7], [sflag:s23] =	dma.local [hbm:s5], s21  }
0x16: {  	_ =	swait.ge [sflag:s23], s21  }
0x17: {  	s4 =	ssub.s32 $0x0, s21;
	[sflag:s23] =	ssyncset.done $0x0  }
0x18: {  	[sflag:s23] =	ssyncadd.s32 s4;
	_ =	sdelay $0x1  }
0x19: {  	s24 =	simm.s32 $0x1B8B  }
0x1a: {  	_ =	swait.ge [sflag:s24], $0x1  }
0x1b: {  	[sflag:s24] =	ssyncset.done $0x0  }
0x1c: {  	s26 =	simm.s32 $0x1B8E;
	s25 =	sld [smem:$0x3FFE];
	[sflag:s24] =	ssyncadd.s32 $0xFFFFFFFF  }
0x1d: {  	s27 =	simm.s32 $execute0_lowered;
	[smem:$0x3FD2] =	sst s26  }
0x1e: {  	s5 =	sshll.u32 s27, $0x1;
	_ =	strace $0x80000049;
	[dreg:$0x1] =	wrdreg $0xFFFFFFFF  }
0x1f: {  	s28 =	simm.s32 $_size_execute0_lowered;
	s3 =	sadd.s32 s3, s5;
	[dreg:$0x0] =	wrdreg $0x0  }
0x20: {  	s5 =	sshll.u32 s28, $0x1;
	[dreg:$0x2] =	wrdreg s3  }
0x21: {  	[dreg:$0x3] =	wrdreg s5  }
0x22: {  	[dreg:$0x4] =	wrdreg $0xC0  }
0x23: {  	_ =	task [dreg:s7], $0x5FFFF  }
0x24: {  	[dreg:$0x1] =	wrdreg $0xFFFFFFFF  }
0x25: {  	[dreg:$0x0] =	wrdreg $0x60  }
0x26: {  	[dreg:$0x2] =	wrdreg s25  }
0x27: {  	[dreg:$0x3] =	wrdreg s2  }
0x28: {  	[dreg:$0x4] =	wrdreg $0x9  }
0x29: {  	_ =	task.clear_ibuf [dreg:s7], $0x5FFFF;
	_ =	strace $0x90000049  }
0x2a: {  	s29 =	simm.s32 $0x9;
	_ =	strace $0x8000004B  }
0x2b: {  	_ =	swait.ge [sflag:s29], $0x1  }
0x2c: {  	[sflag:s29] =	ssyncadd.s32 $0xFFFFFFFF  }
0x2d: {  	_ =	strace $0x9000004B  }
0x2e: {  	_ =	sfence  }
0x2f: {  	s30 =	sld [smem:$0x0];
	_ =	sdelay $0x2  }
0x30: {  	s31 =	sshll.u32 s1, $0xD;
	s1 =	sshrl.u32 s1, $0x2  }
0x31: {  	s3 =	sand.u32 $0x4000, s31;
	s1 =	sadd.s32 s1, s30  }
0x32: {  	s0 =	sor.u32 s3, s0;
	s1 =	sshll.u32 s1, $0x11  }
0x33: {  	s0 =	sor.u32 s1, s0  }
0x34: {  	s0 =	sadd.s32 $0x8F2B, s0  }
0x35: {  	[sflag:s0] =	ssyncadd.remote.s32 $0x1  }
0x36: {  	_ =	sfence.sel $0xFFFF  }
0x37: {  	[dreg:$0x0] =	wrdreg $0xFFFFFFFF;
	(pc) =	sbr.abs _section_cstart, $3  }
0x38: {  	[dreg:$0x1] =	wrdreg $0xFFFFFFFF  }
0x39: {  	_ =	task.clear_ibuf [dreg:s7], $0x2FFFF;
	_ =	strace $0x9FFFFFFF  }
0x3a: {  	(tm) =	ssettm $0x7FFFFFFF  }
0x3b: {  	_ =	shalt  }
tec
execute0_lowered:
.L_overlay_start_1:
0x0: {  	(tag) =	ssettag $0x1  }
0x1: {  	s0 =	stileid.u32;
	s6 =	rddreg [dreg:$0x0]  }
0x2: {  	s2 =	rddreg [dreg:$0x1];
	s5 =	srdreg.scid  }
0x3: {  	s31 =	simm.s32 $0x2;
	s13 =	simm.s32 $0x0;
	s1 =	sshll.u32 s0, $0x7  }
0x4: {  	s14 =	simm.s32 $0x0;
	s12 =	simm.s32 $0x0;
	s3 =	sand.u32 $0x380, s1  }
0x5: {  	s5 =	sshll.u32 s5, $0x4;
	s6 =	sadd.s32 $0x1000, s6;
	s4 =	ssub.s32 $0x400, s3  }
0x6: {  	s1 =	rddreg [dreg:$0x2];
	_ =	strace $0x8000004A;
	s7 =	sand.u32 $0x380, s4  }
0x7: {  	s5 =	sand.u32 $0x10, s5;
	p0 =	sne.s32 s7, $0x0;
	s7 =	simm.s32 $0x1  }
.Ltmp0:
0x8: {  	s8 =	sshrl.u32 s4, $0xA;
	s7 =	simm.s32 @!p0 $0x0;
	(pc) =	sbr.rel .LBB1_1-.Ltmp0, $4  }
0x9: {  	s9 =	sor.u32 s0, s5;
	s4 =	simm.s32 $0x1;
	s30 =	sadd.s32 s7, s8  }
0xa: {  	s11 =	smov.u32 s3;
	[sflag:s4] =	ssyncpa.u1 $0x0;
	s5 =	smul.u32 $0x32, s30  }
0xb: {  	[sflag:s31] =	ssyncpa.u1 $0x0;
	p0 =	por $0x0, $0x0;
	s7 =	sshrl.u32 s9, $0x3  }
0xc: {  	s9 =	simm.s32 $0x2000;
	s10 =	smov.u32 s7;
	s8 =	sor.u32 $0x1, s5  }
.LBB1_4:
0xd: {  	s17 =	sand.u32 $0x1F80, s14;
	s13 =	sshll.u32 s13, $0xD  }
0xe: {  	[tilespmem:s16+$0x810 ss:$0x81] =	vst.msk $0xffff, v2;
	s18 =	sshrl.u32 s14, $0x3;
	s31 =	sand.u32 $0x7, s14;
	s17 =	sadd.s32 s2, s17  }
0xf: {  	[tilespmem:s16+$0x1020 ss:$0x81] =	vst.msk $0xffff, v0;
	s18 =	sand.u32 $0xF, s18;
	s14 =	sshll.u32 s31, $0x12;
	s13 =	sadd.s32 s13, s17  }
0x10: {  	[tilespmem:s16+$0x0 ss:$0x81] =	vst.msk $0xffff, v1;
	s14 =	sor.u32 $0x400, s14;
	s13 =	sadd.s32 s18, s13  }
0x11: {  	[hbm4b:s13+s14] =	stream.strided.scatter [tilespmem:s15], [sflag:$0x2], $0x2000, s9, s14, $0x20;
	[tilespmem:$0x8080] =	vst v63  }
.LBB1_5:
0x12: {  	s15 =	sadd.s32 $0x4, s10  }
0x13: {  	s13 =	sadd.s32 $0x400, s11;
	s17 =	smov.u32 s11;
	p2 =	sgt.s32 s15, $0xC7  }
0x14: {  	s17 =	smov.u32 @p2 s13  }
0x15: {  	s15 =	smov.u32 @p2 s7;
	p2 =	sgt.s32 s17, $0x3FF  }
0x16: {  	s17 =	smov.u32 @p2 s3;
	p2 =	sne.s32 s12, s8  }
.Ltmp1:
0x17: {  	p1 =	slt.u32 s12, $0x2;
	(pc) =	sbr.rel @!p2 .LBB1_6-.Ltmp1, $4  }
0x18: {  	s16 =	simm.s32 @!p1 $0x2  }
0x19: {  	s14 =	smov.u32 s11;
	p0 =	por !p0, !p0;
	_ =	swait.ge @!p1 [sflag:s16], $0x2000  }
0x1a: {  	s13 =	smov.u32 s10;
	[sflag:s16] =	ssyncset.done @!p1 $0x0;
	s10 =	smov.u32 s15  }
0x1b: {  	s12 =	sadd.s32 $0x1, s12;
	[sflag:s16] =	ssyncadd.s32 @!p1 $0xFFFFE000;
	s11 =	smov.u32 s17  }
.LBB1_1:
0x1c: {  	p1 =	sge.u32 s12, s5  }
0x1d: {  	s15 =	sand.u32 @!p1 $0x1FFFFFF, s10  }
0x1e: {  	s16 =	smulhi.u32 @!p1 $0x147AE15, s15;
	_ =	sdelay $0x1  }
0x1f: {  	s16 =	smul.u32 @!p1 $0xC8, s16  }
0x20: {  	s17 =	sxor.u32 @!p1 $0xFFFFFFFF, s12;
	s18 =	smul.u32 @!p1 $0xC80, s11  }
0x21: {  	s31 =	sadd.s32 $0xFFFFFFFF, s12;
	s17 =	sshll.u32 @!p1 s17, $0xD;
	s15 =	ssub.s32 @!p1 s15, s16  }
0x22: {  	s16 =	sand.u32 @!p1 $0x2000, s17;
	s17 =	sadd.s32 @!p1 s6, s18;
	s15 =	sshll.u32 @!p1 s15, $0x4  }
0x23: {  	s18 =	simm.s32 @!p1 $0x6400;
	s15 =	sadd.s32 @!p1 s15, s17;
	s17 =	simm.s32 @!p1 $0x40  }
0x24: {  	[tilespmem:s16], [sflag:$0x1] =	stream.strided.gather @!p1 [hbm4b:s15+s17], $0x2000, s18, s17, $0x38;
	[tilespmem:$0x8080] =	vst v63  }
0x25: {  	p1 =	sge.u32 s31, s5  }
.Ltmp2:
0x26: {  	_ = 	snop;
	(pc) =	sbr.rel @p1 .LBB1_5-.Ltmp2, $1  }
0x27: {  	_ =	sdelay $0x3  }
0x28: {  	s15 =	simm.s32 $0x1  }
0x29: {  	_ =	swait.ge [sflag:s4], $0x2000;
	s15 =	simm.s32 @!p0 $0x0  }
0x2a: {  	[sflag:s4] =	ssyncset.done $0x0;
	s16 =	sshll.u32 s15, $0xD  }
0x2b: {  	[sflag:s4] =	ssyncadd.s32 $0xFFFFE000;
	s19 =	sor.u32 $0x20, s16  }
0x2c: {  	s15 =	smul.u32 $0x8100, s15;
	v3 =	vld [tilespmem:s19+$0x10]  }
0x2d: {  	s30 =	sand.u32 $0x1, s12;
	v2 =	vld [tilespmem:s19+$0xFFFFFFF0]  }
0x2e: {  	s16 =	smul.u32 $0x8100, s30;
	s15 =	sshrl.u32 s15, $0x2;
	v0 =	vld [tilespmem:s19+$0x0]  }
0x2f: {  	v1 =	vld [tilespmem:s19+$0xFFFFFFE0];
	s17 =	sor.u32 $0x4000, s15  }
0x30: {  	s31 =	sshrl.u32 s16, $0x2;
	s16 =	sadd.s32 $0x0, s17  }
0x31: {  	s18 =	simm.s32 $0x4;
	s19 =	sadd.s32 $0x40, s19;
	s15 =	sor.u32 $0x4000, s31;
	[tilespmem:s16+$0x1830 ss:$0x81] =	vst.msk $0xffff, v3  }
.LBB1_3:
0x32: {  	v3 =	vld [tilespmem:s19+$0x10];
	p1 =	sne.s32 s18, $0x1FC;
	[tilespmem:s16+$0x810 ss:$0x81] =	vst.msk $0xffff, v2;
	s20 =	smov.u32 s18;
	s18 =	sadd.s32 $0x4, s18  }
.Ltmp3:
0x33: {  	v2 =	vld [tilespmem:s19+$0xFFFFFFF0];
	[tilespmem:s16+$0x1020 ss:$0x81] =	vst.msk $0xffff, v0;
	(pc) =	sbr.rel @p1 .LBB1_3-.Ltmp3, $4  }
0x34: {  	v0 =	vld [tilespmem:s19+$0x0];
	[tilespmem:s16+$0x0 ss:$0x81] =	vst.msk $0xffff, v1  }
0x35: {  	s16 =	sshra.s32 s20, $0x2;
	v1 =	vld [tilespmem:s19+$0xFFFFFFE0]  }
0x36: {  	s16 =	sadd.s32 s16, s17  }
0x37: {  	s19 =	sadd.s32 $0x40, s19;
	[tilespmem:s16+$0x1830 ss:$0x81] =	vst.msk $0xffff, v3  }
.Ltmp4:
0x38: {  	_ = 	snop;
	(pc) =	sbr.rel .LBB1_4-.Ltmp4, $1  }
0x39: {  	_ =	sdelay $0x3  }
.LBB1_6:
0x3a: {  	_ =	sfence.sel $0x180000  }
0x3b: {  	s2 =	simm.s32 $0x1;
	[bflag:$0x0] =	sbarrier.arrive $0xFFFF  }
0x3c: {  	s31 =	simm.s32 $0x2;
	[sflag:s2] =	ssyncpa.u1 $0x1  }
0x3d: {  	[sflag:s31] =	ssyncpa.u1 $0x1  }
0x3e: {  	p0 =	sne.s32 s0, $0x0;
	_ =	strace $0x9000004A  }
0x3f: {  	s0 =	sadd.s32 @!p0 $0x100000, s1;
	[bflag:$0x2] =	sbarrier.arrive $0xFFFF  }
0x40: {  	[sflag:s0] =	ssyncadd.tile.s32 @!p0 $0x1;
	_ =	shalt  }
.Lfunc_end1:
_tile_overlayer_lowered:
.L_overlay_start_2:
0x41: {  	(tag) =	ssettag $0x2  }
0x42: {  	s0 =	rddreg [dreg:$0x0];
	s2 =	stileid.u32  }
0x43: {  	s1 =	rddreg [dreg:$0x1];
	p0 =	sne.s32 s2, $0x0  }
0x44: {  	s3 =	rddreg [dreg:$0x2];
	[bflag:$0x3] =	sbarrier.arrive $0xFFFF;
	s2 =	simm.s32 @!p0 $0x1C01  }
0x45: {  	[timem:s3], [sflag:s2] =	dma.local @!p0 [hbm:s0], s1  }
0x46: {  	s0 =	simm.s32 @!p0 $0x1  }
0x47: {  	_ =	swait.ge @!p0 [sflag:s0], s1  }
0x48: {  	s1 =	ssub.s32 @!p0 $0x0, s1;
	[sflag:s0] =	ssyncset.done @!p0 $0x0  }
0x49: {  	[sflag:s0] =	ssyncadd.s32 @!p0 s1  }
0x4a: {  	[bflag:$0x3] =	sbarrier.arrive $0xFFFF  }
0x4b: {  	_ =	shalt  }

</sc_bundles>
